<compile_context>
chip_gen: v7x
topology: tpu7x:2x2x1
jax: 0.10.2.dev20260603
libtpu: 0.0.44.dev20260713+nightly
codegen_flags: <defaults>
</compile_context>

<pallas_src>
import functools

import jax
import jax.numpy as jnp
from jax import lax
from jax.experimental import pallas as pl
from jax.experimental.pallas import tpu as pltpu
from jax.experimental.pallas import tpu_sc as plsc

N = 10000
E = 320000
F_IN = 128
HID = 64

NCORES = 2
NSUB = 16
NW = NCORES * NSUB
CHUNK = 128
NBUF = 8
KCH = 80
E_PAD = NW * CHUNK * KCH
NP = 10112
ROWS_PER_TILE = NP // NSUB
DEG_W = 16


def _sc_degree_body(dst_hbm, ones_hbm, zeros_hbm, out_hbm,
                    didx, ones_v, sem, acc):
    c = lax.axis_index("c")
    s = lax.axis_index("s")
    wid = s * NCORES + c
    r0 = s * ROWS_PER_TILE
    pltpu.sync_copy(zeros_hbm.at[pl.ds(r0, ROWS_PER_TILE)],
                    acc.at[pl.ds(r0, ROWS_PER_TILE)])
    pltpu.sync_copy(ones_hbm, ones_v)
    pltpu.sync_copy(dst_hbm.at[wid], didx)
    plsc.subcore_barrier()

    def body(j, carry):
        cps = []
        for b in range(NBUF):
            cps.append(pltpu.async_copy(
                ones_v, acc.at[didx.at[j * NBUF + b]], sem, add=True))
        for cp in cps:
            cp.wait()
        return carry

    lax.fori_loop(0, KCH // NBUF, body, 0)
    plsc.subcore_barrier()
    pltpu.sync_copy(acc.at[pl.ds(r0, ROWS_PER_TILE)],
                    out_hbm.at[c, pl.ds(r0, ROWS_PER_TILE)])


@functools.cache
def _sc_degree():
    mesh = plsc.VectorSubcoreMesh(core_axis_name="c", subcore_axis_name="s")
    return pl.kernel(
        _sc_degree_body,
        out_type=jax.ShapeDtypeStruct((NCORES, NP, DEG_W), jnp.float32),
        mesh=mesh,
        scratch_types=[
            pltpu.VMEM((KCH, CHUNK), jnp.int32),
            pltpu.VMEM((CHUNK, DEG_W), jnp.float32),
            pltpu.SemaphoreType.DMA,
            pltpu.VMEM_SHARED((NP, DEG_W), jnp.float32),
        ],
        compiler_params=pltpu.CompilerParams(use_tc_tiling_on_sc=False),
    )


def _sc_scatter_body(g_hbm, src_hbm, dst_hbm, zeros_hbm, out_hbm,
                     sidx, didx, rows, gsem, ssem, acc):
    c = lax.axis_index("c")
    s = lax.axis_index("s")
    wid = s * NCORES + c
    r0 = s * ROWS_PER_TILE
    pltpu.sync_copy(zeros_hbm.at[pl.ds(r0, ROWS_PER_TILE)],
                    acc.at[pl.ds(r0, ROWS_PER_TILE)])
    pltpu.sync_copy(src_hbm.at[wid], sidx)
    pltpu.sync_copy(dst_hbm.at[wid], didx)
    plsc.subcore_barrier()

    def body(j, carry):
        base = j * NBUF
        gs = [pltpu.async_copy(g_hbm.at[sidx.at[base + b]], rows.at[b],
                               gsem.at[b])
              for b in range(NBUF)]
        ss = []
        for b in range(NBUF):
            gs[b].wait()
            ss.append(pltpu.async_copy(
                rows.at[b], acc.at[didx.at[base + b]], ssem.at[b], add=True))
        for cp in ss:
            cp.wait()
        return carry

    lax.fori_loop(0, KCH // NBUF, body, 0)
    plsc.subcore_barrier()
    pltpu.sync_copy(acc.at[pl.ds(r0, ROWS_PER_TILE)],
                    out_hbm.at[c, pl.ds(r0, ROWS_PER_TILE)])


@functools.cache
def _sc_scatter():
    mesh = plsc.VectorSubcoreMesh(core_axis_name="c", subcore_axis_name="s")
    return pl.kernel(
        _sc_scatter_body,
        out_type=jax.ShapeDtypeStruct((NCORES, NP, HID), jnp.float32),
        mesh=mesh,
        scratch_types=[
            pltpu.VMEM((KCH, CHUNK), jnp.int32),
            pltpu.VMEM((KCH, CHUNK), jnp.int32),
            pltpu.VMEM((NBUF, CHUNK, HID), jnp.float32),
            pltpu.SemaphoreType.DMA((NBUF,)),
            pltpu.SemaphoreType.DMA((NBUF,)),
            pltpu.VMEM_SHARED((NP, HID), jnp.float32),
        ],
        compiler_params=pltpu.CompilerParams(use_tc_tiling_on_sc=False),
    )


def _tc_h1_body(x_ref, w1_ref, o_ref):
    o_ref[...] = jnp.dot(x_ref[...], w1_ref[...],
                         preferred_element_type=jnp.float32)


def _tc_norm_body(degp_ref, h1_ref, g1_ref, dinv_ref):
    deg = degp_ref[0, :, 0:1] + degp_ref[1, :, 0:1] + 1.0
    dinv = lax.rsqrt(deg)
    dinv_ref[...] = dinv
    g1_ref[...] = h1_ref[...] * dinv


def _tc_layer2_body(accp_ref, g1_ref, dinv_ref, b1_ref, w2_ref, g2_ref):
    dinv = dinv_ref[...]
    h = accp_ref[0] + accp_ref[1] + g1_ref[...]
    out1 = jnp.maximum(dinv * h + b1_ref[...], 0.0)
    h2 = jnp.dot(out1, w2_ref[...], preferred_element_type=jnp.float32)
    row = lax.broadcasted_iota(jnp.int32, (NP, 1), 0)
    g2_ref[...] = jnp.where(row < N, h2 * dinv, 0.0)


def _tc_heads_body(accp_ref, g2_ref, dinv_ref, b2_ref, wa_ref, ba_ref,
                   wc_ref, bc_ref, logits_ref, value_ref):
    dinv = dinv_ref[...]
    h = accp_ref[0] + accp_ref[1] + g2_ref[...]
    out2 = jnp.maximum(dinv * h + b2_ref[...], 0.0)
    row = lax.broadcasted_iota(jnp.int32, (NP, 1), 0)
    out2m = jnp.where(row < N, out2, 0.0)
    logits_ref[...] = jnp.dot(out2, wa_ref[...],
                              preferred_element_type=jnp.float32) + ba_ref[...]
    gmean = jnp.sum(out2m, axis=0, keepdims=True) * (1.0 / N)
    value_ref[...] = jnp.dot(gmean, wc_ref[...],
                             preferred_element_type=jnp.float32) + bc_ref[...]


def kernel(x, edge_index, W1, b1, W2, b2, Wa, ba, Wc, bc):
    f32 = jnp.float32
    src = edge_index[0]
    dst = edge_index[1]
    pad = jnp.full((E_PAD - E,), N, dtype=jnp.int32)
    src_p = jnp.concatenate([src, pad]).reshape(NW, KCH, CHUNK)
    dst_p = jnp.concatenate([dst, pad]).reshape(NW, KCH, CHUNK)
    x_p = jnp.zeros((NP, F_IN), f32).at[:N].set(x)

    zeros_deg = jnp.zeros((NP, DEG_W), f32)
    zeros_hid = jnp.zeros((NP, HID), f32)
    ones_blk = jnp.ones((CHUNK, DEG_W), f32)

    h1 = pl.pallas_call(
        _tc_h1_body,
        out_shape=jax.ShapeDtypeStruct((NP, HID), f32),
    )(x_p, W1)

    deg_parts = _sc_degree()(dst_p, ones_blk, zeros_deg)

    g1, dinv = pl.pallas_call(
        _tc_norm_body,
        out_shape=(jax.ShapeDtypeStruct((NP, HID), f32),
                   jax.ShapeDtypeStruct((NP, 1), f32)),
    )(deg_parts, h1)

    acc1 = _sc_scatter()(g1, src_p, dst_p, zeros_hid)

    g2 = pl.pallas_call(
        _tc_layer2_body,
        out_shape=jax.ShapeDtypeStruct((NP, HID), f32),
    )(acc1, g1, dinv, b1.reshape(1, HID), W2)

    acc2 = _sc_scatter()(g2, src_p, dst_p, zeros_hid)

    logits, value = pl.pallas_call(
        _tc_heads_body,
        out_shape=(jax.ShapeDtypeStruct((NP, 1), f32),
                   jax.ShapeDtypeStruct((1, 1), f32)),
    )(acc2, g2, dinv, b2.reshape(1, HID), Wa, ba.reshape(1, 1),
      Wc, bc.reshape(1, 1))

    return (logits[:N, 0], value)

# --- scband reference (transcript-rebuilt; emitter-appended) ---
"""Pipeline reference for scband-gnnpolicy-88459146428956 (READ-ONLY COPY).

The authoritative reference and input builder live on the scoring server;
editing this copy changes nothing except your own understanding.
"""

import jax, jax.numpy as jnp
import numpy as np

N = 10000
E = 320000
F_IN = 128
H = 64


def setup_inputs(seed: int = 0) -> dict:
    key = jax.random.key(seed)
    ks = jax.random.split(key, 12)
    x = jax.random.normal(ks[0], (N, F_IN), dtype=jnp.float32)
    edge_index = jax.random.randint(ks[1], (2, E), 0, N, dtype=jnp.int32)
    W1 = jax.random.normal(ks[2], (F_IN, H), dtype=jnp.float32) / np.sqrt(F_IN)
    b1 = jnp.zeros((H,), dtype=jnp.float32)
    W2 = jax.random.normal(ks[3], (H, H), dtype=jnp.float32) / np.sqrt(H)
    b2 = jnp.zeros((H,), dtype=jnp.float32)
    Wa = jax.random.normal(ks[4], (H, 1), dtype=jnp.float32) / np.sqrt(H)
    ba = jnp.zeros((1,), dtype=jnp.float32)
    Wc = jax.random.normal(ks[5], (H, 1), dtype=jnp.float32) / np.sqrt(H)
    bc = jnp.zeros((1,), dtype=jnp.float32)
    return {"x": x, "edge_index": edge_index, "W1": W1, "b1": b1, "W2": W2, "b2": b2, "Wa": Wa, "ba": ba, "Wc": Wc, "bc": bc}


def _gcn_conv(x, edge_index, W, b):
    n = x.shape[0]
    src = edge_index[0]
    dst = edge_index[1]
    # add self-loops (GCNConv default)
    sl = jnp.arange(n, dtype=edge_index.dtype)
    src = jnp.concatenate([src, sl], axis=0)
    dst = jnp.concatenate([dst, sl], axis=0)
    # symmetric normalization D^-1/2 (A+I) D^-1/2 with degree counted on dst
    deg = jnp.zeros((n,), dtype=x.dtype).at[dst].add(1.0)
    dinv = jnp.where(deg > 0, jax.lax.rsqrt(jnp.maximum(deg, 1e-12)), 0.0)
    norm = dinv[src] * dinv[dst]
    h = x @ W
    msg = h[src] * norm[:, None]
    out = jnp.zeros((n, W.shape[1]), dtype=x.dtype).at[dst].add(msg)
    return out + b


def reference(x, edge_index, W1, b1, W2, b2, Wa, ba, Wc, bc):
    h = jax.nn.relu(_gcn_conv(x, edge_index, W1, b1))
    # dropout p=0.1 is identity in eval mode
    h = jax.nn.relu(_gcn_conv(h, edge_index, W2, b2))
    action_logits = (h @ Wa + ba).squeeze(-1)
    # batch=None -> all nodes in graph 0 -> global mean pool over all nodes
    graph_embed = jnp.mean(h, axis=0, keepdims=True)
    value = graph_embed @ Wc + bc
    return (action_logits, value)

if __name__ == "__main__":
    import jax
    _d = setup_inputs()
    print(jax.jit(kernel)(*tuple(_d.values())))

</pallas_src>

<mosaic_0001>
#map = affine_map<(d0, d1) -> (0, 0)>
#map1 = affine_map<(d0, d1) -> (0, 0, 0)>
module attributes {stable_mosaic.version = 14 : i64} {
  func.func @_sc_scatter_body(%arg0: i32, %arg1: i32, %arg2: memref<10112x64xf32, #tpu.memory_space<hbm>>, %arg3: memref<32x80x128xi32, #tpu.memory_space<hbm>>, %arg4: memref<32x80x128xi32, #tpu.memory_space<hbm>>, %arg5: memref<10112x64xf32, #tpu.memory_space<hbm>>, %arg6: memref<2x10112x64xf32, #tpu.memory_space<hbm>>, %arg7: memref<80x128xi32, #tpu.memory_space<vmem>>, %arg8: memref<80x128xi32, #tpu.memory_space<vmem>>, %arg9: memref<8x128x64xf32, #tpu.memory_space<vmem>>, %arg10: memref<8x!tpu.dma_semaphore, #tpu.memory_space<semaphore_mem>>, %arg11: memref<8x!tpu.dma_semaphore, #tpu.memory_space<semaphore_mem>>, %arg12: memref<10112x64xf32, #tpu.memory_space<vmem_shared>>) attributes {dimension_semantics = [#tpu.dimension_semantics<core_parallel>, #tpu.dimension_semantics<subcore_parallel>], iteration_bounds = array<i64: 2, 16>, scalar_prefetch = 0 : i64, scratch_operands = 6 : i64, tpu.core_type = #tpu.core_type<sc_vector_subcore>, window_params = [{transform_indices = #map}, {transform_indices = #map1}, {transform_indices = #map1}, {transform_indices = #map}, {transform_indices = #map1}]} {
    %mul3A = arith.constant 2 : i32
    %mul3A_0 = arith.muli %arg1, %mul3A : i32
    %add3A = arith.addi %mul3A_0, %arg0 : i32
    %mul3A_1 = arith.constant 632 : i32
    %mul3A_2 = arith.muli %arg1, %mul3A_1 : i32
    "tpu.region"() ({
      %run_scoped3A = tpu.sem_alloc : memref<!tpu.dma_semaphore, #tpu.memory_space<semaphore_mem>>
      %dma_start3A = arith.constant 0 : i32
      %dma_start3A_9 = tpu.memref_slice %arg12[%mul3A_2, %dma_start3A] : memref<10112x64xf32, #tpu.memory_space<vmem_shared>> -> memref<632x64xf32, #tpu.memory_space<vmem_shared>>
      %dma_start3A_10 = arith.constant 0 : i32
      %dma_start3A_11 = tpu.memref_slice %arg5[%mul3A_2, %dma_start3A_10] : memref<10112x64xf32, #tpu.memory_space<hbm>> -> memref<632x64xf32, #tpu.memory_space<hbm>>
      tpu.enqueue_dma source(%dma_start3A_11 : memref<632x64xf32, #tpu.memory_space<hbm>>) target(%dma_start3A_9 : memref<632x64xf32, #tpu.memory_space<vmem_shared>>) target_semaphore(%run_scoped3A : memref<!tpu.dma_semaphore, #tpu.memory_space<semaphore_mem>>)
      %dma_wait3A = arith.constant 0 : i32
      %dma_wait3A_12 = tpu.memref_slice %arg12[%mul3A_2, %dma_wait3A] : memref<10112x64xf32, #tpu.memory_space<vmem_shared>> -> memref<632x64xf32, #tpu.memory_space<vmem_shared>>
      %dma_wait3A_13 = arith.constant 0 : i32
      %dma_wait3A_14 = tpu.memref_slice %arg5[%mul3A_2, %dma_wait3A_13] : memref<10112x64xf32, #tpu.memory_space<hbm>> -> memref<632x64xf32, #tpu.memory_space<hbm>>
      tpu.wait_dma2 semaphore(%run_scoped3A : memref<!tpu.dma_semaphore, #tpu.memory_space<semaphore_mem>>) src(%dma_wait3A_14 : memref<632x64xf32, #tpu.memory_space<hbm>>) dst(%dma_wait3A_12 : memref<632x64xf32, #tpu.memory_space<vmem_shared>>)
      tpu.yield
    }) : () -> ()
    "tpu.region"() ({
      %run_scoped3A = tpu.sem_alloc : memref<!tpu.dma_semaphore, #tpu.memory_space<semaphore_mem>>
      %dma_start3A = arith.constant 0 : i32
      %dma_start3A_9 = arith.constant 0 : i32
      %dma_start3A_10 = tpu.memref_slice %arg3[%add3A, %dma_start3A, %dma_start3A_9] : memref<32x80x128xi32, #tpu.memory_space<hbm>> -> memref<1x80x128xi32, #tpu.memory_space<hbm>>
      %dma_start3A_11 = tpu.memref_squeeze %dma_start3A_10 : memref<1x80x128xi32, #tpu.memory_space<hbm>> -> memref<80x128xi32, #tpu.memory_space<hbm>>
      %dma_start3A_12 = arith.constant 0 : i32
      %dma_start3A_13 = arith.constant 0 : i32
      %dma_start3A_14 = tpu.memref_slice %arg3[%add3A, %dma_start3A_12, %dma_start3A_13] : memref<32x80x128xi32, #tpu.memory_space<hbm>> -> memref<1x80x128xi32, #tpu.memory_space<hbm>>
      %dma_start3A_15 = tpu.memref_squeeze %dma_start3A_14 : memref<1x80x128xi32, #tpu.memory_space<hbm>> -> memref<80x128xi32, #tpu.memory_space<hbm>>
      tpu.enqueue_dma source(%dma_start3A_15 : memref<80x128xi32, #tpu.memory_space<hbm>>) target(%arg7 : memref<80x128xi32, #tpu.memory_space<vmem>>) target_semaphore(%run_scoped3A : memref<!tpu.dma_semaphore, #tpu.memory_space<semaphore_mem>>)
      %dma_wait3A = arith.constant 0 : i32
      %dma_wait3A_16 = arith.constant 0 : i32
      %dma_wait3A_17 = tpu.memref_slice %arg3[%add3A, %dma_wait3A, %dma_wait3A_16] : memref<32x80x128xi32, #tpu.memory_space<hbm>> -> memref<1x80x128xi32, #tpu.memory_space<hbm>>
      %dma_wait3A_18 = tpu.memref_squeeze %dma_wait3A_17 : memref<1x80x128xi32, #tpu.memory_space<hbm>> -> memref<80x128xi32, #tpu.memory_space<hbm>>
      %dma_wait3A_19 = arith.constant 0 : i32
      %dma_wait3A_20 = arith.constant 0 : i32
      %dma_wait3A_21 = tpu.memref_slice %arg3[%add3A, %dma_wait3A_19, %dma_wait3A_20] : memref<32x80x128xi32, #tpu.memory_space<hbm>> -> memref<1x80x128xi32, #tpu.memory_space<hbm>>
      %dma_wait3A_22 = tpu.memref_squeeze %dma_wait3A_21 : memref<1x80x128xi32, #tpu.memory_space<hbm>> -> memref<80x128xi32, #tpu.memory_space<hbm>>
      tpu.wait_dma2 semaphore(%run_scoped3A : memref<!tpu.dma_semaphore, #tpu.memory_space<semaphore_mem>>) src(%dma_wait3A_22 : memref<80x128xi32, #tpu.memory_space<hbm>>) dst(%arg7 : memref<80x128xi32, #tpu.memory_space<vmem>>)
      tpu.yield
    }) : () -> ()
    "tpu.region"() ({
      %run_scoped3A = tpu.sem_alloc : memref<!tpu.dma_semaphore, #tpu.memory_space<semaphore_mem>>
      %dma_start3A = arith.constant 0 : i32
      %dma_start3A_9 = arith.constant 0 : i32
      %dma_start3A_10 = tpu.memref_slice %arg4[%add3A, %dma_start3A, %dma_start3A_9] : memref<32x80x128xi32, #tpu.memory_space<hbm>> -> memref<1x80x128xi32, #tpu.memory_space<hbm>>
      %dma_start3A_11 = tpu.memref_squeeze %dma_start3A_10 : memref<1x80x128xi32, #tpu.memory_space<hbm>> -> memref<80x128xi32, #tpu.memory_space<hbm>>
      %dma_start3A_12 = arith.constant 0 : i32
      %dma_start3A_13 = arith.constant 0 : i32
      %dma_start3A_14 = tpu.memref_slice %arg4[%add3A, %dma_start3A_12, %dma_start3A_13] : memref<32x80x128xi32, #tpu.memory_space<hbm>> -> memref<1x80x128xi32, #tpu.memory_space<hbm>>
      %dma_start3A_15 = tpu.memref_squeeze %dma_start3A_14 : memref<1x80x128xi32, #tpu.memory_space<hbm>> -> memref<80x128xi32, #tpu.memory_space<hbm>>
      tpu.enqueue_dma source(%dma_start3A_15 : memref<80x128xi32, #tpu.memory_space<hbm>>) target(%arg8 : memref<80x128xi32, #tpu.memory_space<vmem>>) target_semaphore(%run_scoped3A : memref<!tpu.dma_semaphore, #tpu.memory_space<semaphore_mem>>)
      %dma_wait3A = arith.constant 0 : i32
      %dma_wait3A_16 = arith.constant 0 : i32
      %dma_wait3A_17 = tpu.memref_slice %arg4[%add3A, %dma_wait3A, %dma_wait3A_16] : memref<32x80x128xi32, #tpu.memory_space<hbm>> -> memref<1x80x128xi32, #tpu.memory_space<hbm>>
      %dma_wait3A_18 = tpu.memref_squeeze %dma_wait3A_17 : memref<1x80x128xi32, #tpu.memory_space<hbm>> -> memref<80x128xi32, #tpu.memory_space<hbm>>
      %dma_wait3A_19 = arith.constant 0 : i32
      %dma_wait3A_20 = arith.constant 0 : i32
      %dma_wait3A_21 = tpu.memref_slice %arg4[%add3A, %dma_wait3A_19, %dma_wait3A_20] : memref<32x80x128xi32, #tpu.memory_space<hbm>> -> memref<1x80x128xi32, #tpu.memory_space<hbm>>
      %dma_wait3A_22 = tpu.memref_squeeze %dma_wait3A_21 : memref<1x80x128xi32, #tpu.memory_space<hbm>> -> memref<80x128xi32, #tpu.memory_space<hbm>>
      tpu.wait_dma2 semaphore(%run_scoped3A : memref<!tpu.dma_semaphore, #tpu.memory_space<semaphore_mem>>) src(%dma_wait3A_22 : memref<80x128xi32, #tpu.memory_space<hbm>>) dst(%arg8 : memref<80x128xi32, #tpu.memory_space<vmem>>)
      tpu.yield
    }) : () -> ()
    %barrier3A = arith.constant 0 : index
    tpu.barrier barrier_id(%barrier3A)
    %scan3A = arith.constant 0 : i32
    %scan3A_3 = arith.constant 0 : i32
    %scan3A_4 = arith.constant 10 : i32
    %scan3A_5 = arith.addi %scan3A_3, %scan3A_4 : i32
    %scan3A_6 = arith.constant 1 : i32
    scf.for %scan3A_9 = %scan3A_3 to %scan3A_5 step %scan3A_6  : i32 {
      %mul3A_10 = arith.constant 8 : i32
      %mul3A_11 = arith.muli %scan3A_9, %mul3A_10 : i32
      %add3A_12 = arith.constant 0 : i32
      %add3A_13 = arith.addi %mul3A_11, %add3A_12 : i32
      %dma_start3A = arith.constant 0 : i32
      %dma_start3A_14 = arith.constant 0 : i32
      %dma_start3A_15 = arith.constant 0 : i32
      %dma_start3A_16 = arith.constant 0 : i32
      %dma_start3A_17 = tpu.memref_slice %arg9[%dma_start3A, %dma_start3A_15, %dma_start3A_16] : memref<8x128x64xf32, #tpu.memory_space<vmem>> -> memref<1x128x64xf32, #tpu.memory_space<vmem>>
      %dma_start3A_18 = tpu.memref_squeeze %dma_start3A_17 : memref<1x128x64xf32, #tpu.memory_space<vmem>> -> memref<128x64xf32, #tpu.memory_space<vmem>>
      %dma_start3A_19 = arith.constant 0 : i32
      %dma_start3A_20 = tpu.memref_slice %arg7[%add3A_13, %dma_start3A_19] : memref<80x128xi32, #tpu.memory_space<vmem>> -> memref<1x128xi32, #tpu.memory_space<vmem>>
      %dma_start3A_21 = tpu.memref_squeeze %dma_start3A_20 : memref<1x128xi32, #tpu.memory_space<vmem>> -> memref<128xi32, #tpu.memory_space<vmem>>
      %dma_start3A_22 = arith.constant 0 : i32
      %dma_start3A_23 = arith.constant 0 : i32
      %dma_start3A_24 = tpu.memref_slice %arg2[%dma_start3A_22, %dma_start3A_23] : memref<10112x64xf32, #tpu.memory_space<hbm>> -> memref<10112x64xf32, #tpu.memory_space<hbm>>
      %dma_start3A_25 = tpu.memref_slice %arg10[%dma_start3A_14] : memref<8x!tpu.dma_semaphore, #tpu.memory_space<semaphore_mem>> -> memref<1x!tpu.dma_semaphore, #tpu.memory_space<semaphore_mem>>
      %dma_start3A_26 = tpu.memref_squeeze %dma_start3A_25 : memref<1x!tpu.dma_semaphore, #tpu.memory_space<semaphore_mem>> -> memref<!tpu.dma_semaphore, #tpu.memory_space<semaphore_mem>>
      tpu.enqueue_indirect_dma source(%dma_start3A_24 : memref<10112x64xf32, #tpu.memory_space<hbm>>) target(%dma_start3A_18 : memref<128x64xf32, #tpu.memory_space<vmem>>) offsets(%dma_start3A_21 : memref<128xi32, #tpu.memory_space<vmem>>) semaphore(%dma_start3A_26 : memref<!tpu.dma_semaphore, #tpu.memory_space<semaphore_mem>>)
      %add3A_27 = arith.constant 1 : i32
      %add3A_28 = arith.addi %mul3A_11, %add3A_27 : i32
      %dma_start3A_29 = arith.constant 1 : i32
      %dma_start3A_30 = arith.constant 1 : i32
      %dma_start3A_31 = arith.constant 0 : i32
      %dma_start3A_32 = arith.constant 0 : i32
      %dma_start3A_33 = tpu.memref_slice %arg9[%dma_start3A_29, %dma_start3A_31, %dma_start3A_32] : memref<8x128x64xf32, #tpu.memory_space<vmem>> -> memref<1x128x64xf32, #tpu.memory_space<vmem>>
      %dma_start3A_34 = tpu.memref_squeeze %dma_start3A_33 : memref<1x128x64xf32, #tpu.memory_space<vmem>> -> memref<128x64xf32, #tpu.memory_space<vmem>>
      %dma_start3A_35 = arith.constant 0 : i32
      %dma_start3A_36 = tpu.memref_slice %arg7[%add3A_28, %dma_start3A_35] : memref<80x128xi32, #tpu.memory_space<vmem>> -> memref<1x128xi32, #tpu.memory_space<vmem>>
      %dma_start3A_37 = tpu.memref_squeeze %dma_start3A_36 : memref<1x128xi32, #tpu.memory_space<vmem>> -> memref<128xi32, #tpu.memory_space<vmem>>
      %dma_start3A_38 = arith.constant 0 : i32
      %dma_start3A_39 = arith.constant 0 : i32
      %dma_start3A_40 = tpu.memref_slice %arg2[%dma_start3A_38, %dma_start3A_39] : memref<10112x64xf32, #tpu.memory_space<hbm>> -> memref<10112x64xf32, #tpu.memory_space<hbm>>
      %dma_start3A_41 = tpu.memref_slice %arg10[%dma_start3A_30] : memref<8x!tpu.dma_semaphore, #tpu.memory_space<semaphore_mem>> -> memref<1x!tpu.dma_semaphore, #tpu.memory_space<semaphore_mem>>
      %dma_start3A_42 = tpu.memref_squeeze %dma_start3A_41 : memref<1x!tpu.dma_semaphore, #tpu.memory_space<semaphore_mem>> -> memref<!tpu.dma_semaphore, #tpu.memory_space<semaphore_mem>>
      tpu.enqueue_indirect_dma source(%dma_start3A_40 : memref<10112x64xf32, #tpu.memory_space<hbm>>) target(%dma_start3A_34 : memref<128x64xf32, #tpu.memory_space<vmem>>) offsets(%dma_start3A_37 : memref<128xi32, #tpu.memory_space<vmem>>) semaphore(%dma_start3A_42 : memref<!tpu.dma_semaphore, #tpu.memory_space<semaphore_mem>>)
      %add3A_43 = arith.constant 2 : i32
      %add3A_44 = arith.addi %mul3A_11, %add3A_43 : i32
      %dma_start3A_45 = arith.constant 2 : i32
      %dma_start3A_46 = arith.constant 2 : i32
      %dma_start3A_47 = arith.constant 0 : i32
      %dma_start3A_48 = arith.constant 0 : i32
      %dma_start3A_49 = tpu.memref_slice %arg9[%dma_start3A_45, %dma_start3A_47, %dma_start3A_48] : memref<8x128x64xf32, #tpu.memory_space<vmem>> -> memref<1x128x64xf32, #tpu.memory_space<vmem>>
      %dma_start3A_50 = tpu.memref_squeeze %dma_start3A_49 : memref<1x128x64xf32, #tpu.memory_space<vmem>> -> memref<128x64xf32, #tpu.memory_space<vmem>>
      %dma_start3A_51 = arith.constant 0 : i32
      %dma_start3A_52 = tpu.memref_slice %arg7[%add3A_44, %dma_start3A_51] : memref<80x128xi32, #tpu.memory_space<vmem>> -> memref<1x128xi32, #tpu.memory_space<vmem>>
      %dma_start3A_53 = tpu.memref_squeeze %dma_start3A_52 : memref<1x128xi32, #tpu.memory_space<vmem>> -> memref<128xi32, #tpu.memory_space<vmem>>
      %dma_start3A_54 = arith.constant 0 : i32
      %dma_start3A_55 = arith.constant 0 : i32
      %dma_start3A_56 = tpu.memref_slice %arg2[%dma_start3A_54, %dma_start3A_55] : memref<10112x64xf32, #tpu.memory_space<hbm>> -> memref<10112x64xf32, #tpu.memory_space<hbm>>
      %dma_start3A_57 = tpu.memref_slice %arg10[%dma_start3A_46] : memref<8x!tpu.dma_semaphore, #tpu.memory_space<semaphore_mem>> -> memref<1x!tpu.dma_semaphore, #tpu.memory_space<semaphore_mem>>
      %dma_start3A_58 = tpu.memref_squeeze %dma_start3A_57 : memref<1x!tpu.dma_semaphore, #tpu.memory_space<semaphore_mem>> -> memref<!tpu.dma_semaphore, #tpu.memory_space<semaphore_mem>>
      tpu.enqueue_indirect_dma source(%dma_start3A_56 : memref<10112x64xf32, #tpu.memory_space<hbm>>) target(%dma_start3A_50 : memref<128x64xf32, #tpu.memory_space<vmem>>) offsets(%dma_start3A_53 : memref<128xi32, #tpu.memory_space<vmem>>) semaphore(%dma_start3A_58 : memref<!tpu.dma_semaphore, #tpu.memory_space<semaphore_mem>>)
      %add3A_59 = arith.constant 3 : i32
      %add3A_60 = arith.addi %mul3A_11, %add3A_59 : i32
      %dma_start3A_61 = arith.constant 3 : i32
      %dma_start3A_62 = arith.constant 3 : i32
      %dma_start3A_63 = arith.constant 0 : i32
      %dma_start3A_64 = arith.constant 0 : i32
      %dma_start3A_65 = tpu.memref_slice %arg9[%dma_start3A_61, %dma_start3A_63, %dma_start3A_64] : memref<8x128x64xf32, #tpu.memory_space<vmem>> -> memref<1x128x64xf32, #tpu.memory_space<vmem>>
      %dma_start3A_66 = tpu.memref_squeeze %dma_start3A_65 : memref<1x128x64xf32, #tpu.memory_space<vmem>> -> memref<128x64xf32, #tpu.memory_space<vmem>>
      %dma_start3A_67 = arith.constant 0 : i32
      %dma_start3A_68 = tpu.memref_slice %arg7[%add3A_60, %dma_start3A_67] : memref<80x128xi32, #tpu.memory_space<vmem>> -> memref<1x128xi32, #tpu.memory_space<vmem>>
      %dma_start3A_69 = tpu.memref_squeeze %dma_start3A_68 : memref<1x128xi32, #tpu.memory_space<vmem>> -> memref<128xi32, #tpu.memory_space<vmem>>
      %dma_start3A_70 = arith.constant 0 : i32
      %dma_start3A_71 = arith.constant 0 : i32
      %dma_start3A_72 = tpu.memref_slice %arg2[%dma_start3A_70, %dma_start3A_71] : memref<10112x64xf32, #tpu.memory_space<hbm>> -> memref<10112x64xf32, #tpu.memory_space<hbm>>
      %dma_start3A_73 = tpu.memref_slice %arg10[%dma_start3A_62] : memref<8x!tpu.dma_semaphore, #tpu.memory_space<semaphore_mem>> -> memref<1x!tpu.dma_semaphore, #tpu.memory_space<semaphore_mem>>
      %dma_start3A_74 = tpu.memref_squeeze %dma_start3A_73 : memref<1x!tpu.dma_semaphore, #tpu.memory_space<semaphore_mem>> -> memref<!tpu.dma_semaphore, #tpu.memory_space<semaphore_mem>>
      tpu.enqueue_indirect_dma source(%dma_start3A_72 : memref<10112x64xf32, #tpu.memory_space<hbm>>) target(%dma_start3A_66 : memref<128x64xf32, #tpu.memory_space<vmem>>) offsets(%dma_start3A_69 : memref<128xi32, #tpu.memory_space<vmem>>) semaphore(%dma_start3A_74 : memref<!tpu.dma_semaphore, #tpu.memory_space<semaphore_mem>>)
      %add3A_75 = arith.constant 4 : i32
      %add3A_76 = arith.addi %mul3A_11, %add3A_75 : i32
      %dma_start3A_77 = arith.constant 4 : i32
      %dma_start3A_78 = arith.constant 4 : i32
      %dma_start3A_79 = arith.constant 0 : i32
      %dma_start3A_80 = arith.constant 0 : i32
      %dma_start3A_81 = tpu.memref_slice %arg9[%dma_start3A_77, %dma_start3A_79, %dma_start3A_80] : memref<8x128x64xf32, #tpu.memory_space<vmem>> -> memref<1x128x64xf32, #tpu.memory_space<vmem>>
      %dma_start3A_82 = tpu.memref_squeeze %dma_start3A_81 : memref<1x128x64xf32, #tpu.memory_space<vmem>> -> memref<128x64xf32, #tpu.memory_space<vmem>>
      %dma_start3A_83 = arith.constant 0 : i32
      %dma_start3A_84 = tpu.memref_slice %arg7[%add3A_76, %dma_start3A_83] : memref<80x128xi32, #tpu.memory_space<vmem>> -> memref<1x128xi32, #tpu.memory_space<vmem>>
      %dma_start3A_85 = tpu.memref_squeeze %dma_start3A_84 : memref<1x128xi32, #tpu.memory_space<vmem>> -> memref<128xi32, #tpu.memory_space<vmem>>
      %dma_start3A_86 = arith.constant 0 : i32
      %dma_start3A_87 = arith.constant 0 : i32
      %dma_start3A_88 = tpu.memref_slice %arg2[%dma_start3A_86, %dma_start3A_87] : memref<10112x64xf32, #tpu.memory_space<hbm>> -> memref<10112x64xf32, #tpu.memory_space<hbm>>
      %dma_start3A_89 = tpu.memref_slice %arg10[%dma_start3A_78] : memref<8x!tpu.dma_semaphore, #tpu.memory_space<semaphore_mem>> -> memref<1x!tpu.dma_semaphore, #tpu.memory_space<semaphore_mem>>
      %dma_start3A_90 = tpu.memref_squeeze %dma_start3A_89 : memref<1x!tpu.dma_semaphore, #tpu.memory_space<semaphore_mem>> -> memref<!tpu.dma_semaphore, #tpu.memory_space<semaphore_mem>>
      tpu.enqueue_indirect_dma source(%dma_start3A_88 : memref<10112x64xf32, #tpu.memory_space<hbm>>) target(%dma_start3A_82 : memref<128x64xf32, #tpu.memory_space<vmem>>) offsets(%dma_start3A_85 : memref<128xi32, #tpu.memory_space<vmem>>) semaphore(%dma_start3A_90 : memref<!tpu.dma_semaphore, #tpu.memory_space<semaphore_mem>>)
      %add3A_91 = arith.constant 5 : i32
      %add3A_92 = arith.addi %mul3A_11, %add3A_91 : i32
      %dma_start3A_93 = arith.constant 5 : i32
      %dma_start3A_94 = arith.constant 5 : i32
      %dma_start3A_95 = arith.constant 0 : i32
      %dma_start3A_96 = arith.constant 0 : i32
      %dma_start3A_97 = tpu.memref_slice %arg9[%dma_start3A_93, %dma_start3A_95, %dma_start3A_96] : memref<8x128x64xf32, #tpu.memory_space<vmem>> -> memref<1x128x64xf32, #tpu.memory_space<vmem>>
      %dma_start3A_98 = tpu.memref_squeeze %dma_start3A_97 : memref<1x128x64xf32, #tpu.memory_space<vmem>> -> memref<128x64xf32, #tpu.memory_space<vmem>>
      %dma_start3A_99 = arith.constant 0 : i32
      %dma_start3A_100 = tpu.memref_slice %arg7[%add3A_92, %dma_start3A_99] : memref<80x128xi32, #tpu.memory_space<vmem>> -> memref<1x128xi32, #tpu.memory_space<vmem>>
      %dma_start3A_101 = tpu.memref_squeeze %dma_start3A_100 : memref<1x128xi32, #tpu.memory_space<vmem>> -> memref<128xi32, #tpu.memory_space<vmem>>
      %dma_start3A_102 = arith.constant 0 : i32
      %dma_start3A_103 = arith.constant 0 : i32
      %dma_start3A_104 = tpu.memref_slice %arg2[%dma_start3A_102, %dma_start3A_103] : memref<10112x64xf32, #tpu.memory_space<hbm>> -> memref<10112x64xf32, #tpu.memory_space<hbm>>
      %dma_start3A_105 = tpu.memref_slice %arg10[%dma_start3A_94] : memref<8x!tpu.dma_semaphore, #tpu.memory_space<semaphore_mem>> -> memref<1x!tpu.dma_semaphore, #tpu.memory_space<semaphore_mem>>
      %dma_start3A_106 = tpu.memref_squeeze %dma_start3A_105 : memref<1x!tpu.dma_semaphore, #tpu.memory_space<semaphore_mem>> -> memref<!tpu.dma_semaphore, #tpu.memory_space<semaphore_mem>>
      tpu.enqueue_indirect_dma source(%dma_start3A_104 : memref<10112x64xf32, #tpu.memory_space<hbm>>) target(%dma_start3A_98 : memref<128x64xf32, #tpu.memory_space<vmem>>) offsets(%dma_start3A_101 : memref<128xi32, #tpu.memory_space<vmem>>) semaphore(%dma_start3A_106 : memref<!tpu.dma_semaphore, #tpu.memory_space<semaphore_mem>>)
      %add3A_107 = arith.constant 6 : i32
      %add3A_108 = arith.addi %mul3A_11, %add3A_107 : i32
      %dma_start3A_109 = arith.constant 6 : i32
      %dma_start3A_110 = arith.constant 6 : i32
      %dma_start3A_111 = arith.constant 0 : i32
      %dma_start3A_112 = arith.constant 0 : i32
      %dma_start3A_113 = tpu.memref_slice %arg9[%dma_start3A_109, %dma_start3A_111, %dma_start3A_112] : memref<8x128x64xf32, #tpu.memory_space<vmem>> -> memref<1x128x64xf32, #tpu.memory_space<vmem>>
      %dma_start3A_114 = tpu.memref_squeeze %dma_start3A_113 : memref<1x128x64xf32, #tpu.memory_space<vmem>> -> memref<128x64xf32, #tpu.memory_space<vmem>>
      %dma_start3A_115 = arith.constant 0 : i32
      %dma_start3A_116 = tpu.memref_slice %arg7[%add3A_108, %dma_start3A_115] : memref<80x128xi32, #tpu.memory_space<vmem>> -> memref<1x128xi32, #tpu.memory_space<vmem>>
      %dma_start3A_117 = tpu.memref_squeeze %dma_start3A_116 : memref<1x128xi32, #tpu.memory_space<vmem>> -> memref<128xi32, #tpu.memory_space<vmem>>
      %dma_start3A_118 = arith.constant 0 : i32
      %dma_start3A_119 = arith.constant 0 : i32
      %dma_start3A_120 = tpu.memref_slice %arg2[%dma_start3A_118, %dma_start3A_119] : memref<10112x64xf32, #tpu.memory_space<hbm>> -> memref<10112x64xf32, #tpu.memory_space<hbm>>
      %dma_start3A_121 = tpu.memref_slice %arg10[%dma_start3A_110] : memref<8x!tpu.dma_semaphore, #tpu.memory_space<semaphore_mem>> -> memref<1x!tpu.dma_semaphore, #tpu.memory_space<semaphore_mem>>
      %dma_start3A_122 = tpu.memref_squeeze %dma_start3A_121 : memref<1x!tpu.dma_semaphore, #tpu.memory_space<semaphore_mem>> -> memref<!tpu.dma_semaphore, #tpu.memory_space<semaphore_mem>>
      tpu.enqueue_indirect_dma source(%dma_start3A_120 : memref<10112x64xf32, #tpu.memory_space<hbm>>) target(%dma_start3A_114 : memref<128x64xf32, #tpu.memory_space<vmem>>) offsets(%dma_start3A_117 : memref<128xi32, #tpu.memory_space<vmem>>) semaphore(%dma_start3A_122 : memref<!tpu.dma_semaphore, #tpu.memory_space<semaphore_mem>>)
      %add3A_123 = arith.constant 7 : i32
      %add3A_124 = arith.addi %mul3A_11, %add3A_123 : i32
      %dma_start3A_125 = arith.constant 7 : i32
      %dma_start3A_126 = arith.constant 7 : i32
      %dma_start3A_127 = arith.constant 0 : i32
      %dma_start3A_128 = arith.constant 0 : i32
      %dma_start3A_129 = tpu.memref_slice %arg9[%dma_start3A_125, %dma_start3A_127, %dma_start3A_128] : memref<8x128x64xf32, #tpu.memory_space<vmem>> -> memref<1x128x64xf32, #tpu.memory_space<vmem>>
      %dma_start3A_130 = tpu.memref_squeeze %dma_start3A_129 : memref<1x128x64xf32, #tpu.memory_space<vmem>> -> memref<128x64xf32, #tpu.memory_space<vmem>>
      %dma_start3A_131 = arith.constant 0 : i32
      %dma_start3A_132 = tpu.memref_slice %arg7[%add3A_124, %dma_start3A_131] : memref<80x128xi32, #tpu.memory_space<vmem>> -> memref<1x128xi32, #tpu.memory_space<vmem>>
      %dma_start3A_133 = tpu.memref_squeeze %dma_start3A_132 : memref<1x128xi32, #tpu.memory_space<vmem>> -> memref<128xi32, #tpu.memory_space<vmem>>
      %dma_start3A_134 = arith.constant 0 : i32
      %dma_start3A_135 = arith.constant 0 : i32
      %dma_start3A_136 = tpu.memref_slice %arg2[%dma_start3A_134, %dma_start3A_135] : memref<10112x64xf32, #tpu.memory_space<hbm>> -> memref<10112x64xf32, #tpu.memory_space<hbm>>
      %dma_start3A_137 = tpu.memref_slice %arg10[%dma_start3A_126] : memref<8x!tpu.dma_semaphore, #tpu.memory_space<semaphore_mem>> -> memref<1x!tpu.dma_semaphore, #tpu.memory_space<semaphore_mem>>
      %dma_start3A_138 = tpu.memref_squeeze %dma_start3A_137 : memref<1x!tpu.dma_semaphore, #tpu.memory_space<semaphore_mem>> -> memref<!tpu.dma_semaphore, #tpu.memory_space<semaphore_mem>>
      tpu.enqueue_indirect_dma source(%dma_start3A_136 : memref<10112x64xf32, #tpu.memory_space<hbm>>) target(%dma_start3A_130 : memref<128x64xf32, #tpu.memory_space<vmem>>) offsets(%dma_start3A_133 : memref<128xi32, #tpu.memory_space<vmem>>) semaphore(%dma_start3A_138 : memref<!tpu.dma_semaphore, #tpu.memory_space<semaphore_mem>>)
      %dma_wait3A = arith.constant 0 : i32
      %dma_wait3A_139 = arith.constant 0 : i32
      %dma_wait3A_140 = arith.constant 0 : i32
      %dma_wait3A_141 = arith.constant 0 : i32
      %dma_wait3A_142 = tpu.memref_slice %arg9[%dma_wait3A, %dma_wait3A_140, %dma_wait3A_141] : memref<8x128x64xf32, #tpu.memory_space<vmem>> -> memref<1x128x64xf32, #tpu.memory_space<vmem>>
      %dma_wait3A_143 = tpu.memref_squeeze %dma_wait3A_142 : memref<1x128x64xf32, #tpu.memory_space<vmem>> -> memref<128x64xf32, #tpu.memory_space<vmem>>
      %dma_wait3A_144 = arith.constant 0 : i32
      %dma_wait3A_145 = tpu.memref_slice %arg7[%add3A_13, %dma_wait3A_144] : memref<80x128xi32, #tpu.memory_space<vmem>> -> memref<1x128xi32, #tpu.memory_space<vmem>>
      %dma_wait3A_146 = tpu.memref_squeeze %dma_wait3A_145 : memref<1x128xi32, #tpu.memory_space<vmem>> -> memref<128xi32, #tpu.memory_space<vmem>>
      %dma_wait3A_147 = arith.constant 0 : i32
      %dma_wait3A_148 = arith.constant 0 : i32
      %dma_wait3A_149 = tpu.memref_slice %arg2[%dma_wait3A_147, %dma_wait3A_148] : memref<10112x64xf32, #tpu.memory_space<hbm>> -> memref<10112x64xf32, #tpu.memory_space<hbm>>
      %dma_wait3A_150 = tpu.memref_slice %arg10[%dma_wait3A_139] : memref<8x!tpu.dma_semaphore, #tpu.memory_space<semaphore_mem>> -> memref<1x!tpu.dma_semaphore, #tpu.memory_space<semaphore_mem>>
      %dma_wait3A_151 = tpu.memref_squeeze %dma_wait3A_150 : memref<1x!tpu.dma_semaphore, #tpu.memory_space<semaphore_mem>> -> memref<!tpu.dma_semaphore, #tpu.memory_space<semaphore_mem>>
      tpu.wait_indirect_dma semaphore(%dma_wait3A_151 : memref<!tpu.dma_semaphore, #tpu.memory_space<semaphore_mem>>) src(%dma_wait3A_149 : memref<10112x64xf32, #tpu.memory_space<hbm>>) dst(%dma_wait3A_143 : memref<128x64xf32, #tpu.memory_space<vmem>>)
      %add3A_152 = arith.constant 0 : i32
      %add3A_153 = arith.addi %mul3A_11, %add3A_152 : i32
      %dma_start3A_154 = arith.constant 0 : i32
      %dma_start3A_155 = arith.constant 0 : i32
      %dma_start3A_156 = arith.constant 0 : i32
      %dma_start3A_157 = arith.constant 0 : i32
      %dma_start3A_158 = tpu.memref_slice %arg9[%dma_start3A_154, %dma_start3A_156, %dma_start3A_157] : memref<8x128x64xf32, #tpu.memory_space<vmem>> -> memref<1x128x64xf32, #tpu.memory_space<vmem>>
      %dma_start3A_159 = tpu.memref_squeeze %dma_start3A_158 : memref<1x128x64xf32, #tpu.memory_space<vmem>> -> memref<128x64xf32, #tpu.memory_space<vmem>>
      %dma_start3A_160 = arith.constant 0 : i32
      %dma_start3A_161 = tpu.memref_slice %arg8[%add3A_153, %dma_start3A_160] : memref<80x128xi32, #tpu.memory_space<vmem>> -> memref<1x128xi32, #tpu.memory_space<vmem>>
      %dma_start3A_162 = tpu.memref_squeeze %dma_start3A_161 : memref<1x128xi32, #tpu.memory_space<vmem>> -> memref<128xi32, #tpu.memory_space<vmem>>
      %dma_start3A_163 = arith.constant 0 : i32
      %dma_start3A_164 = arith.constant 0 : i32
      %dma_start3A_165 = tpu.memref_slice %arg12[%dma_start3A_163, %dma_start3A_164] : memref<10112x64xf32, #tpu.memory_space<vmem_shared>> -> memref<10112x64xf32, #tpu.memory_space<vmem_shared>>
      %dma_start3A_166 = tpu.memref_slice %arg11[%dma_start3A_155] : memref<8x!tpu.dma_semaphore, #tpu.memory_space<semaphore_mem>> -> memref<1x!tpu.dma_semaphore, #tpu.memory_space<semaphore_mem>>
      %dma_start3A_167 = tpu.memref_squeeze %dma_start3A_166 : memref<1x!tpu.dma_semaphore, #tpu.memory_space<semaphore_mem>> -> memref<!tpu.dma_semaphore, #tpu.memory_space<semaphore_mem>>
      tpu.enqueue_indirect_dma source(%dma_start3A_159 : memref<128x64xf32, #tpu.memory_space<vmem>>) target(%dma_start3A_165 : memref<10112x64xf32, #tpu.memory_space<vmem_shared>>) offsets(%dma_start3A_162 : memref<128xi32, #tpu.memory_space<vmem>>) semaphore(%dma_start3A_167 : memref<!tpu.dma_semaphore, #tpu.memory_space<semaphore_mem>>) {add = true}
      %dma_wait3A_168 = arith.constant 1 : i32
      %dma_wait3A_169 = arith.constant 1 : i32
      %dma_wait3A_170 = arith.constant 0 : i32
      %dma_wait3A_171 = arith.constant 0 : i32
      %dma_wait3A_172 = tpu.memref_slice %arg9[%dma_wait3A_168, %dma_wait3A_170, %dma_wait3A_171] : memref<8x128x64xf32, #tpu.memory_space<vmem>> -> memref<1x128x64xf32, #tpu.memory_space<vmem>>
      %dma_wait3A_173 = tpu.memref_squeeze %dma_wait3A_172 : memref<1x128x64xf32, #tpu.memory_space<vmem>> -> memref<128x64xf32, #tpu.memory_space<vmem>>
      %dma_wait3A_174 = arith.constant 0 : i32
      %dma_wait3A_175 = tpu.memref_slice %arg7[%add3A_28, %dma_wait3A_174] : memref<80x128xi32, #tpu.memory_space<vmem>> -> memref<1x128xi32, #tpu.memory_space<vmem>>
      %dma_wait3A_176 = tpu.memref_squeeze %dma_wait3A_175 : memref<1x128xi32, #tpu.memory_space<vmem>> -> memref<128xi32, #tpu.memory_space<vmem>>
      %dma_wait3A_177 = arith.constant 0 : i32
      %dma_wait3A_178 = arith.constant 0 : i32
      %dma_wait3A_179 = tpu.memref_slice %arg2[%dma_wait3A_177, %dma_wait3A_178] : memref<10112x64xf32, #tpu.memory_space<hbm>> -> memref<10112x64xf32, #tpu.memory_space<hbm>>
      %dma_wait3A_180 = tpu.memref_slice %arg10[%dma_wait3A_169] : memref<8x!tpu.dma_semaphore, #tpu.memory_space<semaphore_mem>> -> memref<1x!tpu.dma_semaphore, #tpu.memory_space<semaphore_mem>>
      %dma_wait3A_181 = tpu.memref_squeeze %dma_wait3A_180 : memref<1x!tpu.dma_semaphore, #tpu.memory_space<semaphore_mem>> -> memref<!tpu.dma_semaphore, #tpu.memory_space<semaphore_mem>>
      tpu.wait_indirect_dma semaphore(%dma_wait3A_181 : memref<!tpu.dma_semaphore, #tpu.memory_space<semaphore_mem>>) src(%dma_wait3A_179 : memref<10112x64xf32, #tpu.memory_space<hbm>>) dst(%dma_wait3A_173 : memref<128x64xf32, #tpu.memory_space<vmem>>)
      %add3A_182 = arith.constant 1 : i32
      %add3A_183 = arith.addi %mul3A_11, %add3A_182 : i32
      %dma_start3A_184 = arith.constant 1 : i32
      %dma_start3A_185 = arith.constant 1 : i32
      %dma_start3A_186 = arith.constant 0 : i32
      %dma_start3A_187 = arith.constant 0 : i32
      %dma_start3A_188 = tpu.memref_slice %arg9[%dma_start3A_184, %dma_start3A_186, %dma_start3A_187] : memref<8x128x64xf32, #tpu.memory_space<vmem>> -> memref<1x128x64xf32, #tpu.memory_space<vmem>>
      %dma_start3A_189 = tpu.memref_squeeze %dma_start3A_188 : memref<1x128x64xf32, #tpu.memory_space<vmem>> -> memref<128x64xf32, #tpu.memory_space<vmem>>
      %dma_start3A_190 = arith.constant 0 : i32
      %dma_start3A_191 = tpu.memref_slice %arg8[%add3A_183, %dma_start3A_190] : memref<80x128xi32, #tpu.memory_space<vmem>> -> memref<1x128xi32, #tpu.memory_space<vmem>>
      %dma_start3A_192 = tpu.memref_squeeze %dma_start3A_191 : memref<1x128xi32, #tpu.memory_space<vmem>> -> memref<128xi32, #tpu.memory_space<vmem>>
      %dma_start3A_193 = arith.constant 0 : i32
      %dma_start3A_194 = arith.constant 0 : i32
      %dma_start3A_195 = tpu.memref_slice %arg12[%dma_start3A_193, %dma_start3A_194] : memref<10112x64xf32, #tpu.memory_space<vmem_shared>> -> memref<10112x64xf32, #tpu.memory_space<vmem_shared>>
      %dma_start3A_196 = tpu.memref_slice %arg11[%dma_start3A_185] : memref<8x!tpu.dma_semaphore, #tpu.memory_space<semaphore_mem>> -> memref<1x!tpu.dma_semaphore, #tpu.memory_space<semaphore_mem>>
      %dma_start3A_197 = tpu.memref_squeeze %dma_start3A_196 : memref<1x!tpu.dma_semaphore, #tpu.memory_space<semaphore_mem>> -> memref<!tpu.dma_semaphore, #tpu.memory_space<semaphore_mem>>
      tpu.enqueue_indirect_dma source(%dma_start3A_189 : memref<128x64xf32, #tpu.memory_space<vmem>>) target(%dma_start3A_195 : memref<10112x64xf32, #tpu.memory_space<vmem_shared>>) offsets(%dma_start3A_192 : memref<128xi32, #tpu.memory_space<vmem>>) semaphore(%dma_start3A_197 : memref<!tpu.dma_semaphore, #tpu.memory_space<semaphore_mem>>) {add = true}
      %dma_wait3A_198 = arith.constant 2 : i32
      %dma_wait3A_199 = arith.constant 2 : i32
      %dma_wait3A_200 = arith.constant 0 : i32
      %dma_wait3A_201 = arith.constant 0 : i32
      %dma_wait3A_202 = tpu.memref_slice %arg9[%dma_wait3A_198, %dma_wait3A_200, %dma_wait3A_201] : memref<8x128x64xf32, #tpu.memory_space<vmem>> -> memref<1x128x64xf32, #tpu.memory_space<vmem>>
      %dma_wait3A_203 = tpu.memref_squeeze %dma_wait3A_202 : memref<1x128x64xf32, #tpu.memory_space<vmem>> -> memref<128x64xf32, #tpu.memory_space<vmem>>
      %dma_wait3A_204 = arith.constant 0 : i32
      %dma_wait3A_205 = tpu.memref_slice %arg7[%add3A_44, %dma_wait3A_204] : memref<80x128xi32, #tpu.memory_space<vmem>> -> memref<1x128xi32, #tpu.memory_space<vmem>>
      %dma_wait3A_206 = tpu.memref_squeeze %dma_wait3A_205 : memref<1x128xi32, #tpu.memory_space<vmem>> -> memref<128xi32, #tpu.memory_space<vmem>>
      %dma_wait3A_207 = arith.constant 0 : i32
      %dma_wait3A_208 = arith.constant 0 : i32
      %dma_wait3A_209 = tpu.memref_slice %arg2[%dma_wait3A_207, %dma_wait3A_208] : memref<10112x64xf32, #tpu.memory_space<hbm>> -> memref<10112x64xf32, #tpu.memory_space<hbm>>
      %dma_wait3A_210 = tpu.memref_slice %arg10[%dma_wait3A_199] : memref<8x!tpu.dma_semaphore, #tpu.memory_space<semaphore_mem>> -> memref<1x!tpu.dma_semaphore, #tpu.memory_space<semaphore_mem>>
      %dma_wait3A_211 = tpu.memref_squeeze %dma_wait3A_210 : memref<1x!tpu.dma_semaphore, #tpu.memory_space<semaphore_mem>> -> memref<!tpu.dma_semaphore, #tpu.memory_space<semaphore_mem>>
      tpu.wait_indirect_dma semaphore(%dma_wait3A_211 : memref<!tpu.dma_semaphore, #tpu.memory_space<semaphore_mem>>) src(%dma_wait3A_209 : memref<10112x64xf32, #tpu.memory_space<hbm>>) dst(%dma_wait3A_203 : memref<128x64xf32, #tpu.memory_space<vmem>>)
      %add3A_212 = arith.constant 2 : i32
      %add3A_213 = arith.addi %mul3A_11, %add3A_212 : i32
      %dma_start3A_214 = arith.constant 2 : i32
      %dma_start3A_215 = arith.constant 2 : i32
      %dma_start3A_216 = arith.constant 0 : i32
      %dma_start3A_217 = arith.constant 0 : i32
      %dma_start3A_218 = tpu.memref_slice %arg9[%dma_start3A_214, %dma_start3A_216, %dma_start3A_217] : memref<8x128x64xf32, #tpu.memory_space<vmem>> -> memref<1x128x64xf32, #tpu.memory_space<vmem>>
      %dma_start3A_219 = tpu.memref_squeeze %dma_start3A_218 : memref<1x128x64xf32, #tpu.memory_space<vmem>> -> memref<128x64xf32, #tpu.memory_space<vmem>>
      %dma_start3A_220 = arith.constant 0 : i32
      %dma_start3A_221 = tpu.memref_slice %arg8[%add3A_213, %dma_start3A_220] : memref<80x128xi32, #tpu.memory_space<vmem>> -> memref<1x128xi32, #tpu.memory_space<vmem>>
      %dma_start3A_222 = tpu.memref_squeeze %dma_start3A_221 : memref<1x128xi32, #tpu.memory_space<vmem>> -> memref<128xi32, #tpu.memory_space<vmem>>
      %dma_start3A_223 = arith.constant 0 : i32
      %dma_start3A_224 = arith.constant 0 : i32
      %dma_start3A_225 = tpu.memref_slice %arg12[%dma_start3A_223, %dma_start3A_224] : memref<10112x64xf32, #tpu.memory_space<vmem_shared>> -> memref<10112x64xf32, #tpu.memory_space<vmem_shared>>
      %dma_start3A_226 = tpu.memref_slice %arg11[%dma_start3A_215] : memref<8x!tpu.dma_semaphore, #tpu.memory_space<semaphore_mem>> -> memref<1x!tpu.dma_semaphore, #tpu.memory_space<semaphore_mem>>
      %dma_start3A_227 = tpu.memref_squeeze %dma_start3A_226 : memref<1x!tpu.dma_semaphore, #tpu.memory_space<semaphore_mem>> -> memref<!tpu.dma_semaphore, #tpu.memory_space<semaphore_mem>>
      tpu.enqueue_indirect_dma source(%dma_start3A_219 : memref<128x64xf32, #tpu.memory_space<vmem>>) target(%dma_start3A_225 : memref<10112x64xf32, #tpu.memory_space<vmem_shared>>) offsets(%dma_start3A_222 : memref<128xi32, #tpu.memory_space<vmem>>) semaphore(%dma_start3A_227 : memref<!tpu.dma_semaphore, #tpu.memory_space<semaphore_mem>>) {add = true}
      %dma_wait3A_228 = arith.constant 3 : i32
      %dma_wait3A_229 = arith.constant 3 : i32
      %dma_wait3A_230 = arith.constant 0 : i32
      %dma_wait3A_231 = arith.constant 0 : i32
      %dma_wait3A_232 = tpu.memref_slice %arg9[%dma_wait3A_228, %dma_wait3A_230, %dma_wait3A_231] : memref<8x128x64xf32, #tpu.memory_space<vmem>> -> memref<1x128x64xf32, #tpu.memory_space<vmem>>
      %dma_wait3A_233 = tpu.memref_squeeze %dma_wait3A_232 : memref<1x128x64xf32, #tpu.memory_space<vmem>> -> memref<128x64xf32, #tpu.memory_space<vmem>>
      %dma_wait3A_234 = arith.constant 0 : i32
      %dma_wait3A_235 = tpu.memref_slice %arg7[%add3A_60, %dma_wait3A_234] : memref<80x128xi32, #tpu.memory_space<vmem>> -> memref<1x128xi32, #tpu.memory_space<vmem>>
      %dma_wait3A_236 = tpu.memref_squeeze %dma_wait3A_235 : memref<1x128xi32, #tpu.memory_space<vmem>> -> memref<128xi32, #tpu.memory_space<vmem>>
      %dma_wait3A_237 = arith.constant 0 : i32
      %dma_wait3A_238 = arith.constant 0 : i32
      %dma_wait3A_239 = tpu.memref_slice %arg2[%dma_wait3A_237, %dma_wait3A_238] : memref<10112x64xf32, #tpu.memory_space<hbm>> -> memref<10112x64xf32, #tpu.memory_space<hbm>>
      %dma_wait3A_240 = tpu.memref_slice %arg10[%dma_wait3A_229] : memref<8x!tpu.dma_semaphore, #tpu.memory_space<semaphore_mem>> -> memref<1x!tpu.dma_semaphore, #tpu.memory_space<semaphore_mem>>
      %dma_wait3A_241 = tpu.memref_squeeze %dma_wait3A_240 : memref<1x!tpu.dma_semaphore, #tpu.memory_space<semaphore_mem>> -> memref<!tpu.dma_semaphore, #tpu.memory_space<semaphore_mem>>
      tpu.wait_indirect_dma semaphore(%dma_wait3A_241 : memref<!tpu.dma_semaphore, #tpu.memory_space<semaphore_mem>>) src(%dma_wait3A_239 : memref<10112x64xf32, #tpu.memory_space<hbm>>) dst(%dma_wait3A_233 : memref<128x64xf32, #tpu.memory_space<vmem>>)
      %add3A_242 = arith.constant 3 : i32
      %add3A_243 = arith.addi %mul3A_11, %add3A_242 : i32
      %dma_start3A_244 = arith.constant 3 : i32
      %dma_start3A_245 = arith.constant 3 : i32
      %dma_start3A_246 = arith.constant 0 : i32
      %dma_start3A_247 = arith.constant 0 : i32
      %dma_start3A_248 = tpu.memref_slice %arg9[%dma_start3A_244, %dma_start3A_246, %dma_start3A_247] : memref<8x128x64xf32, #tpu.memory_space<vmem>> -> memref<1x128x64xf32, #tpu.memory_space<vmem>>
      %dma_start3A_249 = tpu.memref_squeeze %dma_start3A_248 : memref<1x128x64xf32, #tpu.memory_space<vmem>> -> memref<128x64xf32, #tpu.memory_space<vmem>>
      %dma_start3A_250 = arith.constant 0 : i32
      %dma_start3A_251 = tpu.memref_slice %arg8[%add3A_243, %dma_start3A_250] : memref<80x128xi32, #tpu.memory_space<vmem>> -> memref<1x128xi32, #tpu.memory_space<vmem>>
      %dma_start3A_252 = tpu.memref_squeeze %dma_start3A_251 : memref<1x128xi32, #tpu.memory_space<vmem>> -> memref<128xi32, #tpu.memory_space<vmem>>
      %dma_start3A_253 = arith.constant 0 : i32
      %dma_start3A_254 = arith.constant 0 : i32
      %dma_start3A_255 = tpu.memref_slice %arg12[%dma_start3A_253, %dma_start3A_254] : memref<10112x64xf32, #tpu.memory_space<vmem_shared>> -> memref<10112x64xf32, #tpu.memory_space<vmem_shared>>
      %dma_start3A_256 = tpu.memref_slice %arg11[%dma_start3A_245] : memref<8x!tpu.dma_semaphore, #tpu.memory_space<semaphore_mem>> -> memref<1x!tpu.dma_semaphore, #tpu.memory_space<semaphore_mem>>
      %dma_start3A_257 = tpu.memref_squeeze %dma_start3A_256 : memref<1x!tpu.dma_semaphore, #tpu.memory_space<semaphore_mem>> -> memref<!tpu.dma_semaphore, #tpu.memory_space<semaphore_mem>>
      tpu.enqueue_indirect_dma source(%dma_start3A_249 : memref<128x64xf32, #tpu.memory_space<vmem>>) target(%dma_start3A_255 : memref<10112x64xf32, #tpu.memory_space<vmem_shared>>) offsets(%dma_start3A_252 : memref<128xi32, #tpu.memory_space<vmem>>) semaphore(%dma_start3A_257 : memref<!tpu.dma_semaphore, #tpu.memory_space<semaphore_mem>>) {add = true}
      %dma_wait3A_258 = arith.constant 4 : i32
      %dma_wait3A_259 = arith.constant 4 : i32
      %dma_wait3A_260 = arith.constant 0 : i32
      %dma_wait3A_261 = arith.constant 0 : i32
      %dma_wait3A_262 = tpu.memref_slice %arg9[%dma_wait3A_258, %dma_wait3A_260, %dma_wait3A_261] : memref<8x128x64xf32, #tpu.memory_space<vmem>> -> memref<1x128x64xf32, #tpu.memory_space<vmem>>
      %dma_wait3A_263 = tpu.memref_squeeze %dma_wait3A_262 : memref<1x128x64xf32, #tpu.memory_space<vmem>> -> memref<128x64xf32, #tpu.memory_space<vmem>>
      %dma_wait3A_264 = arith.constant 0 : i32
      %dma_wait3A_265 = tpu.memref_slice %arg7[%add3A_76, %dma_wait3A_264] : memref<80x128xi32, #tpu.memory_space<vmem>> -> memref<1x128xi32, #tpu.memory_space<vmem>>
      %dma_wait3A_266 = tpu.memref_squeeze %dma_wait3A_265 : memref<1x128xi32, #tpu.memory_space<vmem>> -> memref<128xi32, #tpu.memory_space<vmem>>
      %dma_wait3A_267 = arith.constant 0 : i32
      %dma_wait3A_268 = arith.constant 0 : i32
      %dma_wait3A_269 = tpu.memref_slice %arg2[%dma_wait3A_267, %dma_wait3A_268] : memref<10112x64xf32, #tpu.memory_space<hbm>> -> memref<10112x64xf32, #tpu.memory_space<hbm>>
      %dma_wait3A_270 = tpu.memref_slice %arg10[%dma_wait3A_259] : memref<8x!tpu.dma_semaphore, #tpu.memory_space<semaphore_mem>> -> memref<1x!tpu.dma_semaphore, #tpu.memory_space<semaphore_mem>>
      %dma_wait3A_271 = tpu.memref_squeeze %dma_wait3A_270 : memref<1x!tpu.dma_semaphore, #tpu.memory_space<semaphore_mem>> -> memref<!tpu.dma_semaphore, #tpu.memory_space<semaphore_mem>>
      tpu.wait_indirect_dma semaphore(%dma_wait3A_271 : memref<!tpu.dma_semaphore, #tpu.memory_space<semaphore_mem>>) src(%dma_wait3A_269 : memref<10112x64xf32, #tpu.memory_space<hbm>>) dst(%dma_wait3A_263 : memref<128x64xf32, #tpu.memory_space<vmem>>)
      %add3A_272 = arith.constant 4 : i32
      %add3A_273 = arith.addi %mul3A_11, %add3A_272 : i32
      %dma_start3A_274 = arith.constant 4 : i32
      %dma_start3A_275 = arith.constant 4 : i32
      %dma_start3A_276 = arith.constant 0 : i32
      %dma_start3A_277 = arith.constant 0 : i32
      %dma_start3A_278 = tpu.memref_slice %arg9[%dma_start3A_274, %dma_start3A_276, %dma_start3A_277] : memref<8x128x64xf32, #tpu.memory_space<vmem>> -> memref<1x128x64xf32, #tpu.memory_space<vmem>>
      %dma_start3A_279 = tpu.memref_squeeze %dma_start3A_278 : memref<1x128x64xf32, #tpu.memory_space<vmem>> -> memref<128x64xf32, #tpu.memory_space<vmem>>
      %dma_start3A_280 = arith.constant 0 : i32
      %dma_start3A_281 = tpu.memref_slice %arg8[%add3A_273, %dma_start3A_280] : memref<80x128xi32, #tpu.memory_space<vmem>> -> memref<1x128xi32, #tpu.memory_space<vmem>>
      %dma_start3A_282 = tpu.memref_squeeze %dma_start3A_281 : memref<1x128xi32, #tpu.memory_space<vmem>> -> memref<128xi32, #tpu.memory_space<vmem>>
      %dma_start3A_283 = arith.constant 0 : i32
      %dma_start3A_284 = arith.constant 0 : i32
      %dma_start3A_285 = tpu.memref_slice %arg12[%dma_start3A_283, %dma_start3A_284] : memref<10112x64xf32, #tpu.memory_space<vmem_shared>> -> memref<10112x64xf32, #tpu.memory_space<vmem_shared>>
      %dma_start3A_286 = tpu.memref_slice %arg11[%dma_start3A_275] : memref<8x!tpu.dma_semaphore, #tpu.memory_space<semaphore_mem>> -> memref<1x!tpu.dma_semaphore, #tpu.memory_space<semaphore_mem>>
      %dma_start3A_287 = tpu.memref_squeeze %dma_start3A_286 : memref<1x!tpu.dma_semaphore, #tpu.memory_space<semaphore_mem>> -> memref<!tpu.dma_semaphore, #tpu.memory_space<semaphore_mem>>
      tpu.enqueue_indirect_dma source(%dma_start3A_279 : memref<128x64xf32, #tpu.memory_space<vmem>>) target(%dma_start3A_285 : memref<10112x64xf32, #tpu.memory_space<vmem_shared>>) offsets(%dma_start3A_282 : memref<128xi32, #tpu.memory_space<vmem>>) semaphore(%dma_start3A_287 : memref<!tpu.dma_semaphore, #tpu.memory_space<semaphore_mem>>) {add = true}
      %dma_wait3A_288 = arith.constant 5 : i32
      %dma_wait3A_289 = arith.constant 5 : i32
      %dma_wait3A_290 = arith.constant 0 : i32
      %dma_wait3A_291 = arith.constant 0 : i32
      %dma_wait3A_292 = tpu.memref_slice %arg9[%dma_wait3A_288, %dma_wait3A_290, %dma_wait3A_291] : memref<8x128x64xf32, #tpu.memory_space<vmem>> -> memref<1x128x64xf32, #tpu.memory_space<vmem>>
      %dma_wait3A_293 = tpu.memref_squeeze %dma_wait3A_292 : memref<1x128x64xf32, #tpu.memory_space<vmem>> -> memref<128x64xf32, #tpu.memory_space<vmem>>
      %dma_wait3A_294 = arith.constant 0 : i32
      %dma_wait3A_295 = tpu.memref_slice %arg7[%add3A_92, %dma_wait3A_294] : memref<80x128xi32, #tpu.memory_space<vmem>> -> memref<1x128xi32, #tpu.memory_space<vmem>>
      %dma_wait3A_296 = tpu.memref_squeeze %dma_wait3A_295 : memref<1x128xi32, #tpu.memory_space<vmem>> -> memref<128xi32, #tpu.memory_space<vmem>>
      %dma_wait3A_297 = arith.constant 0 : i32
      %dma_wait3A_298 = arith.constant 0 : i32
      %dma_wait3A_299 = tpu.memref_slice %arg2[%dma_wait3A_297, %dma_wait3A_298] : memref<10112x64xf32, #tpu.memory_space<hbm>> -> memref<10112x64xf32, #tpu.memory_space<hbm>>
      %dma_wait3A_300 = tpu.memref_slice %arg10[%dma_wait3A_289] : memref<8x!tpu.dma_semaphore, #tpu.memory_space<semaphore_mem>> -> memref<1x!tpu.dma_semaphore, #tpu.memory_space<semaphore_mem>>
      %dma_wait3A_301 = tpu.memref_squeeze %dma_wait3A_300 : memref<1x!tpu.dma_semaphore, #tpu.memory_space<semaphore_mem>> -> memref<!tpu.dma_semaphore, #tpu.memory_space<semaphore_mem>>
      tpu.wait_indirect_dma semaphore(%dma_wait3A_301 : memref<!tpu.dma_semaphore, #tpu.memory_space<semaphore_mem>>) src(%dma_wait3A_299 : memref<10112x64xf32, #tpu.memory_space<hbm>>) dst(%dma_wait3A_293 : memref<128x64xf32, #tpu.memory_space<vmem>>)
      %add3A_302 = arith.constant 5 : i32
      %add3A_303 = arith.addi %mul3A_11, %add3A_302 : i32
      %dma_start3A_304 = arith.constant 5 : i32
      %dma_start3A_305 = arith.constant 5 : i32
      %dma_start3A_306 = arith.constant 0 : i32
      %dma_start3A_307 = arith.constant 0 : i32
      %dma_start3A_308 = tpu.memref_slice %arg9[%dma_start3A_304, %dma_start3A_306, %dma_start3A_307] : memref<8x128x64xf32, #tpu.memory_space<vmem>> -> memref<1x128x64xf32, #tpu.memory_space<vmem>>
      %dma_start3A_309 = tpu.memref_squeeze %dma_start3A_308 : memref<1x128x64xf32, #tpu.memory_space<vmem>> -> memref<128x64xf32, #tpu.memory_space<vmem>>
      %dma_start3A_310 = arith.constant 0 : i32
      %dma_start3A_311 = tpu.memref_slice %arg8[%add3A_303, %dma_start3A_310] : memref<80x128xi32, #tpu.memory_space<vmem>> -> memref<1x128xi32, #tpu.memory_space<vmem>>
      %dma_start3A_312 = tpu.memref_squeeze %dma_start3A_311 : memref<1x128xi32, #tpu.memory_space<vmem>> -> memref<128xi32, #tpu.memory_space<vmem>>
      %dma_start3A_313 = arith.constant 0 : i32
      %dma_start3A_314 = arith.constant 0 : i32
      %dma_start3A_315 = tpu.memref_slice %arg12[%dma_start3A_313, %dma_start3A_314] : memref<10112x64xf32, #tpu.memory_space<vmem_shared>> -> memref<10112x64xf32, #tpu.memory_space<vmem_shared>>
      %dma_start3A_316 = tpu.memref_slice %arg11[%dma_start3A_305] : memref<8x!tpu.dma_semaphore, #tpu.memory_space<semaphore_mem>> -> memref<1x!tpu.dma_semaphore, #tpu.memory_space<semaphore_mem>>
      %dma_start3A_317 = tpu.memref_squeeze %dma_start3A_316 : memref<1x!tpu.dma_semaphore, #tpu.memory_space<semaphore_mem>> -> memref<!tpu.dma_semaphore, #tpu.memory_space<semaphore_mem>>
      tpu.enqueue_indirect_dma source(%dma_start3A_309 : memref<128x64xf32, #tpu.memory_space<vmem>>) target(%dma_start3A_315 : memref<10112x64xf32, #tpu.memory_space<vmem_shared>>) offsets(%dma_start3A_312 : memref<128xi32, #tpu.memory_space<vmem>>) semaphore(%dma_start3A_317 : memref<!tpu.dma_semaphore, #tpu.memory_space<semaphore_mem>>) {add = true}
      %dma_wait3A_318 = arith.constant 6 : i32
      %dma_wait3A_319 = arith.constant 6 : i32
      %dma_wait3A_320 = arith.constant 0 : i32
      %dma_wait3A_321 = arith.constant 0 : i32
      %dma_wait3A_322 = tpu.memref_slice %arg9[%dma_wait3A_318, %dma_wait3A_320, %dma_wait3A_321] : memref<8x128x64xf32, #tpu.memory_space<vmem>> -> memref<1x128x64xf32, #tpu.memory_space<vmem>>
      %dma_wait3A_323 = tpu.memref_squeeze %dma_wait3A_322 : memref<1x128x64xf32, #tpu.memory_space<vmem>> -> memref<128x64xf32, #tpu.memory_space<vmem>>
      %dma_wait3A_324 = arith.constant 0 : i32
      %dma_wait3A_325 = tpu.memref_slice %arg7[%add3A_108, %dma_wait3A_324] : memref<80x128xi32, #tpu.memory_space<vmem>> -> memref<1x128xi32, #tpu.memory_space<vmem>>
      %dma_wait3A_326 = tpu.memref_squeeze %dma_wait3A_325 : memref<1x128xi32, #tpu.memory_space<vmem>> -> memref<128xi32, #tpu.memory_space<vmem>>
      %dma_wait3A_327 = arith.constant 0 : i32
      %dma_wait3A_328 = arith.constant 0 : i32
      %dma_wait3A_329 = tpu.memref_slice %arg2[%dma_wait3A_327, %dma_wait3A_328] : memref<10112x64xf32, #tpu.memory_space<hbm>> -> memref<10112x64xf32, #tpu.memory_space<hbm>>
      %dma_wait3A_330 = tpu.memref_slice %arg10[%dma_wait3A_319] : memref<8x!tpu.dma_semaphore, #tpu.memory_space<semaphore_mem>> -> memref<1x!tpu.dma_semaphore, #tpu.memory_space<semaphore_mem>>
      %dma_wait3A_331 = tpu.memref_squeeze %dma_wait3A_330 : memref<1x!tpu.dma_semaphore, #tpu.memory_space<semaphore_mem>> -> memref<!tpu.dma_semaphore, #tpu.memory_space<semaphore_mem>>
      tpu.wait_indirect_dma semaphore(%dma_wait3A_331 : memref<!tpu.dma_semaphore, #tpu.memory_space<semaphore_mem>>) src(%dma_wait3A_329 : memref<10112x64xf32, #tpu.memory_space<hbm>>) dst(%dma_wait3A_323 : memref<128x64xf32, #tpu.memory_space<vmem>>)
      %add3A_332 = arith.constant 6 : i32
      %add3A_333 = arith.addi %mul3A_11, %add3A_332 : i32
      %dma_start3A_334 = arith.constant 6 : i32
      %dma_start3A_335 = arith.constant 6 : i32
      %dma_start3A_336 = arith.constant 0 : i32
      %dma_start3A_337 = arith.constant 0 : i32
      %dma_start3A_338 = tpu.memref_slice %arg9[%dma_start3A_334, %dma_start3A_336, %dma_start3A_337] : memref<8x128x64xf32, #tpu.memory_space<vmem>> -> memref<1x128x64xf32, #tpu.memory_space<vmem>>
      %dma_start3A_339 = tpu.memref_squeeze %dma_start3A_338 : memref<1x128x64xf32, #tpu.memory_space<vmem>> -> memref<128x64xf32, #tpu.memory_space<vmem>>
      %dma_start3A_340 = arith.constant 0 : i32
      %dma_start3A_341 = tpu.memref_slice %arg8[%add3A_333, %dma_start3A_340] : memref<80x128xi32, #tpu.memory_space<vmem>> -> memref<1x128xi32, #tpu.memory_space<vmem>>
      %dma_start3A_342 = tpu.memref_squeeze %dma_start3A_341 : memref<1x128xi32, #tpu.memory_space<vmem>> -> memref<128xi32, #tpu.memory_space<vmem>>
      %dma_start3A_343 = arith.constant 0 : i32
      %dma_start3A_344 = arith.constant 0 : i32
      %dma_start3A_345 = tpu.memref_slice %arg12[%dma_start3A_343, %dma_start3A_344] : memref<10112x64xf32, #tpu.memory_space<vmem_shared>> -> memref<10112x64xf32, #tpu.memory_space<vmem_shared>>
      %dma_start3A_346 = tpu.memref_slice %arg11[%dma_start3A_335] : memref<8x!tpu.dma_semaphore, #tpu.memory_space<semaphore_mem>> -> memref<1x!tpu.dma_semaphore, #tpu.memory_space<semaphore_mem>>
      %dma_start3A_347 = tpu.memref_squeeze %dma_start3A_346 : memref<1x!tpu.dma_semaphore, #tpu.memory_space<semaphore_mem>> -> memref<!tpu.dma_semaphore, #tpu.memory_space<semaphore_mem>>
      tpu.enqueue_indirect_dma source(%dma_start3A_339 : memref<128x64xf32, #tpu.memory_space<vmem>>) target(%dma_start3A_345 : memref<10112x64xf32, #tpu.memory_space<vmem_shared>>) offsets(%dma_start3A_342 : memref<128xi32, #tpu.memory_space<vmem>>) semaphore(%dma_start3A_347 : memref<!tpu.dma_semaphore, #tpu.memory_space<semaphore_mem>>) {add = true}
      %dma_wait3A_348 = arith.constant 7 : i32
      %dma_wait3A_349 = arith.constant 7 : i32
      %dma_wait3A_350 = arith.constant 0 : i32
      %dma_wait3A_351 = arith.constant 0 : i32
      %dma_wait3A_352 = tpu.memref_slice %arg9[%dma_wait3A_348, %dma_wait3A_350, %dma_wait3A_351] : memref<8x128x64xf32, #tpu.memory_space<vmem>> -> memref<1x128x64xf32, #tpu.memory_space<vmem>>
      %dma_wait3A_353 = tpu.memref_squeeze %dma_wait3A_352 : memref<1x128x64xf32, #tpu.memory_space<vmem>> -> memref<128x64xf32, #tpu.memory_space<vmem>>
      %dma_wait3A_354 = arith.constant 0 : i32
      %dma_wait3A_355 = tpu.memref_slice %arg7[%add3A_124, %dma_wait3A_354] : memref<80x128xi32, #tpu.memory_space<vmem>> -> memref<1x128xi32, #tpu.memory_space<vmem>>
      %dma_wait3A_356 = tpu.memref_squeeze %dma_wait3A_355 : memref<1x128xi32, #tpu.memory_space<vmem>> -> memref<128xi32, #tpu.memory_space<vmem>>
      %dma_wait3A_357 = arith.constant 0 : i32
      %dma_wait3A_358 = arith.constant 0 : i32
      %dma_wait3A_359 = tpu.memref_slice %arg2[%dma_wait3A_357, %dma_wait3A_358] : memref<10112x64xf32, #tpu.memory_space<hbm>> -> memref<10112x64xf32, #tpu.memory_space<hbm>>
      %dma_wait3A_360 = tpu.memref_slice %arg10[%dma_wait3A_349] : memref<8x!tpu.dma_semaphore, #tpu.memory_space<semaphore_mem>> -> memref<1x!tpu.dma_semaphore, #tpu.memory_space<semaphore_mem>>
      %dma_wait3A_361 = tpu.memref_squeeze %dma_wait3A_360 : memref<1x!tpu.dma_semaphore, #tpu.memory_space<semaphore_mem>> -> memref<!tpu.dma_semaphore, #tpu.memory_space<semaphore_mem>>
      tpu.wait_indirect_dma semaphore(%dma_wait3A_361 : memref<!tpu.dma_semaphore, #tpu.memory_space<semaphore_mem>>) src(%dma_wait3A_359 : memref<10112x64xf32, #tpu.memory_space<hbm>>) dst(%dma_wait3A_353 : memref<128x64xf32, #tpu.memory_space<vmem>>)
      %add3A_362 = arith.constant 7 : i32
      %add3A_363 = arith.addi %mul3A_11, %add3A_362 : i32
      %dma_start3A_364 = arith.constant 7 : i32
      %dma_start3A_365 = arith.constant 7 : i32
      %dma_start3A_366 = arith.constant 0 : i32
      %dma_start3A_367 = arith.constant 0 : i32
      %dma_start3A_368 = tpu.memref_slice %arg9[%dma_start3A_364, %dma_start3A_366, %dma_start3A_367] : memref<8x128x64xf32, #tpu.memory_space<vmem>> -> memref<1x128x64xf32, #tpu.memory_space<vmem>>
      %dma_start3A_369 = tpu.memref_squeeze %dma_start3A_368 : memref<1x128x64xf32, #tpu.memory_space<vmem>> -> memref<128x64xf32, #tpu.memory_space<vmem>>
      %dma_start3A_370 = arith.constant 0 : i32
      %dma_start3A_371 = tpu.memref_slice %arg8[%add3A_363, %dma_start3A_370] : memref<80x128xi32, #tpu.memory_space<vmem>> -> memref<1x128xi32, #tpu.memory_space<vmem>>
      %dma_start3A_372 = tpu.memref_squeeze %dma_start3A_371 : memref<1x128xi32, #tpu.memory_space<vmem>> -> memref<128xi32, #tpu.memory_space<vmem>>
      %dma_start3A_373 = arith.constant 0 : i32
      %dma_start3A_374 = arith.constant 0 : i32
      %dma_start3A_375 = tpu.memref_slice %arg12[%dma_start3A_373, %dma_start3A_374] : memref<10112x64xf32, #tpu.memory_space<vmem_shared>> -> memref<10112x64xf32, #tpu.memory_space<vmem_shared>>
      %dma_start3A_376 = tpu.memref_slice %arg11[%dma_start3A_365] : memref<8x!tpu.dma_semaphore, #tpu.memory_space<semaphore_mem>> -> memref<1x!tpu.dma_semaphore, #tpu.memory_space<semaphore_mem>>
      %dma_start3A_377 = tpu.memref_squeeze %dma_start3A_376 : memref<1x!tpu.dma_semaphore, #tpu.memory_space<semaphore_mem>> -> memref<!tpu.dma_semaphore, #tpu.memory_space<semaphore_mem>>
      tpu.enqueue_indirect_dma source(%dma_start3A_369 : memref<128x64xf32, #tpu.memory_space<vmem>>) target(%dma_start3A_375 : memref<10112x64xf32, #tpu.memory_space<vmem_shared>>) offsets(%dma_start3A_372 : memref<128xi32, #tpu.memory_space<vmem>>) semaphore(%dma_start3A_377 : memref<!tpu.dma_semaphore, #tpu.memory_space<semaphore_mem>>) {add = true}
      %dma_wait3A_378 = arith.constant 0 : i32
      %dma_wait3A_379 = arith.constant 0 : i32
      %dma_wait3A_380 = arith.constant 0 : i32
      %dma_wait3A_381 = arith.constant 0 : i32
      %dma_wait3A_382 = tpu.memref_slice %arg9[%dma_wait3A_378, %dma_wait3A_380, %dma_wait3A_381] : memref<8x128x64xf32, #tpu.memory_space<vmem>> -> memref<1x128x64xf32, #tpu.memory_space<vmem>>
      %dma_wait3A_383 = tpu.memref_squeeze %dma_wait3A_382 : memref<1x128x64xf32, #tpu.memory_space<vmem>> -> memref<128x64xf32, #tpu.memory_space<vmem>>
      %dma_wait3A_384 = arith.constant 0 : i32
      %dma_wait3A_385 = tpu.memref_slice %arg8[%add3A_153, %dma_wait3A_384] : memref<80x128xi32, #tpu.memory_space<vmem>> -> memref<1x128xi32, #tpu.memory_space<vmem>>
      %dma_wait3A_386 = tpu.memref_squeeze %dma_wait3A_385 : memref<1x128xi32, #tpu.memory_space<vmem>> -> memref<128xi32, #tpu.memory_space<vmem>>
      %dma_wait3A_387 = arith.constant 0 : i32
      %dma_wait3A_388 = arith.constant 0 : i32
      %dma_wait3A_389 = tpu.memref_slice %arg12[%dma_wait3A_387, %dma_wait3A_388] : memref<10112x64xf32, #tpu.memory_space<vmem_shared>> -> memref<10112x64xf32, #tpu.memory_space<vmem_shared>>
      %dma_wait3A_390 = tpu.memref_slice %arg11[%dma_wait3A_379] : memref<8x!tpu.dma_semaphore, #tpu.memory_space<semaphore_mem>> -> memref<1x!tpu.dma_semaphore, #tpu.memory_space<semaphore_mem>>
      %dma_wait3A_391 = tpu.memref_squeeze %dma_wait3A_390 : memref<1x!tpu.dma_semaphore, #tpu.memory_space<semaphore_mem>> -> memref<!tpu.dma_semaphore, #tpu.memory_space<semaphore_mem>>
      tpu.wait_indirect_dma semaphore(%dma_wait3A_391 : memref<!tpu.dma_semaphore, #tpu.memory_space<semaphore_mem>>) src(%dma_wait3A_383 : memref<128x64xf32, #tpu.memory_space<vmem>>) dst(%dma_wait3A_389 : memref<10112x64xf32, #tpu.memory_space<vmem_shared>>)
      %dma_wait3A_392 = arith.constant 1 : i32
      %dma_wait3A_393 = arith.constant 1 : i32
      %dma_wait3A_394 = arith.constant 0 : i32
      %dma_wait3A_395 = arith.constant 0 : i32
      %dma_wait3A_396 = tpu.memref_slice %arg9[%dma_wait3A_392, %dma_wait3A_394, %dma_wait3A_395] : memref<8x128x64xf32, #tpu.memory_space<vmem>> -> memref<1x128x64xf32, #tpu.memory_space<vmem>>
      %dma_wait3A_397 = tpu.memref_squeeze %dma_wait3A_396 : memref<1x128x64xf32, #tpu.memory_space<vmem>> -> memref<128x64xf32, #tpu.memory_space<vmem>>
      %dma_wait3A_398 = arith.constant 0 : i32
      %dma_wait3A_399 = tpu.memref_slice %arg8[%add3A_183, %dma_wait3A_398] : memref<80x128xi32, #tpu.memory_space<vmem>> -> memref<1x128xi32, #tpu.memory_space<vmem>>
      %dma_wait3A_400 = tpu.memref_squeeze %dma_wait3A_399 : memref<1x128xi32, #tpu.memory_space<vmem>> -> memref<128xi32, #tpu.memory_space<vmem>>
      %dma_wait3A_401 = arith.constant 0 : i32
      %dma_wait3A_402 = arith.constant 0 : i32
      %dma_wait3A_403 = tpu.memref_slice %arg12[%dma_wait3A_401, %dma_wait3A_402] : memref<10112x64xf32, #tpu.memory_space<vmem_shared>> -> memref<10112x64xf32, #tpu.memory_space<vmem_shared>>
      %dma_wait3A_404 = tpu.memref_slice %arg11[%dma_wait3A_393] : memref<8x!tpu.dma_semaphore, #tpu.memory_space<semaphore_mem>> -> memref<1x!tpu.dma_semaphore, #tpu.memory_space<semaphore_mem>>
      %dma_wait3A_405 = tpu.memref_squeeze %dma_wait3A_404 : memref<1x!tpu.dma_semaphore, #tpu.memory_space<semaphore_mem>> -> memref<!tpu.dma_semaphore, #tpu.memory_space<semaphore_mem>>
      tpu.wait_indirect_dma semaphore(%dma_wait3A_405 : memref<!tpu.dma_semaphore, #tpu.memory_space<semaphore_mem>>) src(%dma_wait3A_397 : memref<128x64xf32, #tpu.memory_space<vmem>>) dst(%dma_wait3A_403 : memref<10112x64xf32, #tpu.memory_space<vmem_shared>>)
      %dma_wait3A_406 = arith.constant 2 : i32
      %dma_wait3A_407 = arith.constant 2 : i32
      %dma_wait3A_408 = arith.constant 0 : i32
      %dma_wait3A_409 = arith.constant 0 : i32
      %dma_wait3A_410 = tpu.memref_slice %arg9[%dma_wait3A_406, %dma_wait3A_408, %dma_wait3A_409] : memref<8x128x64xf32, #tpu.memory_space<vmem>> -> memref<1x128x64xf32, #tpu.memory_space<vmem>>
      %dma_wait3A_411 = tpu.memref_squeeze %dma_wait3A_410 : memref<1x128x64xf32, #tpu.memory_space<vmem>> -> memref<128x64xf32, #tpu.memory_space<vmem>>
      %dma_wait3A_412 = arith.constant 0 : i32
      %dma_wait3A_413 = tpu.memref_slice %arg8[%add3A_213, %dma_wait3A_412] : memref<80x128xi32, #tpu.memory_space<vmem>> -> memref<1x128xi32, #tpu.memory_space<vmem>>
      %dma_wait3A_414 = tpu.memref_squeeze %dma_wait3A_413 : memref<1x128xi32, #tpu.memory_space<vmem>> -> memref<128xi32, #tpu.memory_space<vmem>>
      %dma_wait3A_415 = arith.constant 0 : i32
      %dma_wait3A_416 = arith.constant 0 : i32
      %dma_wait3A_417 = tpu.memref_slice %arg12[%dma_wait3A_415, %dma_wait3A_416] : memref<10112x64xf32, #tpu.memory_space<vmem_shared>> -> memref<10112x64xf32, #tpu.memory_space<vmem_shared>>
      %dma_wait3A_418 = tpu.memref_slice %arg11[%dma_wait3A_407] : memref<8x!tpu.dma_semaphore, #tpu.memory_space<semaphore_mem>> -> memref<1x!tpu.dma_semaphore, #tpu.memory_space<semaphore_mem>>
      %dma_wait3A_419 = tpu.memref_squeeze %dma_wait3A_418 : memref<1x!tpu.dma_semaphore, #tpu.memory_space<semaphore_mem>> -> memref<!tpu.dma_semaphore, #tpu.memory_space<semaphore_mem>>
      tpu.wait_indirect_dma semaphore(%dma_wait3A_419 : memref<!tpu.dma_semaphore, #tpu.memory_space<semaphore_mem>>) src(%dma_wait3A_411 : memref<128x64xf32, #tpu.memory_space<vmem>>) dst(%dma_wait3A_417 : memref<10112x64xf32, #tpu.memory_space<vmem_shared>>)
      %dma_wait3A_420 = arith.constant 3 : i32
      %dma_wait3A_421 = arith.constant 3 : i32
      %dma_wait3A_422 = arith.constant 0 : i32
      %dma_wait3A_423 = arith.constant 0 : i32
      %dma_wait3A_424 = tpu.memref_slice %arg9[%dma_wait3A_420, %dma_wait3A_422, %dma_wait3A_423] : memref<8x128x64xf32, #tpu.memory_space<vmem>> -> memref<1x128x64xf32, #tpu.memory_space<vmem>>
      %dma_wait3A_425 = tpu.memref_squeeze %dma_wait3A_424 : memref<1x128x64xf32, #tpu.memory_space<vmem>> -> memref<128x64xf32, #tpu.memory_space<vmem>>
      %dma_wait3A_426 = arith.constant 0 : i32
      %dma_wait3A_427 = tpu.memref_slice %arg8[%add3A_243, %dma_wait3A_426] : memref<80x128xi32, #tpu.memory_space<vmem>> -> memref<1x128xi32, #tpu.memory_space<vmem>>
      %dma_wait3A_428 = tpu.memref_squeeze %dma_wait3A_427 : memref<1x128xi32, #tpu.memory_space<vmem>> -> memref<128xi32, #tpu.memory_space<vmem>>
      %dma_wait3A_429 = arith.constant 0 : i32
      %dma_wait3A_430 = arith.constant 0 : i32
      %dma_wait3A_431 = tpu.memref_slice %arg12[%dma_wait3A_429, %dma_wait3A_430] : memref<10112x64xf32, #tpu.memory_space<vmem_shared>> -> memref<10112x64xf32, #tpu.memory_space<vmem_shared>>
      %dma_wait3A_432 = tpu.memref_slice %arg11[%dma_wait3A_421] : memref<8x!tpu.dma_semaphore, #tpu.memory_space<semaphore_mem>> -> memref<1x!tpu.dma_semaphore, #tpu.memory_space<semaphore_mem>>
      %dma_wait3A_433 = tpu.memref_squeeze %dma_wait3A_432 : memref<1x!tpu.dma_semaphore, #tpu.memory_space<semaphore_mem>> -> memref<!tpu.dma_semaphore, #tpu.memory_space<semaphore_mem>>
      tpu.wait_indirect_dma semaphore(%dma_wait3A_433 : memref<!tpu.dma_semaphore, #tpu.memory_space<semaphore_mem>>) src(%dma_wait3A_425 : memref<128x64xf32, #tpu.memory_space<vmem>>) dst(%dma_wait3A_431 : memref<10112x64xf32, #tpu.memory_space<vmem_shared>>)
      %dma_wait3A_434 = arith.constant 4 : i32
      %dma_wait3A_435 = arith.constant 4 : i32
      %dma_wait3A_436 = arith.constant 0 : i32
      %dma_wait3A_437 = arith.constant 0 : i32
      %dma_wait3A_438 = tpu.memref_slice %arg9[%dma_wait3A_434, %dma_wait3A_436, %dma_wait3A_437] : memref<8x128x64xf32, #tpu.memory_space<vmem>> -> memref<1x128x64xf32, #tpu.memory_space<vmem>>
      %dma_wait3A_439 = tpu.memref_squeeze %dma_wait3A_438 : memref<1x128x64xf32, #tpu.memory_space<vmem>> -> memref<128x64xf32, #tpu.memory_space<vmem>>
      %dma_wait3A_440 = arith.constant 0 : i32
      %dma_wait3A_441 = tpu.memref_slice %arg8[%add3A_273, %dma_wait3A_440] : memref<80x128xi32, #tpu.memory_space<vmem>> -> memref<1x128xi32, #tpu.memory_space<vmem>>
      %dma_wait3A_442 = tpu.memref_squeeze %dma_wait3A_441 : memref<1x128xi32, #tpu.memory_space<vmem>> -> memref<128xi32, #tpu.memory_space<vmem>>
      %dma_wait3A_443 = arith.constant 0 : i32
      %dma_wait3A_444 = arith.constant 0 : i32
      %dma_wait3A_445 = tpu.memref_slice %arg12[%dma_wait3A_443, %dma_wait3A_444] : memref<10112x64xf32, #tpu.memory_space<vmem_shared>> -> memref<10112x64xf32, #tpu.memory_space<vmem_shared>>
      %dma_wait3A_446 = tpu.memref_slice %arg11[%dma_wait3A_435] : memref<8x!tpu.dma_semaphore, #tpu.memory_space<semaphore_mem>> -> memref<1x!tpu.dma_semaphore, #tpu.memory_space<semaphore_mem>>
      %dma_wait3A_447 = tpu.memref_squeeze %dma_wait3A_446 : memref<1x!tpu.dma_semaphore, #tpu.memory_space<semaphore_mem>> -> memref<!tpu.dma_semaphore, #tpu.memory_space<semaphore_mem>>
      tpu.wait_indirect_dma semaphore(%dma_wait3A_447 : memref<!tpu.dma_semaphore, #tpu.memory_space<semaphore_mem>>) src(%dma_wait3A_439 : memref<128x64xf32, #tpu.memory_space<vmem>>) dst(%dma_wait3A_445 : memref<10112x64xf32, #tpu.memory_space<vmem_shared>>)
      %dma_wait3A_448 = arith.constant 5 : i32
      %dma_wait3A_449 = arith.constant 5 : i32
      %dma_wait3A_450 = arith.constant 0 : i32
      %dma_wait3A_451 = arith.constant 0 : i32
      %dma_wait3A_452 = tpu.memref_slice %arg9[%dma_wait3A_448, %dma_wait3A_450, %dma_wait3A_451] : memref<8x128x64xf32, #tpu.memory_space<vmem>> -> memref<1x128x64xf32, #tpu.memory_space<vmem>>
      %dma_wait3A_453 = tpu.memref_squeeze %dma_wait3A_452 : memref<1x128x64xf32, #tpu.memory_space<vmem>> -> memref<128x64xf32, #tpu.memory_space<vmem>>
      %dma_wait3A_454 = arith.constant 0 : i32
      %dma_wait3A_455 = tpu.memref_slice %arg8[%add3A_303, %dma_wait3A_454] : memref<80x128xi32, #tpu.memory_space<vmem>> -> memref<1x128xi32, #tpu.memory_space<vmem>>
      %dma_wait3A_456 = tpu.memref_squeeze %dma_wait3A_455 : memref<1x128xi32, #tpu.memory_space<vmem>> -> memref<128xi32, #tpu.memory_space<vmem>>
      %dma_wait3A_457 = arith.constant 0 : i32
      %dma_wait3A_458 = arith.constant 0 : i32
      %dma_wait3A_459 = tpu.memref_slice %arg12[%dma_wait3A_457, %dma_wait3A_458] : memref<10112x64xf32, #tpu.memory_space<vmem_shared>> -> memref<10112x64xf32, #tpu.memory_space<vmem_shared>>
      %dma_wait3A_460 = tpu.memref_slice %arg11[%dma_wait3A_449] : memref<8x!tpu.dma_semaphore, #tpu.memory_space<semaphore_mem>> -> memref<1x!tpu.dma_semaphore, #tpu.memory_space<semaphore_mem>>
      %dma_wait3A_461 = tpu.memref_squeeze %dma_wait3A_460 : memref<1x!tpu.dma_semaphore, #tpu.memory_space<semaphore_mem>> -> memref<!tpu.dma_semaphore, #tpu.memory_space<semaphore_mem>>
      tpu.wait_indirect_dma semaphore(%dma_wait3A_461 : memref<!tpu.dma_semaphore, #tpu.memory_space<semaphore_mem>>) src(%dma_wait3A_453 : memref<128x64xf32, #tpu.memory_space<vmem>>) dst(%dma_wait3A_459 : memref<10112x64xf32, #tpu.memory_space<vmem_shared>>)
      %dma_wait3A_462 = arith.constant 6 : i32
      %dma_wait3A_463 = arith.constant 6 : i32
      %dma_wait3A_464 = arith.constant 0 : i32
      %dma_wait3A_465 = arith.constant 0 : i32
      %dma_wait3A_466 = tpu.memref_slice %arg9[%dma_wait3A_462, %dma_wait3A_464, %dma_wait3A_465] : memref<8x128x64xf32, #tpu.memory_space<vmem>> -> memref<1x128x64xf32, #tpu.memory_space<vmem>>
      %dma_wait3A_467 = tpu.memref_squeeze %dma_wait3A_466 : memref<1x128x64xf32, #tpu.memory_space<vmem>> -> memref<128x64xf32, #tpu.memory_space<vmem>>
      %dma_wait3A_468 = arith.constant 0 : i32
      %dma_wait3A_469 = tpu.memref_slice %arg8[%add3A_333, %dma_wait3A_468] : memref<80x128xi32, #tpu.memory_space<vmem>> -> memref<1x128xi32, #tpu.memory_space<vmem>>
      %dma_wait3A_470 = tpu.memref_squeeze %dma_wait3A_469 : memref<1x128xi32, #tpu.memory_space<vmem>> -> memref<128xi32, #tpu.memory_space<vmem>>
      %dma_wait3A_471 = arith.constant 0 : i32
      %dma_wait3A_472 = arith.constant 0 : i32
      %dma_wait3A_473 = tpu.memref_slice %arg12[%dma_wait3A_471, %dma_wait3A_472] : memref<10112x64xf32, #tpu.memory_space<vmem_shared>> -> memref<10112x64xf32, #tpu.memory_space<vmem_shared>>
      %dma_wait3A_474 = tpu.memref_slice %arg11[%dma_wait3A_463] : memref<8x!tpu.dma_semaphore, #tpu.memory_space<semaphore_mem>> -> memref<1x!tpu.dma_semaphore, #tpu.memory_space<semaphore_mem>>
      %dma_wait3A_475 = tpu.memref_squeeze %dma_wait3A_474 : memref<1x!tpu.dma_semaphore, #tpu.memory_space<semaphore_mem>> -> memref<!tpu.dma_semaphore, #tpu.memory_space<semaphore_mem>>
      tpu.wait_indirect_dma semaphore(%dma_wait3A_475 : memref<!tpu.dma_semaphore, #tpu.memory_space<semaphore_mem>>) src(%dma_wait3A_467 : memref<128x64xf32, #tpu.memory_space<vmem>>) dst(%dma_wait3A_473 : memref<10112x64xf32, #tpu.memory_space<vmem_shared>>)
      %dma_wait3A_476 = arith.constant 7 : i32
      %dma_wait3A_477 = arith.constant 7 : i32
      %dma_wait3A_478 = arith.constant 0 : i32
      %dma_wait3A_479 = arith.constant 0 : i32
      %dma_wait3A_480 = tpu.memref_slice %arg9[%dma_wait3A_476, %dma_wait3A_478, %dma_wait3A_479] : memref<8x128x64xf32, #tpu.memory_space<vmem>> -> memref<1x128x64xf32, #tpu.memory_space<vmem>>
      %dma_wait3A_481 = tpu.memref_squeeze %dma_wait3A_480 : memref<1x128x64xf32, #tpu.memory_space<vmem>> -> memref<128x64xf32, #tpu.memory_space<vmem>>
      %dma_wait3A_482 = arith.constant 0 : i32
      %dma_wait3A_483 = tpu.memref_slice %arg8[%add3A_363, %dma_wait3A_482] : memref<80x128xi32, #tpu.memory_space<vmem>> -> memref<1x128xi32, #tpu.memory_space<vmem>>
      %dma_wait3A_484 = tpu.memref_squeeze %dma_wait3A_483 : memref<1x128xi32, #tpu.memory_space<vmem>> -> memref<128xi32, #tpu.memory_space<vmem>>
      %dma_wait3A_485 = arith.constant 0 : i32
      %dma_wait3A_486 = arith.constant 0 : i32
      %dma_wait3A_487 = tpu.memref_slice %arg12[%dma_wait3A_485, %dma_wait3A_486] : memref<10112x64xf32, #tpu.memory_space<vmem_shared>> -> memref<10112x64xf32, #tpu.memory_space<vmem_shared>>
      %dma_wait3A_488 = tpu.memref_slice %arg11[%dma_wait3A_477] : memref<8x!tpu.dma_semaphore, #tpu.memory_space<semaphore_mem>> -> memref<1x!tpu.dma_semaphore, #tpu.memory_space<semaphore_mem>>
      %dma_wait3A_489 = tpu.memref_squeeze %dma_wait3A_488 : memref<1x!tpu.dma_semaphore, #tpu.memory_space<semaphore_mem>> -> memref<!tpu.dma_semaphore, #tpu.memory_space<semaphore_mem>>
      tpu.wait_indirect_dma semaphore(%dma_wait3A_489 : memref<!tpu.dma_semaphore, #tpu.memory_space<semaphore_mem>>) src(%dma_wait3A_481 : memref<128x64xf32, #tpu.memory_space<vmem>>) dst(%dma_wait3A_487 : memref<10112x64xf32, #tpu.memory_space<vmem_shared>>)
    }
    %scan3A_7 = arith.constant 10 : i32
    %barrier3A_8 = arith.constant 0 : index
    tpu.barrier barrier_id(%barrier3A_8)
    "tpu.region"() ({
      %run_scoped3A = tpu.sem_alloc : memref<!tpu.dma_semaphore, #tpu.memory_space<semaphore_mem>>
      %dma_start3A = arith.constant 0 : i32
      %dma_start3A_9 = tpu.memref_slice %arg6[%arg0, %mul3A_2, %dma_start3A] : memref<2x10112x64xf32, #tpu.memory_space<hbm>> -> memref<1x632x64xf32, #tpu.memory_space<hbm>>
      %dma_start3A_10 = tpu.memref_squeeze %dma_start3A_9 : memref<1x632x64xf32, #tpu.memory_space<hbm>> -> memref<632x64xf32, #tpu.memory_space<hbm>>
      %dma_start3A_11 = arith.constant 0 : i32
      %dma_start3A_12 = tpu.memref_slice %arg12[%mul3A_2, %dma_start3A_11] : memref<10112x64xf32, #tpu.memory_space<vmem_shared>> -> memref<632x64xf32, #tpu.memory_space<vmem_shared>>
      tpu.enqueue_dma source(%dma_start3A_12 : memref<632x64xf32, #tpu.memory_space<vmem_shared>>) target(%dma_start3A_10 : memref<632x64xf32, #tpu.memory_space<hbm>>) target_semaphore(%run_scoped3A : memref<!tpu.dma_semaphore, #tpu.memory_space<semaphore_mem>>)
      %dma_wait3A = arith.constant 0 : i32
      %dma_wait3A_13 = tpu.memref_slice %arg6[%arg0, %mul3A_2, %dma_wait3A] : memref<2x10112x64xf32, #tpu.memory_space<hbm>> -> memref<1x632x64xf32, #tpu.memory_space<hbm>>
      %dma_wait3A_14 = tpu.memref_squeeze %dma_wait3A_13 : memref<1x632x64xf32, #tpu.memory_space<hbm>> -> memref<632x64xf32, #tpu.memory_space<hbm>>
      %dma_wait3A_15 = arith.constant 0 : i32
      %dma_wait3A_16 = tpu.memref_slice %arg12[%mul3A_2, %dma_wait3A_15] : memref<10112x64xf32, #tpu.memory_space<vmem_shared>> -> memref<632x64xf32, #tpu.memory_space<vmem_shared>>
      tpu.wait_dma2 semaphore(%run_scoped3A : memref<!tpu.dma_semaphore, #tpu.memory_space<semaphore_mem>>) src(%dma_wait3A_16 : memref<632x64xf32, #tpu.memory_space<vmem_shared>>) dst(%dma_wait3A_14 : memref<632x64xf32, #tpu.memory_space<hbm>>)
      tpu.yield
    }) : () -> ()
    return
  }
}

#map = affine_map<(d0, d1) -> (0, 0, 0)>
#map1 = affine_map<(d0, d1) -> (0, 0)>
module attributes {stable_mosaic.version = 14 : i64} {
  func.func @_sc_degree_body(%arg0: i32, %arg1: i32, %arg2: memref<32x80x128xi32, #tpu.memory_space<hbm>>, %arg3: memref<128x16xf32, #tpu.memory_space<hbm>>, %arg4: memref<10112x16xf32, #tpu.memory_space<hbm>>, %arg5: memref<2x10112x16xf32, #tpu.memory_space<hbm>>, %arg6: memref<80x128xi32, #tpu.memory_space<vmem>>, %arg7: memref<128x16xf32, #tpu.memory_space<vmem>>, %arg8: memref<!tpu.dma_semaphore, #tpu.memory_space<semaphore_mem>>, %arg9: memref<10112x16xf32, #tpu.memory_space<vmem_shared>>) attributes {dimension_semantics = [#tpu.dimension_semantics<core_parallel>, #tpu.dimension_semantics<subcore_parallel>], iteration_bounds = array<i64: 2, 16>, scalar_prefetch = 0 : i64, scratch_operands = 4 : i64, tpu.core_type = #tpu.core_type<sc_vector_subcore>, window_params = [{transform_indices = #map}, {transform_indices = #map1}, {transform_indices = #map1}, {transform_indices = #map}]} {
    %mul3A = arith.constant 2 : i32
    %mul3A_0 = arith.muli %arg1, %mul3A : i32
    %add3A = arith.addi %mul3A_0, %arg0 : i32
    %mul3A_1 = arith.constant 632 : i32
    %mul3A_2 = arith.muli %arg1, %mul3A_1 : i32
    "tpu.region"() ({
      %run_scoped3A = tpu.sem_alloc : memref<!tpu.dma_semaphore, #tpu.memory_space<semaphore_mem>>
      %dma_start3A = arith.constant 0 : i32
      %dma_start3A_9 = tpu.memref_slice %arg9[%mul3A_2, %dma_start3A] : memref<10112x16xf32, #tpu.memory_space<vmem_shared>> -> memref<632x16xf32, #tpu.memory_space<vmem_shared>>
      %dma_start3A_10 = arith.constant 0 : i32
      %dma_start3A_11 = tpu.memref_slice %arg4[%mul3A_2, %dma_start3A_10] : memref<10112x16xf32, #tpu.memory_space<hbm>> -> memref<632x16xf32, #tpu.memory_space<hbm>>
      tpu.enqueue_dma source(%dma_start3A_11 : memref<632x16xf32, #tpu.memory_space<hbm>>) target(%dma_start3A_9 : memref<632x16xf32, #tpu.memory_space<vmem_shared>>) target_semaphore(%run_scoped3A : memref<!tpu.dma_semaphore, #tpu.memory_space<semaphore_mem>>)
      %dma_wait3A = arith.constant 0 : i32
      %dma_wait3A_12 = tpu.memref_slice %arg9[%mul3A_2, %dma_wait3A] : memref<10112x16xf32, #tpu.memory_space<vmem_shared>> -> memref<632x16xf32, #tpu.memory_space<vmem_shared>>
      %dma_wait3A_13 = arith.constant 0 : i32
      %dma_wait3A_14 = tpu.memref_slice %arg4[%mul3A_2, %dma_wait3A_13] : memref<10112x16xf32, #tpu.memory_space<hbm>> -> memref<632x16xf32, #tpu.memory_space<hbm>>
      tpu.wait_dma2 semaphore(%run_scoped3A : memref<!tpu.dma_semaphore, #tpu.memory_space<semaphore_mem>>) src(%dma_wait3A_14 : memref<632x16xf32, #tpu.memory_space<hbm>>) dst(%dma_wait3A_12 : memref<632x16xf32, #tpu.memory_space<vmem_shared>>)
      tpu.yield
    }) : () -> ()
    "tpu.region"() ({
      %run_scoped3A = tpu.sem_alloc : memref<!tpu.dma_semaphore, #tpu.memory_space<semaphore_mem>>
      tpu.enqueue_dma source(%arg3 : memref<128x16xf32, #tpu.memory_space<hbm>>) target(%arg7 : memref<128x16xf32, #tpu.memory_space<vmem>>) target_semaphore(%run_scoped3A : memref<!tpu.dma_semaphore, #tpu.memory_space<semaphore_mem>>)
      tpu.wait_dma2 semaphore(%run_scoped3A : memref<!tpu.dma_semaphore, #tpu.memory_space<semaphore_mem>>) src(%arg3 : memref<128x16xf32, #tpu.memory_space<hbm>>) dst(%arg7 : memref<128x16xf32, #tpu.memory_space<vmem>>)
      tpu.yield
    }) : () -> ()
    "tpu.region"() ({
      %run_scoped3A = tpu.sem_alloc : memref<!tpu.dma_semaphore, #tpu.memory_space<semaphore_mem>>
      %dma_start3A = arith.constant 0 : i32
      %dma_start3A_9 = arith.constant 0 : i32
      %dma_start3A_10 = tpu.memref_slice %arg2[%add3A, %dma_start3A, %dma_start3A_9] : memref<32x80x128xi32, #tpu.memory_space<hbm>> -> memref<1x80x128xi32, #tpu.memory_space<hbm>>
      %dma_start3A_11 = tpu.memref_squeeze %dma_start3A_10 : memref<1x80x128xi32, #tpu.memory_space<hbm>> -> memref<80x128xi32, #tpu.memory_space<hbm>>
      %dma_start3A_12 = arith.constant 0 : i32
      %dma_start3A_13 = arith.constant 0 : i32
      %dma_start3A_14 = tpu.memref_slice %arg2[%add3A, %dma_start3A_12, %dma_start3A_13] : memref<32x80x128xi32, #tpu.memory_space<hbm>> -> memref<1x80x128xi32, #tpu.memory_space<hbm>>
      %dma_start3A_15 = tpu.memref_squeeze %dma_start3A_14 : memref<1x80x128xi32, #tpu.memory_space<hbm>> -> memref<80x128xi32, #tpu.memory_space<hbm>>
      tpu.enqueue_dma source(%dma_start3A_15 : memref<80x128xi32, #tpu.memory_space<hbm>>) target(%arg6 : memref<80x128xi32, #tpu.memory_space<vmem>>) target_semaphore(%run_scoped3A : memref<!tpu.dma_semaphore, #tpu.memory_space<semaphore_mem>>)
      %dma_wait3A = arith.constant 0 : i32
      %dma_wait3A_16 = arith.constant 0 : i32
      %dma_wait3A_17 = tpu.memref_slice %arg2[%add3A, %dma_wait3A, %dma_wait3A_16] : memref<32x80x128xi32, #tpu.memory_space<hbm>> -> memref<1x80x128xi32, #tpu.memory_space<hbm>>
      %dma_wait3A_18 = tpu.memref_squeeze %dma_wait3A_17 : memref<1x80x128xi32, #tpu.memory_space<hbm>> -> memref<80x128xi32, #tpu.memory_space<hbm>>
      %dma_wait3A_19 = arith.constant 0 : i32
      %dma_wait3A_20 = arith.constant 0 : i32
      %dma_wait3A_21 = tpu.memref_slice %arg2[%add3A, %dma_wait3A_19, %dma_wait3A_20] : memref<32x80x128xi32, #tpu.memory_space<hbm>> -> memref<1x80x128xi32, #tpu.memory_space<hbm>>
      %dma_wait3A_22 = tpu.memref_squeeze %dma_wait3A_21 : memref<1x80x128xi32, #tpu.memory_space<hbm>> -> memref<80x128xi32, #tpu.memory_space<hbm>>
      tpu.wait_dma2 semaphore(%run_scoped3A : memref<!tpu.dma_semaphore, #tpu.memory_space<semaphore_mem>>) src(%dma_wait3A_22 : memref<80x128xi32, #tpu.memory_space<hbm>>) dst(%arg6 : memref<80x128xi32, #tpu.memory_space<vmem>>)
      tpu.yield
    }) : () -> ()
    %barrier3A = arith.constant 0 : index
    tpu.barrier barrier_id(%barrier3A)
    %scan3A = arith.constant 0 : i32
    %scan3A_3 = arith.constant 0 : i32
    %scan3A_4 = arith.constant 10 : i32
    %scan3A_5 = arith.addi %scan3A_3, %scan3A_4 : i32
    %scan3A_6 = arith.constant 1 : i32
    scf.for %scan3A_9 = %scan3A_3 to %scan3A_5 step %scan3A_6  : i32 {
      %mul3A_10 = arith.constant 8 : i32
      %mul3A_11 = arith.muli %scan3A_9, %mul3A_10 : i32
      %add3A_12 = arith.constant 0 : i32
      %add3A_13 = arith.addi %mul3A_11, %add3A_12 : i32
      %dma_start3A = arith.constant 0 : i32
      %dma_start3A_14 = tpu.memref_slice %arg6[%add3A_13, %dma_start3A] : memref<80x128xi32, #tpu.memory_space<vmem>> -> memref<1x128xi32, #tpu.memory_space<vmem>>
      %dma_start3A_15 = tpu.memref_squeeze %dma_start3A_14 : memref<1x128xi32, #tpu.memory_space<vmem>> -> memref<128xi32, #tpu.memory_space<vmem>>
      %dma_start3A_16 = arith.constant 0 : i32
      %dma_start3A_17 = arith.constant 0 : i32
      %dma_start3A_18 = tpu.memref_slice %arg9[%dma_start3A_16, %dma_start3A_17] : memref<10112x16xf32, #tpu.memory_space<vmem_shared>> -> memref<10112x16xf32, #tpu.memory_space<vmem_shared>>
      tpu.enqueue_indirect_dma source(%arg7 : memref<128x16xf32, #tpu.memory_space<vmem>>) target(%dma_start3A_18 : memref<10112x16xf32, #tpu.memory_space<vmem_shared>>) offsets(%dma_start3A_15 : memref<128xi32, #tpu.memory_space<vmem>>) semaphore(%arg8 : memref<!tpu.dma_semaphore, #tpu.memory_space<semaphore_mem>>) {add = true}
      %mul3A_19 = arith.constant 8 : i32
      %mul3A_20 = arith.muli %scan3A_9, %mul3A_19 : i32
      %add3A_21 = arith.constant 1 : i32
      %add3A_22 = arith.addi %mul3A_20, %add3A_21 : i32
      %dma_start3A_23 = arith.constant 0 : i32
      %dma_start3A_24 = tpu.memref_slice %arg6[%add3A_22, %dma_start3A_23] : memref<80x128xi32, #tpu.memory_space<vmem>> -> memref<1x128xi32, #tpu.memory_space<vmem>>
      %dma_start3A_25 = tpu.memref_squeeze %dma_start3A_24 : memref<1x128xi32, #tpu.memory_space<vmem>> -> memref<128xi32, #tpu.memory_space<vmem>>
      %dma_start3A_26 = arith.constant 0 : i32
      %dma_start3A_27 = arith.constant 0 : i32
      %dma_start3A_28 = tpu.memref_slice %arg9[%dma_start3A_26, %dma_start3A_27] : memref<10112x16xf32, #tpu.memory_space<vmem_shared>> -> memref<10112x16xf32, #tpu.memory_space<vmem_shared>>
      tpu.enqueue_indirect_dma source(%arg7 : memref<128x16xf32, #tpu.memory_space<vmem>>) target(%dma_start3A_28 : memref<10112x16xf32, #tpu.memory_space<vmem_shared>>) offsets(%dma_start3A_25 : memref<128xi32, #tpu.memory_space<vmem>>) semaphore(%arg8 : memref<!tpu.dma_semaphore, #tpu.memory_space<semaphore_mem>>) {add = true}
      %mul3A_29 = arith.constant 8 : i32
      %mul3A_30 = arith.muli %scan3A_9, %mul3A_29 : i32
      %add3A_31 = arith.constant 2 : i32
      %add3A_32 = arith.addi %mul3A_30, %add3A_31 : i32
      %dma_start3A_33 = arith.constant 0 : i32
      %dma_start3A_34 = tpu.memref_slice %arg6[%add3A_32, %dma_start3A_33] : memref<80x128xi32, #tpu.memory_space<vmem>> -> memref<1x128xi32, #tpu.memory_space<vmem>>
      %dma_start3A_35 = tpu.memref_squeeze %dma_start3A_34 : memref<1x128xi32, #tpu.memory_space<vmem>> -> memref<128xi32, #tpu.memory_space<vmem>>
      %dma_start3A_36 = arith.constant 0 : i32
      %dma_start3A_37 = arith.constant 0 : i32
      %dma_start3A_38 = tpu.memref_slice %arg9[%dma_start3A_36, %dma_start3A_37] : memref<10112x16xf32, #tpu.memory_space<vmem_shared>> -> memref<10112x16xf32, #tpu.memory_space<vmem_shared>>
      tpu.enqueue_indirect_dma source(%arg7 : memref<128x16xf32, #tpu.memory_space<vmem>>) target(%dma_start3A_38 : memref<10112x16xf32, #tpu.memory_space<vmem_shared>>) offsets(%dma_start3A_35 : memref<128xi32, #tpu.memory_space<vmem>>) semaphore(%arg8 : memref<!tpu.dma_semaphore, #tpu.memory_space<semaphore_mem>>) {add = true}
      %mul3A_39 = arith.constant 8 : i32
      %mul3A_40 = arith.muli %scan3A_9, %mul3A_39 : i32
      %add3A_41 = arith.constant 3 : i32
      %add3A_42 = arith.addi %mul3A_40, %add3A_41 : i32
      %dma_start3A_43 = arith.constant 0 : i32
      %dma_start3A_44 = tpu.memref_slice %arg6[%add3A_42, %dma_start3A_43] : memref<80x128xi32, #tpu.memory_space<vmem>> -> memref<1x128xi32, #tpu.memory_space<vmem>>
      %dma_start3A_45 = tpu.memref_squeeze %dma_start3A_44 : memref<1x128xi32, #tpu.memory_space<vmem>> -> memref<128xi32, #tpu.memory_space<vmem>>
      %dma_start3A_46 = arith.constant 0 : i32
      %dma_start3A_47 = arith.constant 0 : i32
      %dma_start3A_48 = tpu.memref_slice %arg9[%dma_start3A_46, %dma_start3A_47] : memref<10112x16xf32, #tpu.memory_space<vmem_shared>> -> memref<10112x16xf32, #tpu.memory_space<vmem_shared>>
      tpu.enqueue_indirect_dma source(%arg7 : memref<128x16xf32, #tpu.memory_space<vmem>>) target(%dma_start3A_48 : memref<10112x16xf32, #tpu.memory_space<vmem_shared>>) offsets(%dma_start3A_45 : memref<128xi32, #tpu.memory_space<vmem>>) semaphore(%arg8 : memref<!tpu.dma_semaphore, #tpu.memory_space<semaphore_mem>>) {add = true}
      %mul3A_49 = arith.constant 8 : i32
      %mul3A_50 = arith.muli %scan3A_9, %mul3A_49 : i32
      %add3A_51 = arith.constant 4 : i32
      %add3A_52 = arith.addi %mul3A_50, %add3A_51 : i32
      %dma_start3A_53 = arith.constant 0 : i32
      %dma_start3A_54 = tpu.memref_slice %arg6[%add3A_52, %dma_start3A_53] : memref<80x128xi32, #tpu.memory_space<vmem>> -> memref<1x128xi32, #tpu.memory_space<vmem>>
      %dma_start3A_55 = tpu.memref_squeeze %dma_start3A_54 : memref<1x128xi32, #tpu.memory_space<vmem>> -> memref<128xi32, #tpu.memory_space<vmem>>
      %dma_start3A_56 = arith.constant 0 : i32
      %dma_start3A_57 = arith.constant 0 : i32
      %dma_start3A_58 = tpu.memref_slice %arg9[%dma_start3A_56, %dma_start3A_57] : memref<10112x16xf32, #tpu.memory_space<vmem_shared>> -> memref<10112x16xf32, #tpu.memory_space<vmem_shared>>
      tpu.enqueue_indirect_dma source(%arg7 : memref<128x16xf32, #tpu.memory_space<vmem>>) target(%dma_start3A_58 : memref<10112x16xf32, #tpu.memory_space<vmem_shared>>) offsets(%dma_start3A_55 : memref<128xi32, #tpu.memory_space<vmem>>) semaphore(%arg8 : memref<!tpu.dma_semaphore, #tpu.memory_space<semaphore_mem>>) {add = true}
      %mul3A_59 = arith.constant 8 : i32
      %mul3A_60 = arith.muli %scan3A_9, %mul3A_59 : i32
      %add3A_61 = arith.constant 5 : i32
      %add3A_62 = arith.addi %mul3A_60, %add3A_61 : i32
      %dma_start3A_63 = arith.constant 0 : i32
      %dma_start3A_64 = tpu.memref_slice %arg6[%add3A_62, %dma_start3A_63] : memref<80x128xi32, #tpu.memory_space<vmem>> -> memref<1x128xi32, #tpu.memory_space<vmem>>
      %dma_start3A_65 = tpu.memref_squeeze %dma_start3A_64 : memref<1x128xi32, #tpu.memory_space<vmem>> -> memref<128xi32, #tpu.memory_space<vmem>>
      %dma_start3A_66 = arith.constant 0 : i32
      %dma_start3A_67 = arith.constant 0 : i32
      %dma_start3A_68 = tpu.memref_slice %arg9[%dma_start3A_66, %dma_start3A_67] : memref<10112x16xf32, #tpu.memory_space<vmem_shared>> -> memref<10112x16xf32, #tpu.memory_space<vmem_shared>>
      tpu.enqueue_indirect_dma source(%arg7 : memref<128x16xf32, #tpu.memory_space<vmem>>) target(%dma_start3A_68 : memref<10112x16xf32, #tpu.memory_space<vmem_shared>>) offsets(%dma_start3A_65 : memref<128xi32, #tpu.memory_space<vmem>>) semaphore(%arg8 : memref<!tpu.dma_semaphore, #tpu.memory_space<semaphore_mem>>) {add = true}
      %mul3A_69 = arith.constant 8 : i32
      %mul3A_70 = arith.muli %scan3A_9, %mul3A_69 : i32
      %add3A_71 = arith.constant 6 : i32
      %add3A_72 = arith.addi %mul3A_70, %add3A_71 : i32
      %dma_start3A_73 = arith.constant 0 : i32
      %dma_start3A_74 = tpu.memref_slice %arg6[%add3A_72, %dma_start3A_73] : memref<80x128xi32, #tpu.memory_space<vmem>> -> memref<1x128xi32, #tpu.memory_space<vmem>>
      %dma_start3A_75 = tpu.memref_squeeze %dma_start3A_74 : memref<1x128xi32, #tpu.memory_space<vmem>> -> memref<128xi32, #tpu.memory_space<vmem>>
      %dma_start3A_76 = arith.constant 0 : i32
      %dma_start3A_77 = arith.constant 0 : i32
      %dma_start3A_78 = tpu.memref_slice %arg9[%dma_start3A_76, %dma_start3A_77] : memref<10112x16xf32, #tpu.memory_space<vmem_shared>> -> memref<10112x16xf32, #tpu.memory_space<vmem_shared>>
      tpu.enqueue_indirect_dma source(%arg7 : memref<128x16xf32, #tpu.memory_space<vmem>>) target(%dma_start3A_78 : memref<10112x16xf32, #tpu.memory_space<vmem_shared>>) offsets(%dma_start3A_75 : memref<128xi32, #tpu.memory_space<vmem>>) semaphore(%arg8 : memref<!tpu.dma_semaphore, #tpu.memory_space<semaphore_mem>>) {add = true}
      %mul3A_79 = arith.constant 8 : i32
      %mul3A_80 = arith.muli %scan3A_9, %mul3A_79 : i32
      %add3A_81 = arith.constant 7 : i32
      %add3A_82 = arith.addi %mul3A_80, %add3A_81 : i32
      %dma_start3A_83 = arith.constant 0 : i32
      %dma_start3A_84 = tpu.memref_slice %arg6[%add3A_82, %dma_start3A_83] : memref<80x128xi32, #tpu.memory_space<vmem>> -> memref<1x128xi32, #tpu.memory_space<vmem>>
      %dma_start3A_85 = tpu.memref_squeeze %dma_start3A_84 : memref<1x128xi32, #tpu.memory_space<vmem>> -> memref<128xi32, #tpu.memory_space<vmem>>
      %dma_start3A_86 = arith.constant 0 : i32
      %dma_start3A_87 = arith.constant 0 : i32
      %dma_start3A_88 = tpu.memref_slice %arg9[%dma_start3A_86, %dma_start3A_87] : memref<10112x16xf32, #tpu.memory_space<vmem_shared>> -> memref<10112x16xf32, #tpu.memory_space<vmem_shared>>
      tpu.enqueue_indirect_dma source(%arg7 : memref<128x16xf32, #tpu.memory_space<vmem>>) target(%dma_start3A_88 : memref<10112x16xf32, #tpu.memory_space<vmem_shared>>) offsets(%dma_start3A_85 : memref<128xi32, #tpu.memory_space<vmem>>) semaphore(%arg8 : memref<!tpu.dma_semaphore, #tpu.memory_space<semaphore_mem>>) {add = true}
      %dma_wait3A = arith.constant 0 : i32
      %dma_wait3A_89 = tpu.memref_slice %arg6[%add3A_13, %dma_wait3A] : memref<80x128xi32, #tpu.memory_space<vmem>> -> memref<1x128xi32, #tpu.memory_space<vmem>>
      %dma_wait3A_90 = tpu.memref_squeeze %dma_wait3A_89 : memref<1x128xi32, #tpu.memory_space<vmem>> -> memref<128xi32, #tpu.memory_space<vmem>>
      %dma_wait3A_91 = arith.constant 0 : i32
      %dma_wait3A_92 = arith.constant 0 : i32
      %dma_wait3A_93 = tpu.memref_slice %arg9[%dma_wait3A_91, %dma_wait3A_92] : memref<10112x16xf32, #tpu.memory_space<vmem_shared>> -> memref<10112x16xf32, #tpu.memory_space<vmem_shared>>
      tpu.wait_indirect_dma semaphore(%arg8 : memref<!tpu.dma_semaphore, #tpu.memory_space<semaphore_mem>>) src(%arg7 : memref<128x16xf32, #tpu.memory_space<vmem>>) dst(%dma_wait3A_93 : memref<10112x16xf32, #tpu.memory_space<vmem_shared>>)
      %dma_wait3A_94 = arith.constant 0 : i32
      %dma_wait3A_95 = tpu.memref_slice %arg6[%add3A_22, %dma_wait3A_94] : memref<80x128xi32, #tpu.memory_space<vmem>> -> memref<1x128xi32, #tpu.memory_space<vmem>>
      %dma_wait3A_96 = tpu.memref_squeeze %dma_wait3A_95 : memref<1x128xi32, #tpu.memory_space<vmem>> -> memref<128xi32, #tpu.memory_space<vmem>>
      %dma_wait3A_97 = arith.constant 0 : i32
      %dma_wait3A_98 = arith.constant 0 : i32
      %dma_wait3A_99 = tpu.memref_slice %arg9[%dma_wait3A_97, %dma_wait3A_98] : memref<10112x16xf32, #tpu.memory_space<vmem_shared>> -> memref<10112x16xf32, #tpu.memory_space<vmem_shared>>
      tpu.wait_indirect_dma semaphore(%arg8 : memref<!tpu.dma_semaphore, #tpu.memory_space<semaphore_mem>>) src(%arg7 : memref<128x16xf32, #tpu.memory_space<vmem>>) dst(%dma_wait3A_99 : memref<10112x16xf32, #tpu.memory_space<vmem_shared>>)
      %dma_wait3A_100 = arith.constant 0 : i32
      %dma_wait3A_101 = tpu.memref_slice %arg6[%add3A_32, %dma_wait3A_100] : memref<80x128xi32, #tpu.memory_space<vmem>> -> memref<1x128xi32, #tpu.memory_space<vmem>>
      %dma_wait3A_102 = tpu.memref_squeeze %dma_wait3A_101 : memref<1x128xi32, #tpu.memory_space<vmem>> -> memref<128xi32, #tpu.memory_space<vmem>>
      %dma_wait3A_103 = arith.constant 0 : i32
      %dma_wait3A_104 = arith.constant 0 : i32
      %dma_wait3A_105 = tpu.memref_slice %arg9[%dma_wait3A_103, %dma_wait3A_104] : memref<10112x16xf32, #tpu.memory_space<vmem_shared>> -> memref<10112x16xf32, #tpu.memory_space<vmem_shared>>
      tpu.wait_indirect_dma semaphore(%arg8 : memref<!tpu.dma_semaphore, #tpu.memory_space<semaphore_mem>>) src(%arg7 : memref<128x16xf32, #tpu.memory_space<vmem>>) dst(%dma_wait3A_105 : memref<10112x16xf32, #tpu.memory_space<vmem_shared>>)
      %dma_wait3A_106 = arith.constant 0 : i32
      %dma_wait3A_107 = tpu.memref_slice %arg6[%add3A_42, %dma_wait3A_106] : memref<80x128xi32, #tpu.memory_space<vmem>> -> memref<1x128xi32, #tpu.memory_space<vmem>>
      %dma_wait3A_108 = tpu.memref_squeeze %dma_wait3A_107 : memref<1x128xi32, #tpu.memory_space<vmem>> -> memref<128xi32, #tpu.memory_space<vmem>>
      %dma_wait3A_109 = arith.constant 0 : i32
      %dma_wait3A_110 = arith.constant 0 : i32
      %dma_wait3A_111 = tpu.memref_slice %arg9[%dma_wait3A_109, %dma_wait3A_110] : memref<10112x16xf32, #tpu.memory_space<vmem_shared>> -> memref<10112x16xf32, #tpu.memory_space<vmem_shared>>
      tpu.wait_indirect_dma semaphore(%arg8 : memref<!tpu.dma_semaphore, #tpu.memory_space<semaphore_mem>>) src(%arg7 : memref<128x16xf32, #tpu.memory_space<vmem>>) dst(%dma_wait3A_111 : memref<10112x16xf32, #tpu.memory_space<vmem_shared>>)
      %dma_wait3A_112 = arith.constant 0 : i32
      %dma_wait3A_113 = tpu.memref_slice %arg6[%add3A_52, %dma_wait3A_112] : memref<80x128xi32, #tpu.memory_space<vmem>> -> memref<1x128xi32, #tpu.memory_space<vmem>>
      %dma_wait3A_114 = tpu.memref_squeeze %dma_wait3A_113 : memref<1x128xi32, #tpu.memory_space<vmem>> -> memref<128xi32, #tpu.memory_space<vmem>>
      %dma_wait3A_115 = arith.constant 0 : i32
      %dma_wait3A_116 = arith.constant 0 : i32
      %dma_wait3A_117 = tpu.memref_slice %arg9[%dma_wait3A_115, %dma_wait3A_116] : memref<10112x16xf32, #tpu.memory_space<vmem_shared>> -> memref<10112x16xf32, #tpu.memory_space<vmem_shared>>
      tpu.wait_indirect_dma semaphore(%arg8 : memref<!tpu.dma_semaphore, #tpu.memory_space<semaphore_mem>>) src(%arg7 : memref<128x16xf32, #tpu.memory_space<vmem>>) dst(%dma_wait3A_117 : memref<10112x16xf32, #tpu.memory_space<vmem_shared>>)
      %dma_wait3A_118 = arith.constant 0 : i32
      %dma_wait3A_119 = tpu.memref_slice %arg6[%add3A_62, %dma_wait3A_118] : memref<80x128xi32, #tpu.memory_space<vmem>> -> memref<1x128xi32, #tpu.memory_space<vmem>>
      %dma_wait3A_120 = tpu.memref_squeeze %dma_wait3A_119 : memref<1x128xi32, #tpu.memory_space<vmem>> -> memref<128xi32, #tpu.memory_space<vmem>>
      %dma_wait3A_121 = arith.constant 0 : i32
      %dma_wait3A_122 = arith.constant 0 : i32
      %dma_wait3A_123 = tpu.memref_slice %arg9[%dma_wait3A_121, %dma_wait3A_122] : memref<10112x16xf32, #tpu.memory_space<vmem_shared>> -> memref<10112x16xf32, #tpu.memory_space<vmem_shared>>
      tpu.wait_indirect_dma semaphore(%arg8 : memref<!tpu.dma_semaphore, #tpu.memory_space<semaphore_mem>>) src(%arg7 : memref<128x16xf32, #tpu.memory_space<vmem>>) dst(%dma_wait3A_123 : memref<10112x16xf32, #tpu.memory_space<vmem_shared>>)
      %dma_wait3A_124 = arith.constant 0 : i32
      %dma_wait3A_125 = tpu.memref_slice %arg6[%add3A_72, %dma_wait3A_124] : memref<80x128xi32, #tpu.memory_space<vmem>> -> memref<1x128xi32, #tpu.memory_space<vmem>>
      %dma_wait3A_126 = tpu.memref_squeeze %dma_wait3A_125 : memref<1x128xi32, #tpu.memory_space<vmem>> -> memref<128xi32, #tpu.memory_space<vmem>>
      %dma_wait3A_127 = arith.constant 0 : i32
      %dma_wait3A_128 = arith.constant 0 : i32
      %dma_wait3A_129 = tpu.memref_slice %arg9[%dma_wait3A_127, %dma_wait3A_128] : memref<10112x16xf32, #tpu.memory_space<vmem_shared>> -> memref<10112x16xf32, #tpu.memory_space<vmem_shared>>
      tpu.wait_indirect_dma semaphore(%arg8 : memref<!tpu.dma_semaphore, #tpu.memory_space<semaphore_mem>>) src(%arg7 : memref<128x16xf32, #tpu.memory_space<vmem>>) dst(%dma_wait3A_129 : memref<10112x16xf32, #tpu.memory_space<vmem_shared>>)
      %dma_wait3A_130 = arith.constant 0 : i32
      %dma_wait3A_131 = tpu.memref_slice %arg6[%add3A_82, %dma_wait3A_130] : memref<80x128xi32, #tpu.memory_space<vmem>> -> memref<1x128xi32, #tpu.memory_space<vmem>>
      %dma_wait3A_132 = tpu.memref_squeeze %dma_wait3A_131 : memref<1x128xi32, #tpu.memory_space<vmem>> -> memref<128xi32, #tpu.memory_space<vmem>>
      %dma_wait3A_133 = arith.constant 0 : i32
      %dma_wait3A_134 = arith.constant 0 : i32
      %dma_wait3A_135 = tpu.memref_slice %arg9[%dma_wait3A_133, %dma_wait3A_134] : memref<10112x16xf32, #tpu.memory_space<vmem_shared>> -> memref<10112x16xf32, #tpu.memory_space<vmem_shared>>
      tpu.wait_indirect_dma semaphore(%arg8 : memref<!tpu.dma_semaphore, #tpu.memory_space<semaphore_mem>>) src(%arg7 : memref<128x16xf32, #tpu.memory_space<vmem>>) dst(%dma_wait3A_135 : memref<10112x16xf32, #tpu.memory_space<vmem_shared>>)
    }
    %scan3A_7 = arith.constant 10 : i32
    %barrier3A_8 = arith.constant 0 : index
    tpu.barrier barrier_id(%barrier3A_8)
    "tpu.region"() ({
      %run_scoped3A = tpu.sem_alloc : memref<!tpu.dma_semaphore, #tpu.memory_space<semaphore_mem>>
      %dma_start3A = arith.constant 0 : i32
      %dma_start3A_9 = tpu.memref_slice %arg5[%arg0, %mul3A_2, %dma_start3A] : memref<2x10112x16xf32, #tpu.memory_space<hbm>> -> memref<1x632x16xf32, #tpu.memory_space<hbm>>
      %dma_start3A_10 = tpu.memref_squeeze %dma_start3A_9 : memref<1x632x16xf32, #tpu.memory_space<hbm>> -> memref<632x16xf32, #tpu.memory_space<hbm>>
      %dma_start3A_11 = arith.constant 0 : i32
      %dma_start3A_12 = tpu.memref_slice %arg9[%mul3A_2, %dma_start3A_11] : memref<10112x16xf32, #tpu.memory_space<vmem_shared>> -> memref<632x16xf32, #tpu.memory_space<vmem_shared>>
      tpu.enqueue_dma source(%dma_start3A_12 : memref<632x16xf32, #tpu.memory_space<vmem_shared>>) target(%dma_start3A_10 : memref<632x16xf32, #tpu.memory_space<hbm>>) target_semaphore(%run_scoped3A : memref<!tpu.dma_semaphore, #tpu.memory_space<semaphore_mem>>)
      %dma_wait3A = arith.constant 0 : i32
      %dma_wait3A_13 = tpu.memref_slice %arg5[%arg0, %mul3A_2, %dma_wait3A] : memref<2x10112x16xf32, #tpu.memory_space<hbm>> -> memref<1x632x16xf32, #tpu.memory_space<hbm>>
      %dma_wait3A_14 = tpu.memref_squeeze %dma_wait3A_13 : memref<1x632x16xf32, #tpu.memory_space<hbm>> -> memref<632x16xf32, #tpu.memory_space<hbm>>
      %dma_wait3A_15 = arith.constant 0 : i32
      %dma_wait3A_16 = tpu.memref_slice %arg9[%mul3A_2, %dma_wait3A_15] : memref<10112x16xf32, #tpu.memory_space<vmem_shared>> -> memref<632x16xf32, #tpu.memory_space<vmem_shared>>
      tpu.wait_dma2 semaphore(%run_scoped3A : memref<!tpu.dma_semaphore, #tpu.memory_space<semaphore_mem>>) src(%dma_wait3A_16 : memref<632x16xf32, #tpu.memory_space<vmem_shared>>) dst(%dma_wait3A_14 : memref<632x16xf32, #tpu.memory_space<hbm>>)
      tpu.yield
    }) : () -> ()
    return
  }
}

#map = affine_map<(d0, d1) -> (0, 0)>
#map1 = affine_map<(d0, d1) -> (0, 0, 0)>
module attributes {stable_mosaic.version = 14 : i64} {
  func.func @_sc_scatter_body(%arg0: i32, %arg1: i32, %arg2: memref<10112x64xf32, #tpu.memory_space<hbm>>, %arg3: memref<32x80x128xi32, #tpu.memory_space<hbm>>, %arg4: memref<32x80x128xi32, #tpu.memory_space<hbm>>, %arg5: memref<10112x64xf32, #tpu.memory_space<hbm>>, %arg6: memref<2x10112x64xf32, #tpu.memory_space<hbm>>, %arg7: memref<80x128xi32, #tpu.memory_space<vmem>>, %arg8: memref<80x128xi32, #tpu.memory_space<vmem>>, %arg9: memref<8x128x64xf32, #tpu.memory_space<vmem>>, %arg10: memref<8x!tpu.dma_semaphore, #tpu.memory_space<semaphore_mem>>, %arg11: memref<8x!tpu.dma_semaphore, #tpu.memory_space<semaphore_mem>>, %arg12: memref<10112x64xf32, #tpu.memory_space<vmem_shared>>) attributes {dimension_semantics = [#tpu.dimension_semantics<core_parallel>, #tpu.dimension_semantics<subcore_parallel>], iteration_bounds = array<i64: 2, 16>, scalar_prefetch = 0 : i64, scratch_operands = 6 : i64, tpu.core_type = #tpu.core_type<sc_vector_subcore>, window_params = [{transform_indices = #map}, {transform_indices = #map1}, {transform_indices = #map1}, {transform_indices = #map}, {transform_indices = #map1}]} {
    %mul3A = arith.constant 2 : i32
    %mul3A_0 = arith.muli %arg1, %mul3A : i32
    %add3A = arith.addi %mul3A_0, %arg0 : i32
    %mul3A_1 = arith.constant 632 : i32
    %mul3A_2 = arith.muli %arg1, %mul3A_1 : i32
    "tpu.region"() ({
      %run_scoped3A = tpu.sem_alloc : memref<!tpu.dma_semaphore, #tpu.memory_space<semaphore_mem>>
      %dma_start3A = arith.constant 0 : i32
      %dma_start3A_9 = tpu.memref_slice %arg12[%mul3A_2, %dma_start3A] : memref<10112x64xf32, #tpu.memory_space<vmem_shared>> -> memref<632x64xf32, #tpu.memory_space<vmem_shared>>
      %dma_start3A_10 = arith.constant 0 : i32
      %dma_start3A_11 = tpu.memref_slice %arg5[%mul3A_2, %dma_start3A_10] : memref<10112x64xf32, #tpu.memory_space<hbm>> -> memref<632x64xf32, #tpu.memory_space<hbm>>
      tpu.enqueue_dma source(%dma_start3A_11 : memref<632x64xf32, #tpu.memory_space<hbm>>) target(%dma_start3A_9 : memref<632x64xf32, #tpu.memory_space<vmem_shared>>) target_semaphore(%run_scoped3A : memref<!tpu.dma_semaphore, #tpu.memory_space<semaphore_mem>>)
      %dma_wait3A = arith.constant 0 : i32
      %dma_wait3A_12 = tpu.memref_slice %arg12[%mul3A_2, %dma_wait3A] : memref<10112x64xf32, #tpu.memory_space<vmem_shared>> -> memref<632x64xf32, #tpu.memory_space<vmem_shared>>
      %dma_wait3A_13 = arith.constant 0 : i32
      %dma_wait3A_14 = tpu.memref_slice %arg5[%mul3A_2, %dma_wait3A_13] : memref<10112x64xf32, #tpu.memory_space<hbm>> -> memref<632x64xf32, #tpu.memory_space<hbm>>
      tpu.wait_dma2 semaphore(%run_scoped3A : memref<!tpu.dma_semaphore, #tpu.memory_space<semaphore_mem>>) src(%dma_wait3A_14 : memref<632x64xf32, #tpu.memory_space<hbm>>) dst(%dma_wait3A_12 : memref<632x64xf32, #tpu.memory_space<vmem_shared>>)
      tpu.yield
    }) : () -> ()
    "tpu.region"() ({
      %run_scoped3A = tpu.sem_alloc : memref<!tpu.dma_semaphore, #tpu.memory_space<semaphore_mem>>
      %dma_start3A = arith.constant 0 : i32
      %dma_start3A_9 = arith.constant 0 : i32
      %dma_start3A_10 = tpu.memref_slice %arg3[%add3A, %dma_start3A, %dma_start3A_9] : memref<32x80x128xi32, #tpu.memory_space<hbm>> -> memref<1x80x128xi32, #tpu.memory_space<hbm>>
      %dma_start3A_11 = tpu.memref_squeeze %dma_start3A_10 : memref<1x80x128xi32, #tpu.memory_space<hbm>> -> memref<80x128xi32, #tpu.memory_space<hbm>>
      %dma_start3A_12 = arith.constant 0 : i32
      %dma_start3A_13 = arith.constant 0 : i32
      %dma_start3A_14 = tpu.memref_slice %arg3[%add3A, %dma_start3A_12, %dma_start3A_13] : memref<32x80x128xi32, #tpu.memory_space<hbm>> -> memref<1x80x128xi32, #tpu.memory_space<hbm>>
      %dma_start3A_15 = tpu.memref_squeeze %dma_start3A_14 : memref<1x80x128xi32, #tpu.memory_space<hbm>> -> memref<80x128xi32, #tpu.memory_space<hbm>>
      tpu.enqueue_dma source(%dma_start3A_15 : memref<80x128xi32, #tpu.memory_space<hbm>>) target(%arg7 : memref<80x128xi32, #tpu.memory_space<vmem>>) target_semaphore(%run_scoped3A : memref<!tpu.dma_semaphore, #tpu.memory_space<semaphore_mem>>)
      %dma_wait3A = arith.constant 0 : i32
      %dma_wait3A_16 = arith.constant 0 : i32
      %dma_wait3A_17 = tpu.memref_slice %arg3[%add3A, %dma_wait3A, %dma_wait3A_16] : memref<32x80x128xi32, #tpu.memory_space<hbm>> -> memref<1x80x128xi32, #tpu.memory_space<hbm>>
      %dma_wait3A_18 = tpu.memref_squeeze %dma_wait3A_17 : memref<1x80x128xi32, #tpu.memory_space<hbm>> -> memref<80x128xi32, #tpu.memory_space<hbm>>
      %dma_wait3A_19 = arith.constant 0 : i32
      %dma_wait3A_20 = arith.constant 0 : i32
      %dma_wait3A_21 = tpu.memref_slice %arg3[%add3A, %dma_wait3A_19, %dma_wait3A_20] : memref<32x80x128xi32, #tpu.memory_space<hbm>> -> memref<1x80x128xi32, #tpu.memory_space<hbm>>
      %dma_wait3A_22 = tpu.memref_squeeze %dma_wait3A_21 : memref<1x80x128xi32, #tpu.memory_space<hbm>> -> memref<80x128xi32, #tpu.memory_space<hbm>>
      tpu.wait_dma2 semaphore(%run_scoped3A : memref<!tpu.dma_semaphore, #tpu.memory_space<semaphore_mem>>) src(%dma_wait3A_22 : memref<80x128xi32, #tpu.memory_space<hbm>>) dst(%arg7 : memref<80x128xi32, #tpu.memory_space<vmem>>)
      tpu.yield
    }) : () -> ()
    "tpu.region"() ({
      %run_scoped3A = tpu.sem_alloc : memref<!tpu.dma_semaphore, #tpu.memory_space<semaphore_mem>>
      %dma_start3A = arith.constant 0 : i32
      %dma_start3A_9 = arith.constant 0 : i32
      %dma_start3A_10 = tpu.memref_slice %arg4[%add3A, %dma_start3A, %dma_start3A_9] : memref<32x80x128xi32, #tpu.memory_space<hbm>> -> memref<1x80x128xi32, #tpu.memory_space<hbm>>
      %dma_start3A_11 = tpu.memref_squeeze %dma_start3A_10 : memref<1x80x128xi32, #tpu.memory_space<hbm>> -> memref<80x128xi32, #tpu.memory_space<hbm>>
      %dma_start3A_12 = arith.constant 0 : i32
      %dma_start3A_13 = arith.constant 0 : i32
      %dma_start3A_14 = tpu.memref_slice %arg4[%add3A, %dma_start3A_12, %dma_start3A_13] : memref<32x80x128xi32, #tpu.memory_space<hbm>> -> memref<1x80x128xi32, #tpu.memory_space<hbm>>
      %dma_start3A_15 = tpu.memref_squeeze %dma_start3A_14 : memref<1x80x128xi32, #tpu.memory_space<hbm>> -> memref<80x128xi32, #tpu.memory_space<hbm>>
      tpu.enqueue_dma source(%dma_start3A_15 : memref<80x128xi32, #tpu.memory_space<hbm>>) target(%arg8 : memref<80x128xi32, #tpu.memory_space<vmem>>) target_semaphore(%run_scoped3A : memref<!tpu.dma_semaphore, #tpu.memory_space<semaphore_mem>>)
      %dma_wait3A = arith.constant 0 : i32
      %dma_wait3A_16 = arith.constant 0 : i32
      %dma_wait3A_17 = tpu.memref_slice %arg4[%add3A, %dma_wait3A, %dma_wait3A_16] : memref<32x80x128xi32, #tpu.memory_space<hbm>> -> memref<1x80x128xi32, #tpu.memory_space<hbm>>
      %dma_wait3A_18 = tpu.memref_squeeze %dma_wait3A_17 : memref<1x80x128xi32, #tpu.memory_space<hbm>> -> memref<80x128xi32, #tpu.memory_space<hbm>>
      %dma_wait3A_19 = arith.constant 0 : i32
      %dma_wait3A_20 = arith.constant 0 : i32
      %dma_wait3A_21 = tpu.memref_slice %arg4[%add3A, %dma_wait3A_19, %dma_wait3A_20] : memref<32x80x128xi32, #tpu.memory_space<hbm>> -> memref<1x80x128xi32, #tpu.memory_space<hbm>>
      %dma_wait3A_22 = tpu.memref_squeeze %dma_wait3A_21 : memref<1x80x128xi32, #tpu.memory_space<hbm>> -> memref<80x128xi32, #tpu.memory_space<hbm>>
      tpu.wait_dma2 semaphore(%run_scoped3A : memref<!tpu.dma_semaphore, #tpu.memory_space<semaphore_mem>>) src(%dma_wait3A_22 : memref<80x128xi32, #tpu.memory_space<hbm>>) dst(%arg8 : memref<80x128xi32, #tpu.memory_space<vmem>>)
      tpu.yield
    }) : () -> ()
    %barrier3A = arith.constant 0 : index
    tpu.barrier barrier_id(%barrier3A)
    %scan3A = arith.constant 0 : i32
    %scan3A_3 = arith.constant 0 : i32
    %scan3A_4 = arith.constant 10 : i32
    %scan3A_5 = arith.addi %scan3A_3, %scan3A_4 : i32
    %scan3A_6 = arith.constant 1 : i32
    scf.for %scan3A_9 = %scan3A_3 to %scan3A_5 step %scan3A_6  : i32 {
      %mul3A_10 = arith.constant 8 : i32
      %mul3A_11 = arith.muli %scan3A_9, %mul3A_10 : i32
      %add3A_12 = arith.constant 0 : i32
      %add3A_13 = arith.addi %mul3A_11, %add3A_12 : i32
      %dma_start3A = arith.constant 0 : i32
      %dma_start3A_14 = arith.constant 0 : i32
      %dma_start3A_15 = arith.constant 0 : i32
      %dma_start3A_16 = arith.constant 0 : i32
      %dma_start3A_17 = tpu.memref_slice %arg9[%dma_start3A, %dma_start3A_15, %dma_start3A_16] : memref<8x128x64xf32, #tpu.memory_space<vmem>> -> memref<1x128x64xf32, #tpu.memory_space<vmem>>
      %dma_start3A_18 = tpu.memref_squeeze %dma_start3A_17 : memref<1x128x64xf32, #tpu.memory_space<vmem>> -> memref<128x64xf32, #tpu.memory_space<vmem>>
      %dma_start3A_19 = arith.constant 0 : i32
      %dma_start3A_20 = tpu.memref_slice %arg7[%add3A_13, %dma_start3A_19] : memref<80x128xi32, #tpu.memory_space<vmem>> -> memref<1x128xi32, #tpu.memory_space<vmem>>
      %dma_start3A_21 = tpu.memref_squeeze %dma_start3A_20 : memref<1x128xi32, #tpu.memory_space<vmem>> -> memref<128xi32, #tpu.memory_space<vmem>>
      %dma_start3A_22 = arith.constant 0 : i32
      %dma_start3A_23 = arith.constant 0 : i32
      %dma_start3A_24 = tpu.memref_slice %arg2[%dma_start3A_22, %dma_start3A_23] : memref<10112x64xf32, #tpu.memory_space<hbm>> -> memref<10112x64xf32, #tpu.memory_space<hbm>>
      %dma_start3A_25 = tpu.memref_slice %arg10[%dma_start3A_14] : memref<8x!tpu.dma_semaphore, #tpu.memory_space<semaphore_mem>> -> memref<1x!tpu.dma_semaphore, #tpu.memory_space<semaphore_mem>>
      %dma_start3A_26 = tpu.memref_squeeze %dma_start3A_25 : memref<1x!tpu.dma_semaphore, #tpu.memory_space<semaphore_mem>> -> memref<!tpu.dma_semaphore, #tpu.memory_space<semaphore_mem>>
      tpu.enqueue_indirect_dma source(%dma_start3A_24 : memref<10112x64xf32, #tpu.memory_space<hbm>>) target(%dma_start3A_18 : memref<128x64xf32, #tpu.memory_space<vmem>>) offsets(%dma_start3A_21 : memref<128xi32, #tpu.memory_space<vmem>>) semaphore(%dma_start3A_26 : memref<!tpu.dma_semaphore, #tpu.memory_space<semaphore_mem>>)
      %add3A_27 = arith.constant 1 : i32
      %add3A_28 = arith.addi %mul3A_11, %add3A_27 : i32
      %dma_start3A_29 = arith.constant 1 : i32
      %dma_start3A_30 = arith.constant 1 : i32
      %dma_start3A_31 = arith.constant 0 : i32
      %dma_start3A_32 = arith.constant 0 : i32
      %dma_start3A_33 = tpu.memref_slice %arg9[%dma_start3A_29, %dma_start3A_31, %dma_start3A_32] : memref<8x128x64xf32, #tpu.memory_space<vmem>> -> memref<1x128x64xf32, #tpu.memory_space<vmem>>
      %dma_start3A_34 = tpu.memref_squeeze %dma_start3A_33 : memref<1x128x64xf32, #tpu.memory_space<vmem>> -> memref<128x64xf32, #tpu.memory_space<vmem>>
      %dma_start3A_35 = arith.constant 0 : i32
      %dma_start3A_36 = tpu.memref_slice %arg7[%add3A_28, %dma_start3A_35] : memref<80x128xi32, #tpu.memory_space<vmem>> -> memref<1x128xi32, #tpu.memory_space<vmem>>
      %dma_start3A_37 = tpu.memref_squeeze %dma_start3A_36 : memref<1x128xi32, #tpu.memory_space<vmem>> -> memref<128xi32, #tpu.memory_space<vmem>>
      %dma_start3A_38 = arith.constant 0 : i32
      %dma_start3A_39 = arith.constant 0 : i32
      %dma_start3A_40 = tpu.memref_slice %arg2[%dma_start3A_38, %dma_start3A_39] : memref<10112x64xf32, #tpu.memory_space<hbm>> -> memref<10112x64xf32, #tpu.memory_space<hbm>>
      %dma_start3A_41 = tpu.memref_slice %arg10[%dma_start3A_30] : memref<8x!tpu.dma_semaphore, #tpu.memory_space<semaphore_mem>> -> memref<1x!tpu.dma_semaphore, #tpu.memory_space<semaphore_mem>>
      %dma_start3A_42 = tpu.memref_squeeze %dma_start3A_41 : memref<1x!tpu.dma_semaphore, #tpu.memory_space<semaphore_mem>> -> memref<!tpu.dma_semaphore, #tpu.memory_space<semaphore_mem>>
      tpu.enqueue_indirect_dma source(%dma_start3A_40 : memref<10112x64xf32, #tpu.memory_space<hbm>>) target(%dma_start3A_34 : memref<128x64xf32, #tpu.memory_space<vmem>>) offsets(%dma_start3A_37 : memref<128xi32, #tpu.memory_space<vmem>>) semaphore(%dma_start3A_42 : memref<!tpu.dma_semaphore, #tpu.memory_space<semaphore_mem>>)
      %add3A_43 = arith.constant 2 : i32
      %add3A_44 = arith.addi %mul3A_11, %add3A_43 : i32
      %dma_start3A_45 = arith.constant 2 : i32
      %dma_start3A_46 = arith.constant 2 : i32
      %dma_start3A_47 = arith.constant 0 : i32
      %dma_start3A_48 = arith.constant 0 : i32
      %dma_start3A_49 = tpu.memref_slice %arg9[%dma_start3A_45, %dma_start3A_47, %dma_start3A_48] : memref<8x128x64xf32, #tpu.memory_space<vmem>> -> memref<1x128x64xf32, #tpu.memory_space<vmem>>
      %dma_start3A_50 = tpu.memref_squeeze %dma_start3A_49 : memref<1x128x64xf32, #tpu.memory_space<vmem>> -> memref<128x64xf32, #tpu.memory_space<vmem>>
      %dma_start3A_51 = arith.constant 0 : i32
      %dma_start3A_52 = tpu.memref_slice %arg7[%add3A_44, %dma_start3A_51] : memref<80x128xi32, #tpu.memory_space<vmem>> -> memref<1x128xi32, #tpu.memory_space<vmem>>
      %dma_start3A_53 = tpu.memref_squeeze %dma_start3A_52 : memref<1x128xi32, #tpu.memory_space<vmem>> -> memref<128xi32, #tpu.memory_space<vmem>>
      %dma_start3A_54 = arith.constant 0 : i32
      %dma_start3A_55 = arith.constant 0 : i32
      %dma_start3A_56 = tpu.memref_slice %arg2[%dma_start3A_54, %dma_start3A_55] : memref<10112x64xf32, #tpu.memory_space<hbm>> -> memref<10112x64xf32, #tpu.memory_space<hbm>>
      %dma_start3A_57 = tpu.memref_slice %arg10[%dma_start3A_46] : memref<8x!tpu.dma_semaphore, #tpu.memory_space<semaphore_mem>> -> memref<1x!tpu.dma_semaphore, #tpu.memory_space<semaphore_mem>>
      %dma_start3A_58 = tpu.memref_squeeze %dma_start3A_57 : memref<1x!tpu.dma_semaphore, #tpu.memory_space<semaphore_mem>> -> memref<!tpu.dma_semaphore, #tpu.memory_space<semaphore_mem>>
      tpu.enqueue_indirect_dma source(%dma_start3A_56 : memref<10112x64xf32, #tpu.memory_space<hbm>>) target(%dma_start3A_50 : memref<128x64xf32, #tpu.memory_space<vmem>>) offsets(%dma_start3A_53 : memref<128xi32, #tpu.memory_space<vmem>>) semaphore(%dma_start3A_58 : memref<!tpu.dma_semaphore, #tpu.memory_space<semaphore_mem>>)
      %add3A_59 = arith.constant 3 : i32
      %add3A_60 = arith.addi %mul3A_11, %add3A_59 : i32
      %dma_start3A_61 = arith.constant 3 : i32
      %dma_start3A_62 = arith.constant 3 : i32
      %dma_start3A_63 = arith.constant 0 : i32
      %dma_start3A_64 = arith.constant 0 : i32
      %dma_start3A_65 = tpu.memref_slice %arg9[%dma_start3A_61, %dma_start3A_63, %dma_start3A_64] : memref<8x128x64xf32, #tpu.memory_space<vmem>> -> memref<1x128x64xf32, #tpu.memory_space<vmem>>
      %dma_start3A_66 = tpu.memref_squeeze %dma_start3A_65 : memref<1x128x64xf32, #tpu.memory_space<vmem>> -> memref<128x64xf32, #tpu.memory_space<vmem>>
      %dma_start3A_67 = arith.constant 0 : i32
      %dma_start3A_68 = tpu.memref_slice %arg7[%add3A_60, %dma_start3A_67] : memref<80x128xi32, #tpu.memory_space<vmem>> -> memref<1x128xi32, #tpu.memory_space<vmem>>
      %dma_start3A_69 = tpu.memref_squeeze %dma_start3A_68 : memref<1x128xi32, #tpu.memory_space<vmem>> -> memref<128xi32, #tpu.memory_space<vmem>>
      %dma_start3A_70 = arith.constant 0 : i32
      %dma_start3A_71 = arith.constant 0 : i32
      %dma_start3A_72 = tpu.memref_slice %arg2[%dma_start3A_70, %dma_start3A_71] : memref<10112x64xf32, #tpu.memory_space<hbm>> -> memref<10112x64xf32, #tpu.memory_space<hbm>>
      %dma_start3A_73 = tpu.memref_slice %arg10[%dma_start3A_62] : memref<8x!tpu.dma_semaphore, #tpu.memory_space<semaphore_mem>> -> memref<1x!tpu.dma_semaphore, #tpu.memory_space<semaphore_mem>>
      %dma_start3A_74 = tpu.memref_squeeze %dma_start3A_73 : memref<1x!tpu.dma_semaphore, #tpu.memory_space<semaphore_mem>> -> memref<!tpu.dma_semaphore, #tpu.memory_space<semaphore_mem>>
      tpu.enqueue_indirect_dma source(%dma_start3A_72 : memref<10112x64xf32, #tpu.memory_space<hbm>>) target(%dma_start3A_66 : memref<128x64xf32, #tpu.memory_space<vmem>>) offsets(%dma_start3A_69 : memref<128xi32, #tpu.memory_space<vmem>>) semaphore(%dma_start3A_74 : memref<!tpu.dma_semaphore, #tpu.memory_space<semaphore_mem>>)
      %add3A_75 = arith.constant 4 : i32
      %add3A_76 = arith.addi %mul3A_11, %add3A_75 : i32
      %dma_start3A_77 = arith.constant 4 : i32
      %dma_start3A_78 = arith.constant 4 : i32
      %dma_start3A_79 = arith.constant 0 : i32
      %dma_start3A_80 = arith.constant 0 : i32
      %dma_start3A_81 = tpu.memref_slice %arg9[%dma_start3A_77, %dma_start3A_79, %dma_start3A_80] : memref<8x128x64xf32, #tpu.memory_space<vmem>> -> memref<1x128x64xf32, #tpu.memory_space<vmem>>
      %dma_start3A_82 = tpu.memref_squeeze %dma_start3A_81 : memref<1x128x64xf32, #tpu.memory_space<vmem>> -> memref<128x64xf32, #tpu.memory_space<vmem>>
      %dma_start3A_83 = arith.constant 0 : i32
      %dma_start3A_84 = tpu.memref_slice %arg7[%add3A_76, %dma_start3A_83] : memref<80x128xi32, #tpu.memory_space<vmem>> -> memref<1x128xi32, #tpu.memory_space<vmem>>
      %dma_start3A_85 = tpu.memref_squeeze %dma_start3A_84 : memref<1x128xi32, #tpu.memory_space<vmem>> -> memref<128xi32, #tpu.memory_space<vmem>>
      %dma_start3A_86 = arith.constant 0 : i32
      %dma_start3A_87 = arith.constant 0 : i32
      %dma_start3A_88 = tpu.memref_slice %arg2[%dma_start3A_86, %dma_start3A_87] : memref<10112x64xf32, #tpu.memory_space<hbm>> -> memref<10112x64xf32, #tpu.memory_space<hbm>>
      %dma_start3A_89 = tpu.memref_slice %arg10[%dma_start3A_78] : memref<8x!tpu.dma_semaphore, #tpu.memory_space<semaphore_mem>> -> memref<1x!tpu.dma_semaphore, #tpu.memory_space<semaphore_mem>>
      %dma_start3A_90 = tpu.memref_squeeze %dma_start3A_89 : memref<1x!tpu.dma_semaphore, #tpu.memory_space<semaphore_mem>> -> memref<!tpu.dma_semaphore, #tpu.memory_space<semaphore_mem>>
      tpu.enqueue_indirect_dma source(%dma_start3A_88 : memref<10112x64xf32, #tpu.memory_space<hbm>>) target(%dma_start3A_82 : memref<128x64xf32, #tpu.memory_space<vmem>>) offsets(%dma_start3A_85 : memref<128xi32, #tpu.memory_space<vmem>>) semaphore(%dma_start3A_90 : memref<!tpu.dma_semaphore, #tpu.memory_space<semaphore_mem>>)
      %add3A_91 = arith.constant 5 : i32
      %add3A_92 = arith.addi %mul3A_11, %add3A_91 : i32
      %dma_start3A_93 = arith.constant 5 : i32
      %dma_start3A_94 = arith.constant 5 : i32
      %dma_start3A_95 = arith.constant 0 : i32
      %dma_start3A_96 = arith.constant 0 : i32
      %dma_start3A_97 = tpu.memref_slice %arg9[%dma_start3A_93, %dma_start3A_95, %dma_start3A_96] : memref<8x128x64xf32, #tpu.memory_space<vmem>> -> memref<1x128x64xf32, #tpu.memory_space<vmem>>
      %dma_start3A_98 = tpu.memref_squeeze %dma_start3A_97 : memref<1x128x64xf32, #tpu.memory_space<vmem>> -> memref<128x64xf32, #tpu.memory_space<vmem>>
      %dma_start3A_99 = arith.constant 0 : i32
      %dma_start3A_100 = tpu.memref_slice %arg7[%add3A_92, %dma_start3A_99] : memref<80x128xi32, #tpu.memory_space<vmem>> -> memref<1x128xi32, #tpu.memory_space<vmem>>
      %dma_start3A_101 = tpu.memref_squeeze %dma_start3A_100 : memref<1x128xi32, #tpu.memory_space<vmem>> -> memref<128xi32, #tpu.memory_space<vmem>>
      %dma_start3A_102 = arith.constant 0 : i32
      %dma_start3A_103 = arith.constant 0 : i32
      %dma_start3A_104 = tpu.memref_slice %arg2[%dma_start3A_102, %dma_start3A_103] : memref<10112x64xf32, #tpu.memory_space<hbm>> -> memref<10112x64xf32, #tpu.memory_space<hbm>>
      %dma_start3A_105 = tpu.memref_slice %arg10[%dma_start3A_94] : memref<8x!tpu.dma_semaphore, #tpu.memory_space<semaphore_mem>> -> memref<1x!tpu.dma_semaphore, #tpu.memory_space<semaphore_mem>>
      %dma_start3A_106 = tpu.memref_squeeze %dma_start3A_105 : memref<1x!tpu.dma_semaphore, #tpu.memory_space<semaphore_mem>> -> memref<!tpu.dma_semaphore, #tpu.memory_space<semaphore_mem>>
      tpu.enqueue_indirect_dma source(%dma_start3A_104 : memref<10112x64xf32, #tpu.memory_space<hbm>>) target(%dma_start3A_98 : memref<128x64xf32, #tpu.memory_space<vmem>>) offsets(%dma_start3A_101 : memref<128xi32, #tpu.memory_space<vmem>>) semaphore(%dma_start3A_106 : memref<!tpu.dma_semaphore, #tpu.memory_space<semaphore_mem>>)
      %add3A_107 = arith.constant 6 : i32
      %add3A_108 = arith.addi %mul3A_11, %add3A_107 : i32
      %dma_start3A_109 = arith.constant 6 : i32
      %dma_start3A_110 = arith.constant 6 : i32
      %dma_start3A_111 = arith.constant 0 : i32
      %dma_start3A_112 = arith.constant 0 : i32
      %dma_start3A_113 = tpu.memref_slice %arg9[%dma_start3A_109, %dma_start3A_111, %dma_start3A_112] : memref<8x128x64xf32, #tpu.memory_space<vmem>> -> memref<1x128x64xf32, #tpu.memory_space<vmem>>
      %dma_start3A_114 = tpu.memref_squeeze %dma_start3A_113 : memref<1x128x64xf32, #tpu.memory_space<vmem>> -> memref<128x64xf32, #tpu.memory_space<vmem>>
      %dma_start3A_115 = arith.constant 0 : i32
      %dma_start3A_116 = tpu.memref_slice %arg7[%add3A_108, %dma_start3A_115] : memref<80x128xi32, #tpu.memory_space<vmem>> -> memref<1x128xi32, #tpu.memory_space<vmem>>
      %dma_start3A_117 = tpu.memref_squeeze %dma_start3A_116 : memref<1x128xi32, #tpu.memory_space<vmem>> -> memref<128xi32, #tpu.memory_space<vmem>>
      %dma_start3A_118 = arith.constant 0 : i32
      %dma_start3A_119 = arith.constant 0 : i32
      %dma_start3A_120 = tpu.memref_slice %arg2[%dma_start3A_118, %dma_start3A_119] : memref<10112x64xf32, #tpu.memory_space<hbm>> -> memref<10112x64xf32, #tpu.memory_space<hbm>>
      %dma_start3A_121 = tpu.memref_slice %arg10[%dma_start3A_110] : memref<8x!tpu.dma_semaphore, #tpu.memory_space<semaphore_mem>> -> memref<1x!tpu.dma_semaphore, #tpu.memory_space<semaphore_mem>>
      %dma_start3A_122 = tpu.memref_squeeze %dma_start3A_121 : memref<1x!tpu.dma_semaphore, #tpu.memory_space<semaphore_mem>> -> memref<!tpu.dma_semaphore, #tpu.memory_space<semaphore_mem>>
      tpu.enqueue_indirect_dma source(%dma_start3A_120 : memref<10112x64xf32, #tpu.memory_space<hbm>>) target(%dma_start3A_114 : memref<128x64xf32, #tpu.memory_space<vmem>>) offsets(%dma_start3A_117 : memref<128xi32, #tpu.memory_space<vmem>>) semaphore(%dma_start3A_122 : memref<!tpu.dma_semaphore, #tpu.memory_space<semaphore_mem>>)
      %add3A_123 = arith.constant 7 : i32
      %add3A_124 = arith.addi %mul3A_11, %add3A_123 : i32
      %dma_start3A_125 = arith.constant 7 : i32
      %dma_start3A_126 = arith.constant 7 : i32
      %dma_start3A_127 = arith.constant 0 : i32
      %dma_start3A_128 = arith.constant 0 : i32
      %dma_start3A_129 = tpu.memref_slice %arg9[%dma_start3A_125, %dma_start3A_127, %dma_start3A_128] : memref<8x128x64xf32, #tpu.memory_space<vmem>> -> memref<1x128x64xf32, #tpu.memory_space<vmem>>
      %dma_start3A_130 = tpu.memref_squeeze %dma_start3A_129 : memref<1x128x64xf32, #tpu.memory_space<vmem>> -> memref<128x64xf32, #tpu.memory_space<vmem>>
      %dma_start3A_131 = arith.constant 0 : i32
      %dma_start3A_132 = tpu.memref_slice %arg7[%add3A_124, %dma_start3A_131] : memref<80x128xi32, #tpu.memory_space<vmem>> -> memref<1x128xi32, #tpu.memory_space<vmem>>
      %dma_start3A_133 = tpu.memref_squeeze %dma_start3A_132 : memref<1x128xi32, #tpu.memory_space<vmem>> -> memref<128xi32, #tpu.memory_space<vmem>>
      %dma_start3A_134 = arith.constant 0 : i32
      %dma_start3A_135 = arith.constant 0 : i32
      %dma_start3A_136 = tpu.memref_slice %arg2[%dma_start3A_134, %dma_start3A_135] : memref<10112x64xf32, #tpu.memory_space<hbm>> -> memref<10112x64xf32, #tpu.memory_space<hbm>>
      %dma_start3A_137 = tpu.memref_slice %arg10[%dma_start3A_126] : memref<8x!tpu.dma_semaphore, #tpu.memory_space<semaphore_mem>> -> memref<1x!tpu.dma_semaphore, #tpu.memory_space<semaphore_mem>>
      %dma_start3A_138 = tpu.memref_squeeze %dma_start3A_137 : memref<1x!tpu.dma_semaphore, #tpu.memory_space<semaphore_mem>> -> memref<!tpu.dma_semaphore, #tpu.memory_space<semaphore_mem>>
      tpu.enqueue_indirect_dma source(%dma_start3A_136 : memref<10112x64xf32, #tpu.memory_space<hbm>>) target(%dma_start3A_130 : memref<128x64xf32, #tpu.memory_space<vmem>>) offsets(%dma_start3A_133 : memref<128xi32, #tpu.memory_space<vmem>>) semaphore(%dma_start3A_138 : memref<!tpu.dma_semaphore, #tpu.memory_space<semaphore_mem>>)
      %dma_wait3A = arith.constant 0 : i32
      %dma_wait3A_139 = arith.constant 0 : i32
      %dma_wait3A_140 = arith.constant 0 : i32
      %dma_wait3A_141 = arith.constant 0 : i32
      %dma_wait3A_142 = tpu.memref_slice %arg9[%dma_wait3A, %dma_wait3A_140, %dma_wait3A_141] : memref<8x128x64xf32, #tpu.memory_space<vmem>> -> memref<1x128x64xf32, #tpu.memory_space<vmem>>
      %dma_wait3A_143 = tpu.memref_squeeze %dma_wait3A_142 : memref<1x128x64xf32, #tpu.memory_space<vmem>> -> memref<128x64xf32, #tpu.memory_space<vmem>>
      %dma_wait3A_144 = arith.constant 0 : i32
      %dma_wait3A_145 = tpu.memref_slice %arg7[%add3A_13, %dma_wait3A_144] : memref<80x128xi32, #tpu.memory_space<vmem>> -> memref<1x128xi32, #tpu.memory_space<vmem>>
      %dma_wait3A_146 = tpu.memref_squeeze %dma_wait3A_145 : memref<1x128xi32, #tpu.memory_space<vmem>> -> memref<128xi32, #tpu.memory_space<vmem>>
      %dma_wait3A_147 = arith.constant 0 : i32
      %dma_wait3A_148 = arith.constant 0 : i32
      %dma_wait3A_149 = tpu.memref_slice %arg2[%dma_wait3A_147, %dma_wait3A_148] : memref<10112x64xf32, #tpu.memory_space<hbm>> -> memref<10112x64xf32, #tpu.memory_space<hbm>>
      %dma_wait3A_150 = tpu.memref_slice %arg10[%dma_wait3A_139] : memref<8x!tpu.dma_semaphore, #tpu.memory_space<semaphore_mem>> -> memref<1x!tpu.dma_semaphore, #tpu.memory_space<semaphore_mem>>
      %dma_wait3A_151 = tpu.memref_squeeze %dma_wait3A_150 : memref<1x!tpu.dma_semaphore, #tpu.memory_space<semaphore_mem>> -> memref<!tpu.dma_semaphore, #tpu.memory_space<semaphore_mem>>
      tpu.wait_indirect_dma semaphore(%dma_wait3A_151 : memref<!tpu.dma_semaphore, #tpu.memory_space<semaphore_mem>>) src(%dma_wait3A_149 : memref<10112x64xf32, #tpu.memory_space<hbm>>) dst(%dma_wait3A_143 : memref<128x64xf32, #tpu.memory_space<vmem>>)
      %add3A_152 = arith.constant 0 : i32
      %add3A_153 = arith.addi %mul3A_11, %add3A_152 : i32
      %dma_start3A_154 = arith.constant 0 : i32
      %dma_start3A_155 = arith.constant 0 : i32
      %dma_start3A_156 = arith.constant 0 : i32
      %dma_start3A_157 = arith.constant 0 : i32
      %dma_start3A_158 = tpu.memref_slice %arg9[%dma_start3A_154, %dma_start3A_156, %dma_start3A_157] : memref<8x128x64xf32, #tpu.memory_space<vmem>> -> memref<1x128x64xf32, #tpu.memory_space<vmem>>
      %dma_start3A_159 = tpu.memref_squeeze %dma_start3A_158 : memref<1x128x64xf32, #tpu.memory_space<vmem>> -> memref<128x64xf32, #tpu.memory_space<vmem>>
      %dma_start3A_160 = arith.constant 0 : i32
      %dma_start3A_161 = tpu.memref_slice %arg8[%add3A_153, %dma_start3A_160] : memref<80x128xi32, #tpu.memory_space<vmem>> -> memref<1x128xi32, #tpu.memory_space<vmem>>
      %dma_start3A_162 = tpu.memref_squeeze %dma_start3A_161 : memref<1x128xi32, #tpu.memory_space<vmem>> -> memref<128xi32, #tpu.memory_space<vmem>>
      %dma_start3A_163 = arith.constant 0 : i32
      %dma_start3A_164 = arith.constant 0 : i32
      %dma_start3A_165 = tpu.memref_slice %arg12[%dma_start3A_163, %dma_start3A_164] : memref<10112x64xf32, #tpu.memory_space<vmem_shared>> -> memref<10112x64xf32, #tpu.memory_space<vmem_shared>>
      %dma_start3A_166 = tpu.memref_slice %arg11[%dma_start3A_155] : memref<8x!tpu.dma_semaphore, #tpu.memory_space<semaphore_mem>> -> memref<1x!tpu.dma_semaphore, #tpu.memory_space<semaphore_mem>>
      %dma_start3A_167 = tpu.memref_squeeze %dma_start3A_166 : memref<1x!tpu.dma_semaphore, #tpu.memory_space<semaphore_mem>> -> memref<!tpu.dma_semaphore, #tpu.memory_space<semaphore_mem>>
      tpu.enqueue_indirect_dma source(%dma_start3A_159 : memref<128x64xf32, #tpu.memory_space<vmem>>) target(%dma_start3A_165 : memref<10112x64xf32, #tpu.memory_space<vmem_shared>>) offsets(%dma_start3A_162 : memref<128xi32, #tpu.memory_space<vmem>>) semaphore(%dma_start3A_167 : memref<!tpu.dma_semaphore, #tpu.memory_space<semaphore_mem>>) {add = true}
      %dma_wait3A_168 = arith.constant 1 : i32
      %dma_wait3A_169 = arith.constant 1 : i32
      %dma_wait3A_170 = arith.constant 0 : i32
      %dma_wait3A_171 = arith.constant 0 : i32
      %dma_wait3A_172 = tpu.memref_slice %arg9[%dma_wait3A_168, %dma_wait3A_170, %dma_wait3A_171] : memref<8x128x64xf32, #tpu.memory_space<vmem>> -> memref<1x128x64xf32, #tpu.memory_space<vmem>>
      %dma_wait3A_173 = tpu.memref_squeeze %dma_wait3A_172 : memref<1x128x64xf32, #tpu.memory_space<vmem>> -> memref<128x64xf32, #tpu.memory_space<vmem>>
      %dma_wait3A_174 = arith.constant 0 : i32
      %dma_wait3A_175 = tpu.memref_slice %arg7[%add3A_28, %dma_wait3A_174] : memref<80x128xi32, #tpu.memory_space<vmem>> -> memref<1x128xi32, #tpu.memory_space<vmem>>
      %dma_wait3A_176 = tpu.memref_squeeze %dma_wait3A_175 : memref<1x128xi32, #tpu.memory_space<vmem>> -> memref<128xi32, #tpu.memory_space<vmem>>
      %dma_wait3A_177 = arith.constant 0 : i32
      %dma_wait3A_178 = arith.constant 0 : i32
      %dma_wait3A_179 = tpu.memref_slice %arg2[%dma_wait3A_177, %dma_wait3A_178] : memref<10112x64xf32, #tpu.memory_space<hbm>> -> memref<10112x64xf32, #tpu.memory_space<hbm>>
      %dma_wait3A_180 = tpu.memref_slice %arg10[%dma_wait3A_169] : memref<8x!tpu.dma_semaphore, #tpu.memory_space<semaphore_mem>> -> memref<1x!tpu.dma_semaphore, #tpu.memory_space<semaphore_mem>>
      %dma_wait3A_181 = tpu.memref_squeeze %dma_wait3A_180 : memref<1x!tpu.dma_semaphore, #tpu.memory_space<semaphore_mem>> -> memref<!tpu.dma_semaphore, #tpu.memory_space<semaphore_mem>>
      tpu.wait_indirect_dma semaphore(%dma_wait3A_181 : memref<!tpu.dma_semaphore, #tpu.memory_space<semaphore_mem>>) src(%dma_wait3A_179 : memref<10112x64xf32, #tpu.memory_space<hbm>>) dst(%dma_wait3A_173 : memref<128x64xf32, #tpu.memory_space<vmem>>)
      %add3A_182 = arith.constant 1 : i32
      %add3A_183 = arith.addi %mul3A_11, %add3A_182 : i32
      %dma_start3A_184 = arith.constant 1 : i32
      %dma_start3A_185 = arith.constant 1 : i32
      %dma_start3A_186 = arith.constant 0 : i32
      %dma_start3A_187 = arith.constant 0 : i32
      %dma_start3A_188 = tpu.memref_slice %arg9[%dma_start3A_184, %dma_start3A_186, %dma_start3A_187] : memref<8x128x64xf32, #tpu.memory_space<vmem>> -> memref<1x128x64xf32, #tpu.memory_space<vmem>>
      %dma_start3A_189 = tpu.memref_squeeze %dma_start3A_188 : memref<1x128x64xf32, #tpu.memory_space<vmem>> -> memref<128x64xf32, #tpu.memory_space<vmem>>
      %dma_start3A_190 = arith.constant 0 : i32
      %dma_start3A_191 = tpu.memref_slice %arg8[%add3A_183, %dma_start3A_190] : memref<80x128xi32, #tpu.memory_space<vmem>> -> memref<1x128xi32, #tpu.memory_space<vmem>>
      %dma_start3A_192 = tpu.memref_squeeze %dma_start3A_191 : memref<1x128xi32, #tpu.memory_space<vmem>> -> memref<128xi32, #tpu.memory_space<vmem>>
      %dma_start3A_193 = arith.constant 0 : i32
      %dma_start3A_194 = arith.constant 0 : i32
      %dma_start3A_195 = tpu.memref_slice %arg12[%dma_start3A_193, %dma_start3A_194] : memref<10112x64xf32, #tpu.memory_space<vmem_shared>> -> memref<10112x64xf32, #tpu.memory_space<vmem_shared>>
      %dma_start3A_196 = tpu.memref_slice %arg11[%dma_start3A_185] : memref<8x!tpu.dma_semaphore, #tpu.memory_space<semaphore_mem>> -> memref<1x!tpu.dma_semaphore, #tpu.memory_space<semaphore_mem>>
      %dma_start3A_197 = tpu.memref_squeeze %dma_start3A_196 : memref<1x!tpu.dma_semaphore, #tpu.memory_space<semaphore_mem>> -> memref<!tpu.dma_semaphore, #tpu.memory_space<semaphore_mem>>
      tpu.enqueue_indirect_dma source(%dma_start3A_189 : memref<128x64xf32, #tpu.memory_space<vmem>>) target(%dma_start3A_195 : memref<10112x64xf32, #tpu.memory_space<vmem_shared>>) offsets(%dma_start3A_192 : memref<128xi32, #tpu.memory_space<vmem>>) semaphore(%dma_start3A_197 : memref<!tpu.dma_semaphore, #tpu.memory_space<semaphore_mem>>) {add = true}
      %dma_wait3A_198 = arith.constant 2 : i32
      %dma_wait3A_199 = arith.constant 2 : i32
      %dma_wait3A_200 = arith.constant 0 : i32
      %dma_wait3A_201 = arith.constant 0 : i32
      %dma_wait3A_202 = tpu.memref_slice %arg9[%dma_wait3A_198, %dma_wait3A_200, %dma_wait3A_201] : memref<8x128x64xf32, #tpu.memory_space<vmem>> -> memref<1x128x64xf32, #tpu.memory_space<vmem>>
      %dma_wait3A_203 = tpu.memref_squeeze %dma_wait3A_202 : memref<1x128x64xf32, #tpu.memory_space<vmem>> -> memref<128x64xf32, #tpu.memory_space<vmem>>
      %dma_wait3A_204 = arith.constant 0 : i32
      %dma_wait3A_205 = tpu.memref_slice %arg7[%add3A_44, %dma_wait3A_204] : memref<80x128xi32, #tpu.memory_space<vmem>> -> memref<1x128xi32, #tpu.memory_space<vmem>>
      %dma_wait3A_206 = tpu.memref_squeeze %dma_wait3A_205 : memref<1x128xi32, #tpu.memory_space<vmem>> -> memref<128xi32, #tpu.memory_space<vmem>>
      %dma_wait3A_207 = arith.constant 0 : i32
      %dma_wait3A_208 = arith.constant 0 : i32
      %dma_wait3A_209 = tpu.memref_slice %arg2[%dma_wait3A_207, %dma_wait3A_208] : memref<10112x64xf32, #tpu.memory_space<hbm>> -> memref<10112x64xf32, #tpu.memory_space<hbm>>
      %dma_wait3A_210 = tpu.memref_slice %arg10[%dma_wait3A_199] : memref<8x!tpu.dma_semaphore, #tpu.memory_space<semaphore_mem>> -> memref<1x!tpu.dma_semaphore, #tpu.memory_space<semaphore_mem>>
      %dma_wait3A_211 = tpu.memref_squeeze %dma_wait3A_210 : memref<1x!tpu.dma_semaphore, #tpu.memory_space<semaphore_mem>> -> memref<!tpu.dma_semaphore, #tpu.memory_space<semaphore_mem>>
      tpu.wait_indirect_dma semaphore(%dma_wait3A_211 : memref<!tpu.dma_semaphore, #tpu.memory_space<semaphore_mem>>) src(%dma_wait3A_209 : memref<10112x64xf32, #tpu.memory_space<hbm>>) dst(%dma_wait3A_203 : memref<128x64xf32, #tpu.memory_space<vmem>>)
      %add3A_212 = arith.constant 2 : i32
      %add3A_213 = arith.addi %mul3A_11, %add3A_212 : i32
      %dma_start3A_214 = arith.constant 2 : i32
      %dma_start3A_215 = arith.constant 2 : i32
      %dma_start3A_216 = arith.constant 0 : i32
      %dma_start3A_217 = arith.constant 0 : i32
      %dma_start3A_218 = tpu.memref_slice %arg9[%dma_start3A_214, %dma_start3A_216, %dma_start3A_217] : memref<8x128x64xf32, #tpu.memory_space<vmem>> -> memref<1x128x64xf32, #tpu.memory_space<vmem>>
      %dma_start3A_219 = tpu.memref_squeeze %dma_start3A_218 : memref<1x128x64xf32, #tpu.memory_space<vmem>> -> memref<128x64xf32, #tpu.memory_space<vmem>>
      %dma_start3A_220 = arith.constant 0 : i32
      %dma_start3A_221 = tpu.memref_slice %arg8[%add3A_213, %dma_start3A_220] : memref<80x128xi32, #tpu.memory_space<vmem>> -> memref<1x128xi32, #tpu.memory_space<vmem>>
      %dma_start3A_222 = tpu.memref_squeeze %dma_start3A_221 : memref<1x128xi32, #tpu.memory_space<vmem>> -> memref<128xi32, #tpu.memory_space<vmem>>
      %dma_start3A_223 = arith.constant 0 : i32
      %dma_start3A_224 = arith.constant 0 : i32
      %dma_start3A_225 = tpu.memref_slice %arg12[%dma_start3A_223, %dma_start3A_224] : memref<10112x64xf32, #tpu.memory_space<vmem_shared>> -> memref<10112x64xf32, #tpu.memory_space<vmem_shared>>
      %dma_start3A_226 = tpu.memref_slice %arg11[%dma_start3A_215] : memref<8x!tpu.dma_semaphore, #tpu.memory_space<semaphore_mem>> -> memref<1x!tpu.dma_semaphore, #tpu.memory_space<semaphore_mem>>
      %dma_start3A_227 = tpu.memref_squeeze %dma_start3A_226 : memref<1x!tpu.dma_semaphore, #tpu.memory_space<semaphore_mem>> -> memref<!tpu.dma_semaphore, #tpu.memory_space<semaphore_mem>>
      tpu.enqueue_indirect_dma source(%dma_start3A_219 : memref<128x64xf32, #tpu.memory_space<vmem>>) target(%dma_start3A_225 : memref<10112x64xf32, #tpu.memory_space<vmem_shared>>) offsets(%dma_start3A_222 : memref<128xi32, #tpu.memory_space<vmem>>) semaphore(%dma_start3A_227 : memref<!tpu.dma_semaphore, #tpu.memory_space<semaphore_mem>>) {add = true}
      %dma_wait3A_228 = arith.constant 3 : i32
      %dma_wait3A_229 = arith.constant 3 : i32
      %dma_wait3A_230 = arith.constant 0 : i32
      %dma_wait3A_231 = arith.constant 0 : i32
      %dma_wait3A_232 = tpu.memref_slice %arg9[%dma_wait3A_228, %dma_wait3A_230, %dma_wait3A_231] : memref<8x128x64xf32, #tpu.memory_space<vmem>> -> memref<1x128x64xf32, #tpu.memory_space<vmem>>
      %dma_wait3A_233 = tpu.memref_squeeze %dma_wait3A_232 : memref<1x128x64xf32, #tpu.memory_space<vmem>> -> memref<128x64xf32, #tpu.memory_space<vmem>>
      %dma_wait3A_234 = arith.constant 0 : i32
      %dma_wait3A_235 = tpu.memref_slice %arg7[%add3A_60, %dma_wait3A_234] : memref<80x128xi32, #tpu.memory_space<vmem>> -> memref<1x128xi32, #tpu.memory_space<vmem>>
      %dma_wait3A_236 = tpu.memref_squeeze %dma_wait3A_235 : memref<1x128xi32, #tpu.memory_space<vmem>> -> memref<128xi32, #tpu.memory_space<vmem>>
      %dma_wait3A_237 = arith.constant 0 : i32
      %dma_wait3A_238 = arith.constant 0 : i32
      %dma_wait3A_239 = tpu.memref_slice %arg2[%dma_wait3A_237, %dma_wait3A_238] : memref<10112x64xf32, #tpu.memory_space<hbm>> -> memref<10112x64xf32, #tpu.memory_space<hbm>>
      %dma_wait3A_240 = tpu.memref_slice %arg10[%dma_wait3A_229] : memref<8x!tpu.dma_semaphore, #tpu.memory_space<semaphore_mem>> -> memref<1x!tpu.dma_semaphore, #tpu.memory_space<semaphore_mem>>
      %dma_wait3A_241 = tpu.memref_squeeze %dma_wait3A_240 : memref<1x!tpu.dma_semaphore, #tpu.memory_space<semaphore_mem>> -> memref<!tpu.dma_semaphore, #tpu.memory_space<semaphore_mem>>
      tpu.wait_indirect_dma semaphore(%dma_wait3A_241 : memref<!tpu.dma_semaphore, #tpu.memory_space<semaphore_mem>>) src(%dma_wait3A_239 : memref<10112x64xf32, #tpu.memory_space<hbm>>) dst(%dma_wait3A_233 : memref<128x64xf32, #tpu.memory_space<vmem>>)
      %add3A_242 = arith.constant 3 : i32
      %add3A_243 = arith.addi %mul3A_11, %add3A_242 : i32
      %dma_start3A_244 = arith.constant 3 : i32
      %dma_start3A_245 = arith.constant 3 : i32
      %dma_start3A_246 = arith.constant 0 : i32
      %dma_start3A_247 = arith.constant 0 : i32
      %dma_start3A_248 = tpu.memref_slice %arg9[%dma_start3A_244, %dma_start3A_246, %dma_start3A_247] : memref<8x128x64xf32, #tpu.memory_space<vmem>> -> memref<1x128x64xf32, #tpu.memory_space<vmem>>
      %dma_start3A_249 = tpu.memref_squeeze %dma_start3A_248 : memref<1x128x64xf32, #tpu.memory_space<vmem>> -> memref<128x64xf32, #tpu.memory_space<vmem>>
      %dma_start3A_250 = arith.constant 0 : i32
      %dma_start3A_251 = tpu.memref_slice %arg8[%add3A_243, %dma_start3A_250] : memref<80x128xi32, #tpu.memory_space<vmem>> -> memref<1x128xi32, #tpu.memory_space<vmem>>
      %dma_start3A_252 = tpu.memref_squeeze %dma_start3A_251 : memref<1x128xi32, #tpu.memory_space<vmem>> -> memref<128xi32, #tpu.memory_space<vmem>>
      %dma_start3A_253 = arith.constant 0 : i32
      %dma_start3A_254 = arith.constant 0 : i32
      %dma_start3A_255 = tpu.memref_slice %arg12[%dma_start3A_253, %dma_start3A_254] : memref<10112x64xf32, #tpu.memory_space<vmem_shared>> -> memref<10112x64xf32, #tpu.memory_space<vmem_shared>>
      %dma_start3A_256 = tpu.memref_slice %arg11[%dma_start3A_245] : memref<8x!tpu.dma_semaphore, #tpu.memory_space<semaphore_mem>> -> memref<1x!tpu.dma_semaphore, #tpu.memory_space<semaphore_mem>>
      %dma_start3A_257 = tpu.memref_squeeze %dma_start3A_256 : memref<1x!tpu.dma_semaphore, #tpu.memory_space<semaphore_mem>> -> memref<!tpu.dma_semaphore, #tpu.memory_space<semaphore_mem>>
      tpu.enqueue_indirect_dma source(%dma_start3A_249 : memref<128x64xf32, #tpu.memory_space<vmem>>) target(%dma_start3A_255 : memref<10112x64xf32, #tpu.memory_space<vmem_shared>>) offsets(%dma_start3A_252 : memref<128xi32, #tpu.memory_space<vmem>>) semaphore(%dma_start3A_257 : memref<!tpu.dma_semaphore, #tpu.memory_space<semaphore_mem>>) {add = true}
      %dma_wait3A_258 = arith.constant 4 : i32
      %dma_wait3A_259 = arith.constant 4 : i32
      %dma_wait3A_260 = arith.constant 0 : i32
      %dma_wait3A_261 = arith.constant 0 : i32
      %dma_wait3A_262 = tpu.memref_slice %arg9[%dma_wait3A_258, %dma_wait3A_260, %dma_wait3A_261] : memref<8x128x64xf32, #tpu.memory_space<vmem>> -> memref<1x128x64xf32, #tpu.memory_space<vmem>>
      %dma_wait3A_263 = tpu.memref_squeeze %dma_wait3A_262 : memref<1x128x64xf32, #tpu.memory_space<vmem>> -> memref<128x64xf32, #tpu.memory_space<vmem>>
      %dma_wait3A_264 = arith.constant 0 : i32
      %dma_wait3A_265 = tpu.memref_slice %arg7[%add3A_76, %dma_wait3A_264] : memref<80x128xi32, #tpu.memory_space<vmem>> -> memref<1x128xi32, #tpu.memory_space<vmem>>
      %dma_wait3A_266 = tpu.memref_squeeze %dma_wait3A_265 : memref<1x128xi32, #tpu.memory_space<vmem>> -> memref<128xi32, #tpu.memory_space<vmem>>
      %dma_wait3A_267 = arith.constant 0 : i32
      %dma_wait3A_268 = arith.constant 0 : i32
      %dma_wait3A_269 = tpu.memref_slice %arg2[%dma_wait3A_267, %dma_wait3A_268] : memref<10112x64xf32, #tpu.memory_space<hbm>> -> memref<10112x64xf32, #tpu.memory_space<hbm>>
      %dma_wait3A_270 = tpu.memref_slice %arg10[%dma_wait3A_259] : memref<8x!tpu.dma_semaphore, #tpu.memory_space<semaphore_mem>> -> memref<1x!tpu.dma_semaphore, #tpu.memory_space<semaphore_mem>>
      %dma_wait3A_271 = tpu.memref_squeeze %dma_wait3A_270 : memref<1x!tpu.dma_semaphore, #tpu.memory_space<semaphore_mem>> -> memref<!tpu.dma_semaphore, #tpu.memory_space<semaphore_mem>>
      tpu.wait_indirect_dma semaphore(%dma_wait3A_271 : memref<!tpu.dma_semaphore, #tpu.memory_space<semaphore_mem>>) src(%dma_wait3A_269 : memref<10112x64xf32, #tpu.memory_space<hbm>>) dst(%dma_wait3A_263 : memref<128x64xf32, #tpu.memory_space<vmem>>)
      %add3A_272 = arith.constant 4 : i32
      %add3A_273 = arith.addi %mul3A_11, %add3A_272 : i32
      %dma_start3A_274 = arith.constant 4 : i32
      %dma_start3A_275 = arith.constant 4 : i32
      %dma_start3A_276 = arith.constant 0 : i32
      %dma_start3A_277 = arith.constant 0 : i32
      %dma_start3A_278 = tpu.memref_slice %arg9[%dma_start3A_274, %dma_start3A_276, %dma_start3A_277] : memref<8x128x64xf32, #tpu.memory_space<vmem>> -> memref<1x128x64xf32, #tpu.memory_space<vmem>>
      %dma_start3A_279 = tpu.memref_squeeze %dma_start3A_278 : memref<1x128x64xf32, #tpu.memory_space<vmem>> -> memref<128x64xf32, #tpu.memory_space<vmem>>
      %dma_start3A_280 = arith.constant 0 : i32
      %dma_start3A_281 = tpu.memref_slice %arg8[%add3A_273, %dma_start3A_280] : memref<80x128xi32, #tpu.memory_space<vmem>> -> memref<1x128xi32, #tpu.memory_space<vmem>>
      %dma_start3A_282 = tpu.memref_squeeze %dma_start3A_281 : memref<1x128xi32, #tpu.memory_space<vmem>> -> memref<128xi32, #tpu.memory_space<vmem>>
      %dma_start3A_283 = arith.constant 0 : i32
      %dma_start3A_284 = arith.constant 0 : i32
      %dma_start3A_285 = tpu.memref_slice %arg12[%dma_start3A_283, %dma_start3A_284] : memref<10112x64xf32, #tpu.memory_space<vmem_shared>> -> memref<10112x64xf32, #tpu.memory_space<vmem_shared>>
      %dma_start3A_286 = tpu.memref_slice %arg11[%dma_start3A_275] : memref<8x!tpu.dma_semaphore, #tpu.memory_space<semaphore_mem>> -> memref<1x!tpu.dma_semaphore, #tpu.memory_space<semaphore_mem>>
      %dma_start3A_287 = tpu.memref_squeeze %dma_start3A_286 : memref<1x!tpu.dma_semaphore, #tpu.memory_space<semaphore_mem>> -> memref<!tpu.dma_semaphore, #tpu.memory_space<semaphore_mem>>
      tpu.enqueue_indirect_dma source(%dma_start3A_279 : memref<128x64xf32, #tpu.memory_space<vmem>>) target(%dma_start3A_285 : memref<10112x64xf32, #tpu.memory_space<vmem_shared>>) offsets(%dma_start3A_282 : memref<128xi32, #tpu.memory_space<vmem>>) semaphore(%dma_start3A_287 : memref<!tpu.dma_semaphore, #tpu.memory_space<semaphore_mem>>) {add = true}
      %dma_wait3A_288 = arith.constant 5 : i32
      %dma_wait3A_289 = arith.constant 5 : i32
      %dma_wait3A_290 = arith.constant 0 : i32
      %dma_wait3A_291 = arith.constant 0 : i32
      %dma_wait3A_292 = tpu.memref_slice %arg9[%dma_wait3A_288, %dma_wait3A_290, %dma_wait3A_291] : memref<8x128x64xf32, #tpu.memory_space<vmem>> -> memref<1x128x64xf32, #tpu.memory_space<vmem>>
      %dma_wait3A_293 = tpu.memref_squeeze %dma_wait3A_292 : memref<1x128x64xf32, #tpu.memory_space<vmem>> -> memref<128x64xf32, #tpu.memory_space<vmem>>
      %dma_wait3A_294 = arith.constant 0 : i32
      %dma_wait3A_295 = tpu.memref_slice %arg7[%add3A_92, %dma_wait3A_294] : memref<80x128xi32, #tpu.memory_space<vmem>> -> memref<1x128xi32, #tpu.memory_space<vmem>>
      %dma_wait3A_296 = tpu.memref_squeeze %dma_wait3A_295 : memref<1x128xi32, #tpu.memory_space<vmem>> -> memref<128xi32, #tpu.memory_space<vmem>>
      %dma_wait3A_297 = arith.constant 0 : i32
      %dma_wait3A_298 = arith.constant 0 : i32
      %dma_wait3A_299 = tpu.memref_slice %arg2[%dma_wait3A_297, %dma_wait3A_298] : memref<10112x64xf32, #tpu.memory_space<hbm>> -> memref<10112x64xf32, #tpu.memory_space<hbm>>
      %dma_wait3A_300 = tpu.memref_slice %arg10[%dma_wait3A_289] : memref<8x!tpu.dma_semaphore, #tpu.memory_space<semaphore_mem>> -> memref<1x!tpu.dma_semaphore, #tpu.memory_space<semaphore_mem>>
      %dma_wait3A_301 = tpu.memref_squeeze %dma_wait3A_300 : memref<1x!tpu.dma_semaphore, #tpu.memory_space<semaphore_mem>> -> memref<!tpu.dma_semaphore, #tpu.memory_space<semaphore_mem>>
      tpu.wait_indirect_dma semaphore(%dma_wait3A_301 : memref<!tpu.dma_semaphore, #tpu.memory_space<semaphore_mem>>) src(%dma_wait3A_299 : memref<10112x64xf32, #tpu.memory_space<hbm>>) dst(%dma_wait3A_293 : memref<128x64xf32, #tpu.memory_space<vmem>>)
      %add3A_302 = arith.constant 5 : i32
      %add3A_303 = arith.addi %mul3A_11, %add3A_302 : i32
      %dma_start3A_304 = arith.constant 5 : i32
      %dma_start3A_305 = arith.constant 5 : i32
      %dma_start3A_306 = arith.constant 0 : i32
      %dma_start3A_307 = arith.constant 0 : i32
      %dma_start3A_308 = tpu.memref_slice %arg9[%dma_start3A_304, %dma_start3A_306, %dma_start3A_307] : memref<8x128x64xf32, #tpu.memory_space<vmem>> -> memref<1x128x64xf32, #tpu.memory_space<vmem>>
      %dma_start3A_309 = tpu.memref_squeeze %dma_start3A_308 : memref<1x128x64xf32, #tpu.memory_space<vmem>> -> memref<128x64xf32, #tpu.memory_space<vmem>>
      %dma_start3A_310 = arith.constant 0 : i32
      %dma_start3A_311 = tpu.memref_slice %arg8[%add3A_303, %dma_start3A_310] : memref<80x128xi32, #tpu.memory_space<vmem>> -> memref<1x128xi32, #tpu.memory_space<vmem>>
      %dma_start3A_312 = tpu.memref_squeeze %dma_start3A_311 : memref<1x128xi32, #tpu.memory_space<vmem>> -> memref<128xi32, #tpu.memory_space<vmem>>
      %dma_start3A_313 = arith.constant 0 : i32
      %dma_start3A_314 = arith.constant 0 : i32
      %dma_start3A_315 = tpu.memref_slice %arg12[%dma_start3A_313, %dma_start3A_314] : memref<10112x64xf32, #tpu.memory_space<vmem_shared>> -> memref<10112x64xf32, #tpu.memory_space<vmem_shared>>
      %dma_start3A_316 = tpu.memref_slice %arg11[%dma_start3A_305] : memref<8x!tpu.dma_semaphore, #tpu.memory_space<semaphore_mem>> -> memref<1x!tpu.dma_semaphore, #tpu.memory_space<semaphore_mem>>
      %dma_start3A_317 = tpu.memref_squeeze %dma_start3A_316 : memref<1x!tpu.dma_semaphore, #tpu.memory_space<semaphore_mem>> -> memref<!tpu.dma_semaphore, #tpu.memory_space<semaphore_mem>>
      tpu.enqueue_indirect_dma source(%dma_start3A_309 : memref<128x64xf32, #tpu.memory_space<vmem>>) target(%dma_start3A_315 : memref<10112x64xf32, #tpu.memory_space<vmem_shared>>) offsets(%dma_start3A_312 : memref<128xi32, #tpu.memory_space<vmem>>) semaphore(%dma_start3A_317 : memref<!tpu.dma_semaphore, #tpu.memory_space<semaphore_mem>>) {add = true}
      %dma_wait3A_318 = arith.constant 6 : i32
      %dma_wait3A_319 = arith.constant 6 : i32
      %dma_wait3A_320 = arith.constant 0 : i32
      %dma_wait3A_321 = arith.constant 0 : i32
      %dma_wait3A_322 = tpu.memref_slice %arg9[%dma_wait3A_318, %dma_wait3A_320, %dma_wait3A_321] : memref<8x128x64xf32, #tpu.memory_space<vmem>> -> memref<1x128x64xf32, #tpu.memory_space<vmem>>
      %dma_wait3A_323 = tpu.memref_squeeze %dma_wait3A_322 : memref<1x128x64xf32, #tpu.memory_space<vmem>> -> memref<128x64xf32, #tpu.memory_space<vmem>>
      %dma_wait3A_324 = arith.constant 0 : i32
      %dma_wait3A_325 = tpu.memref_slice %arg7[%add3A_108, %dma_wait3A_324] : memref<80x128xi32, #tpu.memory_space<vmem>> -> memref<1x128xi32, #tpu.memory_space<vmem>>
      %dma_wait3A_326 = tpu.memref_squeeze %dma_wait3A_325 : memref<1x128xi32, #tpu.memory_space<vmem>> -> memref<128xi32, #tpu.memory_space<vmem>>
      %dma_wait3A_327 = arith.constant 0 : i32
      %dma_wait3A_328 = arith.constant 0 : i32
      %dma_wait3A_329 = tpu.memref_slice %arg2[%dma_wait3A_327, %dma_wait3A_328] : memref<10112x64xf32, #tpu.memory_space<hbm>> -> memref<10112x64xf32, #tpu.memory_space<hbm>>
      %dma_wait3A_330 = tpu.memref_slice %arg10[%dma_wait3A_319] : memref<8x!tpu.dma_semaphore, #tpu.memory_space<semaphore_mem>> -> memref<1x!tpu.dma_semaphore, #tpu.memory_space<semaphore_mem>>
      %dma_wait3A_331 = tpu.memref_squeeze %dma_wait3A_330 : memref<1x!tpu.dma_semaphore, #tpu.memory_space<semaphore_mem>> -> memref<!tpu.dma_semaphore, #tpu.memory_space<semaphore_mem>>
      tpu.wait_indirect_dma semaphore(%dma_wait3A_331 : memref<!tpu.dma_semaphore, #tpu.memory_space<semaphore_mem>>) src(%dma_wait3A_329 : memref<10112x64xf32, #tpu.memory_space<hbm>>) dst(%dma_wait3A_323 : memref<128x64xf32, #tpu.memory_space<vmem>>)
      %add3A_332 = arith.constant 6 : i32
      %add3A_333 = arith.addi %mul3A_11, %add3A_332 : i32
      %dma_start3A_334 = arith.constant 6 : i32
      %dma_start3A_335 = arith.constant 6 : i32
      %dma_start3A_336 = arith.constant 0 : i32
      %dma_start3A_337 = arith.constant 0 : i32
      %dma_start3A_338 = tpu.memref_slice %arg9[%dma_start3A_334, %dma_start3A_336, %dma_start3A_337] : memref<8x128x64xf32, #tpu.memory_space<vmem>> -> memref<1x128x64xf32, #tpu.memory_space<vmem>>
      %dma_start3A_339 = tpu.memref_squeeze %dma_start3A_338 : memref<1x128x64xf32, #tpu.memory_space<vmem>> -> memref<128x64xf32, #tpu.memory_space<vmem>>
      %dma_start3A_340 = arith.constant 0 : i32
      %dma_start3A_341 = tpu.memref_slice %arg8[%add3A_333, %dma_start3A_340] : memref<80x128xi32, #tpu.memory_space<vmem>> -> memref<1x128xi32, #tpu.memory_space<vmem>>
      %dma_start3A_342 = tpu.memref_squeeze %dma_start3A_341 : memref<1x128xi32, #tpu.memory_space<vmem>> -> memref<128xi32, #tpu.memory_space<vmem>>
      %dma_start3A_343 = arith.constant 0 : i32
      %dma_start3A_344 = arith.constant 0 : i32
      %dma_start3A_345 = tpu.memref_slice %arg12[%dma_start3A_343, %dma_start3A_344] : memref<10112x64xf32, #tpu.memory_space<vmem_shared>> -> memref<10112x64xf32, #tpu.memory_space<vmem_shared>>
      %dma_start3A_346 = tpu.memref_slice %arg11[%dma_start3A_335] : memref<8x!tpu.dma_semaphore, #tpu.memory_space<semaphore_mem>> -> memref<1x!tpu.dma_semaphore, #tpu.memory_space<semaphore_mem>>
      %dma_start3A_347 = tpu.memref_squeeze %dma_start3A_346 : memref<1x!tpu.dma_semaphore, #tpu.memory_space<semaphore_mem>> -> memref<!tpu.dma_semaphore, #tpu.memory_space<semaphore_mem>>
      tpu.enqueue_indirect_dma source(%dma_start3A_339 : memref<128x64xf32, #tpu.memory_space<vmem>>) target(%dma_start3A_345 : memref<10112x64xf32, #tpu.memory_space<vmem_shared>>) offsets(%dma_start3A_342 : memref<128xi32, #tpu.memory_space<vmem>>) semaphore(%dma_start3A_347 : memref<!tpu.dma_semaphore, #tpu.memory_space<semaphore_mem>>) {add = true}
      %dma_wait3A_348 = arith.constant 7 : i32
      %dma_wait3A_349 = arith.constant 7 : i32
      %dma_wait3A_350 = arith.constant 0 : i32
      %dma_wait3A_351 = arith.constant 0 : i32
      %dma_wait3A_352 = tpu.memref_slice %arg9[%dma_wait3A_348, %dma_wait3A_350, %dma_wait3A_351] : memref<8x128x64xf32, #tpu.memory_space<vmem>> -> memref<1x128x64xf32, #tpu.memory_space<vmem>>
      %dma_wait3A_353 = tpu.memref_squeeze %dma_wait3A_352 : memref<1x128x64xf32, #tpu.memory_space<vmem>> -> memref<128x64xf32, #tpu.memory_space<vmem>>
      %dma_wait3A_354 = arith.constant 0 : i32
      %dma_wait3A_355 = tpu.memref_slice %arg7[%add3A_124, %dma_wait3A_354] : memref<80x128xi32, #tpu.memory_space<vmem>> -> memref<1x128xi32, #tpu.memory_space<vmem>>
      %dma_wait3A_356 = tpu.memref_squeeze %dma_wait3A_355 : memref<1x128xi32, #tpu.memory_space<vmem>> -> memref<128xi32, #tpu.memory_space<vmem>>
      %dma_wait3A_357 = arith.constant 0 : i32
      %dma_wait3A_358 = arith.constant 0 : i32
      %dma_wait3A_359 = tpu.memref_slice %arg2[%dma_wait3A_357, %dma_wait3A_358] : memref<10112x64xf32, #tpu.memory_space<hbm>> -> memref<10112x64xf32, #tpu.memory_space<hbm>>
      %dma_wait3A_360 = tpu.memref_slice %arg10[%dma_wait3A_349] : memref<8x!tpu.dma_semaphore, #tpu.memory_space<semaphore_mem>> -> memref<1x!tpu.dma_semaphore, #tpu.memory_space<semaphore_mem>>
      %dma_wait3A_361 = tpu.memref_squeeze %dma_wait3A_360 : memref<1x!tpu.dma_semaphore, #tpu.memory_space<semaphore_mem>> -> memref<!tpu.dma_semaphore, #tpu.memory_space<semaphore_mem>>
      tpu.wait_indirect_dma semaphore(%dma_wait3A_361 : memref<!tpu.dma_semaphore, #tpu.memory_space<semaphore_mem>>) src(%dma_wait3A_359 : memref<10112x64xf32, #tpu.memory_space<hbm>>) dst(%dma_wait3A_353 : memref<128x64xf32, #tpu.memory_space<vmem>>)
      %add3A_362 = arith.constant 7 : i32
      %add3A_363 = arith.addi %mul3A_11, %add3A_362 : i32
      %dma_start3A_364 = arith.constant 7 : i32
      %dma_start3A_365 = arith.constant 7 : i32
      %dma_start3A_366 = arith.constant 0 : i32
      %dma_start3A_367 = arith.constant 0 : i32
      %dma_start3A_368 = tpu.memref_slice %arg9[%dma_start3A_364, %dma_start3A_366, %dma_start3A_367] : memref<8x128x64xf32, #tpu.memory_space<vmem>> -> memref<1x128x64xf32, #tpu.memory_space<vmem>>
      %dma_start3A_369 = tpu.memref_squeeze %dma_start3A_368 : memref<1x128x64xf32, #tpu.memory_space<vmem>> -> memref<128x64xf32, #tpu.memory_space<vmem>>
      %dma_start3A_370 = arith.constant 0 : i32
      %dma_start3A_371 = tpu.memref_slice %arg8[%add3A_363, %dma_start3A_370] : memref<80x128xi32, #tpu.memory_space<vmem>> -> memref<1x128xi32, #tpu.memory_space<vmem>>
      %dma_start3A_372 = tpu.memref_squeeze %dma_start3A_371 : memref<1x128xi32, #tpu.memory_space<vmem>> -> memref<128xi32, #tpu.memory_space<vmem>>
      %dma_start3A_373 = arith.constant 0 : i32
      %dma_start3A_374 = arith.constant 0 : i32
      %dma_start3A_375 = tpu.memref_slice %arg12[%dma_start3A_373, %dma_start3A_374] : memref<10112x64xf32, #tpu.memory_space<vmem_shared>> -> memref<10112x64xf32, #tpu.memory_space<vmem_shared>>
      %dma_start3A_376 = tpu.memref_slice %arg11[%dma_start3A_365] : memref<8x!tpu.dma_semaphore, #tpu.memory_space<semaphore_mem>> -> memref<1x!tpu.dma_semaphore, #tpu.memory_space<semaphore_mem>>
      %dma_start3A_377 = tpu.memref_squeeze %dma_start3A_376 : memref<1x!tpu.dma_semaphore, #tpu.memory_space<semaphore_mem>> -> memref<!tpu.dma_semaphore, #tpu.memory_space<semaphore_mem>>
      tpu.enqueue_indirect_dma source(%dma_start3A_369 : memref<128x64xf32, #tpu.memory_space<vmem>>) target(%dma_start3A_375 : memref<10112x64xf32, #tpu.memory_space<vmem_shared>>) offsets(%dma_start3A_372 : memref<128xi32, #tpu.memory_space<vmem>>) semaphore(%dma_start3A_377 : memref<!tpu.dma_semaphore, #tpu.memory_space<semaphore_mem>>) {add = true}
      %dma_wait3A_378 = arith.constant 0 : i32
      %dma_wait3A_379 = arith.constant 0 : i32
      %dma_wait3A_380 = arith.constant 0 : i32
      %dma_wait3A_381 = arith.constant 0 : i32
      %dma_wait3A_382 = tpu.memref_slice %arg9[%dma_wait3A_378, %dma_wait3A_380, %dma_wait3A_381] : memref<8x128x64xf32, #tpu.memory_space<vmem>> -> memref<1x128x64xf32, #tpu.memory_space<vmem>>
      %dma_wait3A_383 = tpu.memref_squeeze %dma_wait3A_382 : memref<1x128x64xf32, #tpu.memory_space<vmem>> -> memref<128x64xf32, #tpu.memory_space<vmem>>
      %dma_wait3A_384 = arith.constant 0 : i32
      %dma_wait3A_385 = tpu.memref_slice %arg8[%add3A_153, %dma_wait3A_384] : memref<80x128xi32, #tpu.memory_space<vmem>> -> memref<1x128xi32, #tpu.memory_space<vmem>>
      %dma_wait3A_386 = tpu.memref_squeeze %dma_wait3A_385 : memref<1x128xi32, #tpu.memory_space<vmem>> -> memref<128xi32, #tpu.memory_space<vmem>>
      %dma_wait3A_387 = arith.constant 0 : i32
      %dma_wait3A_388 = arith.constant 0 : i32
      %dma_wait3A_389 = tpu.memref_slice %arg12[%dma_wait3A_387, %dma_wait3A_388] : memref<10112x64xf32, #tpu.memory_space<vmem_shared>> -> memref<10112x64xf32, #tpu.memory_space<vmem_shared>>
      %dma_wait3A_390 = tpu.memref_slice %arg11[%dma_wait3A_379] : memref<8x!tpu.dma_semaphore, #tpu.memory_space<semaphore_mem>> -> memref<1x!tpu.dma_semaphore, #tpu.memory_space<semaphore_mem>>
      %dma_wait3A_391 = tpu.memref_squeeze %dma_wait3A_390 : memref<1x!tpu.dma_semaphore, #tpu.memory_space<semaphore_mem>> -> memref<!tpu.dma_semaphore, #tpu.memory_space<semaphore_mem>>
      tpu.wait_indirect_dma semaphore(%dma_wait3A_391 : memref<!tpu.dma_semaphore, #tpu.memory_space<semaphore_mem>>) src(%dma_wait3A_383 : memref<128x64xf32, #tpu.memory_space<vmem>>) dst(%dma_wait3A_389 : memref<10112x64xf32, #tpu.memory_space<vmem_shared>>)
      %dma_wait3A_392 = arith.constant 1 : i32
      %dma_wait3A_393 = arith.constant 1 : i32
      %dma_wait3A_394 = arith.constant 0 : i32
      %dma_wait3A_395 = arith.constant 0 : i32
      %dma_wait3A_396 = tpu.memref_slice %arg9[%dma_wait3A_392, %dma_wait3A_394, %dma_wait3A_395] : memref<8x128x64xf32, #tpu.memory_space<vmem>> -> memref<1x128x64xf32, #tpu.memory_space<vmem>>
      %dma_wait3A_397 = tpu.memref_squeeze %dma_wait3A_396 : memref<1x128x64xf32, #tpu.memory_space<vmem>> -> memref<128x64xf32, #tpu.memory_space<vmem>>
      %dma_wait3A_398 = arith.constant 0 : i32
      %dma_wait3A_399 = tpu.memref_slice %arg8[%add3A_183, %dma_wait3A_398] : memref<80x128xi32, #tpu.memory_space<vmem>> -> memref<1x128xi32, #tpu.memory_space<vmem>>
      %dma_wait3A_400 = tpu.memref_squeeze %dma_wait3A_399 : memref<1x128xi32, #tpu.memory_space<vmem>> -> memref<128xi32, #tpu.memory_space<vmem>>
      %dma_wait3A_401 = arith.constant 0 : i32
      %dma_wait3A_402 = arith.constant 0 : i32
      %dma_wait3A_403 = tpu.memref_slice %arg12[%dma_wait3A_401, %dma_wait3A_402] : memref<10112x64xf32, #tpu.memory_space<vmem_shared>> -> memref<10112x64xf32, #tpu.memory_space<vmem_shared>>
      %dma_wait3A_404 = tpu.memref_slice %arg11[%dma_wait3A_393] : memref<8x!tpu.dma_semaphore, #tpu.memory_space<semaphore_mem>> -> memref<1x!tpu.dma_semaphore, #tpu.memory_space<semaphore_mem>>
      %dma_wait3A_405 = tpu.memref_squeeze %dma_wait3A_404 : memref<1x!tpu.dma_semaphore, #tpu.memory_space<semaphore_mem>> -> memref<!tpu.dma_semaphore, #tpu.memory_space<semaphore_mem>>
      tpu.wait_indirect_dma semaphore(%dma_wait3A_405 : memref<!tpu.dma_semaphore, #tpu.memory_space<semaphore_mem>>) src(%dma_wait3A_397 : memref<128x64xf32, #tpu.memory_space<vmem>>) dst(%dma_wait3A_403 : memref<10112x64xf32, #tpu.memory_space<vmem_shared>>)
      %dma_wait3A_406 = arith.constant 2 : i32
      %dma_wait3A_407 = arith.constant 2 : i32
      %dma_wait3A_408 = arith.constant 0 : i32
      %dma_wait3A_409 = arith.constant 0 : i32
      %dma_wait3A_410 = tpu.memref_slice %arg9[%dma_wait3A_406, %dma_wait3A_408, %dma_wait3A_409] : memref<8x128x64xf32, #tpu.memory_space<vmem>> -> memref<1x128x64xf32, #tpu.memory_space<vmem>>
      %dma_wait3A_411 = tpu.memref_squeeze %dma_wait3A_410 : memref<1x128x64xf32, #tpu.memory_space<vmem>> -> memref<128x64xf32, #tpu.memory_space<vmem>>
      %dma_wait3A_412 = arith.constant 0 : i32
      %dma_wait3A_413 = tpu.memref_slice %arg8[%add3A_213, %dma_wait3A_412] : memref<80x128xi32, #tpu.memory_space<vmem>> -> memref<1x128xi32, #tpu.memory_space<vmem>>
      %dma_wait3A_414 = tpu.memref_squeeze %dma_wait3A_413 : memref<1x128xi32, #tpu.memory_space<vmem>> -> memref<128xi32, #tpu.memory_space<vmem>>
      %dma_wait3A_415 = arith.constant 0 : i32
      %dma_wait3A_416 = arith.constant 0 : i32
      %dma_wait3A_417 = tpu.memref_slice %arg12[%dma_wait3A_415, %dma_wait3A_416] : memref<10112x64xf32, #tpu.memory_space<vmem_shared>> -> memref<10112x64xf32, #tpu.memory_space<vmem_shared>>
      %dma_wait3A_418 = tpu.memref_slice %arg11[%dma_wait3A_407] : memref<8x!tpu.dma_semaphore, #tpu.memory_space<semaphore_mem>> -> memref<1x!tpu.dma_semaphore, #tpu.memory_space<semaphore_mem>>
      %dma_wait3A_419 = tpu.memref_squeeze %dma_wait3A_418 : memref<1x!tpu.dma_semaphore, #tpu.memory_space<semaphore_mem>> -> memref<!tpu.dma_semaphore, #tpu.memory_space<semaphore_mem>>
      tpu.wait_indirect_dma semaphore(%dma_wait3A_419 : memref<!tpu.dma_semaphore, #tpu.memory_space<semaphore_mem>>) src(%dma_wait3A_411 : memref<128x64xf32, #tpu.memory_space<vmem>>) dst(%dma_wait3A_417 : memref<10112x64xf32, #tpu.memory_space<vmem_shared>>)
      %dma_wait3A_420 = arith.constant 3 : i32
      %dma_wait3A_421 = arith.constant 3 : i32
      %dma_wait3A_422 = arith.constant 0 : i32
      %dma_wait3A_423 = arith.constant 0 : i32
      %dma_wait3A_424 = tpu.memref_slice %arg9[%dma_wait3A_420, %dma_wait3A_422, %dma_wait3A_423] : memref<8x128x64xf32, #tpu.memory_space<vmem>> -> memref<1x128x64xf32, #tpu.memory_space<vmem>>
      %dma_wait3A_425 = tpu.memref_squeeze %dma_wait3A_424 : memref<1x128x64xf32, #tpu.memory_space<vmem>> -> memref<128x64xf32, #tpu.memory_space<vmem>>
      %dma_wait3A_426 = arith.constant 0 : i32
      %dma_wait3A_427 = tpu.memref_slice %arg8[%add3A_243, %dma_wait3A_426] : memref<80x128xi32, #tpu.memory_space<vmem>> -> memref<1x128xi32, #tpu.memory_space<vmem>>
      %dma_wait3A_428 = tpu.memref_squeeze %dma_wait3A_427 : memref<1x128xi32, #tpu.memory_space<vmem>> -> memref<128xi32, #tpu.memory_space<vmem>>
      %dma_wait3A_429 = arith.constant 0 : i32
      %dma_wait3A_430 = arith.constant 0 : i32
      %dma_wait3A_431 = tpu.memref_slice %arg12[%dma_wait3A_429, %dma_wait3A_430] : memref<10112x64xf32, #tpu.memory_space<vmem_shared>> -> memref<10112x64xf32, #tpu.memory_space<vmem_shared>>
      %dma_wait3A_432 = tpu.memref_slice %arg11[%dma_wait3A_421] : memref<8x!tpu.dma_semaphore, #tpu.memory_space<semaphore_mem>> -> memref<1x!tpu.dma_semaphore, #tpu.memory_space<semaphore_mem>>
      %dma_wait3A_433 = tpu.memref_squeeze %dma_wait3A_432 : memref<1x!tpu.dma_semaphore, #tpu.memory_space<semaphore_mem>> -> memref<!tpu.dma_semaphore, #tpu.memory_space<semaphore_mem>>
      tpu.wait_indirect_dma semaphore(%dma_wait3A_433 : memref<!tpu.dma_semaphore, #tpu.memory_space<semaphore_mem>>) src(%dma_wait3A_425 : memref<128x64xf32, #tpu.memory_space<vmem>>) dst(%dma_wait3A_431 : memref<10112x64xf32, #tpu.memory_space<vmem_shared>>)
      %dma_wait3A_434 = arith.constant 4 : i32
      %dma_wait3A_435 = arith.constant 4 : i32
      %dma_wait3A_436 = arith.constant 0 : i32
      %dma_wait3A_437 = arith.constant 0 : i32
      %dma_wait3A_438 = tpu.memref_slice %arg9[%dma_wait3A_434, %dma_wait3A_436, %dma_wait3A_437] : memref<8x128x64xf32, #tpu.memory_space<vmem>> -> memref<1x128x64xf32, #tpu.memory_space<vmem>>
      %dma_wait3A_439 = tpu.memref_squeeze %dma_wait3A_438 : memref<1x128x64xf32, #tpu.memory_space<vmem>> -> memref<128x64xf32, #tpu.memory_space<vmem>>
      %dma_wait3A_440 = arith.constant 0 : i32
      %dma_wait3A_441 = tpu.memref_slice %arg8[%add3A_273, %dma_wait3A_440] : memref<80x128xi32, #tpu.memory_space<vmem>> -> memref<1x128xi32, #tpu.memory_space<vmem>>
      %dma_wait3A_442 = tpu.memref_squeeze %dma_wait3A_441 : memref<1x128xi32, #tpu.memory_space<vmem>> -> memref<128xi32, #tpu.memory_space<vmem>>
      %dma_wait3A_443 = arith.constant 0 : i32
      %dma_wait3A_444 = arith.constant 0 : i32
      %dma_wait3A_445 = tpu.memref_slice %arg12[%dma_wait3A_443, %dma_wait3A_444] : memref<10112x64xf32, #tpu.memory_space<vmem_shared>> -> memref<10112x64xf32, #tpu.memory_space<vmem_shared>>
      %dma_wait3A_446 = tpu.memref_slice %arg11[%dma_wait3A_435] : memref<8x!tpu.dma_semaphore, #tpu.memory_space<semaphore_mem>> -> memref<1x!tpu.dma_semaphore, #tpu.memory_space<semaphore_mem>>
      %dma_wait3A_447 = tpu.memref_squeeze %dma_wait3A_446 : memref<1x!tpu.dma_semaphore, #tpu.memory_space<semaphore_mem>> -> memref<!tpu.dma_semaphore, #tpu.memory_space<semaphore_mem>>
      tpu.wait_indirect_dma semaphore(%dma_wait3A_447 : memref<!tpu.dma_semaphore, #tpu.memory_space<semaphore_mem>>) src(%dma_wait3A_439 : memref<128x64xf32, #tpu.memory_space<vmem>>) dst(%dma_wait3A_445 : memref<10112x64xf32, #tpu.memory_space<vmem_shared>>)
      %dma_wait3A_448 = arith.constant 5 : i32
      %dma_wait3A_449 = arith.constant 5 : i32
      %dma_wait3A_450 = arith.constant 0 : i32
      %dma_wait3A_451 = arith.constant 0 : i32
      %dma_wait3A_452 = tpu.memref_slice %arg9[%dma_wait3A_448, %dma_wait3A_450, %dma_wait3A_451] : memref<8x128x64xf32, #tpu.memory_space<vmem>> -> memref<1x128x64xf32, #tpu.memory_space<vmem>>
      %dma_wait3A_453 = tpu.memref_squeeze %dma_wait3A_452 : memref<1x128x64xf32, #tpu.memory_space<vmem>> -> memref<128x64xf32, #tpu.memory_space<vmem>>
      %dma_wait3A_454 = arith.constant 0 : i32
      %dma_wait3A_455 = tpu.memref_slice %arg8[%add3A_303, %dma_wait3A_454] : memref<80x128xi32, #tpu.memory_space<vmem>> -> memref<1x128xi32, #tpu.memory_space<vmem>>
      %dma_wait3A_456 = tpu.memref_squeeze %dma_wait3A_455 : memref<1x128xi32, #tpu.memory_space<vmem>> -> memref<128xi32, #tpu.memory_space<vmem>>
      %dma_wait3A_457 = arith.constant 0 : i32
      %dma_wait3A_458 = arith.constant 0 : i32
      %dma_wait3A_459 = tpu.memref_slice %arg12[%dma_wait3A_457, %dma_wait3A_458] : memref<10112x64xf32, #tpu.memory_space<vmem_shared>> -> memref<10112x64xf32, #tpu.memory_space<vmem_shared>>
      %dma_wait3A_460 = tpu.memref_slice %arg11[%dma_wait3A_449] : memref<8x!tpu.dma_semaphore, #tpu.memory_space<semaphore_mem>> -> memref<1x!tpu.dma_semaphore, #tpu.memory_space<semaphore_mem>>
      %dma_wait3A_461 = tpu.memref_squeeze %dma_wait3A_460 : memref<1x!tpu.dma_semaphore, #tpu.memory_space<semaphore_mem>> -> memref<!tpu.dma_semaphore, #tpu.memory_space<semaphore_mem>>
      tpu.wait_indirect_dma semaphore(%dma_wait3A_461 : memref<!tpu.dma_semaphore, #tpu.memory_space<semaphore_mem>>) src(%dma_wait3A_453 : memref<128x64xf32, #tpu.memory_space<vmem>>) dst(%dma_wait3A_459 : memref<10112x64xf32, #tpu.memory_space<vmem_shared>>)
      %dma_wait3A_462 = arith.constant 6 : i32
      %dma_wait3A_463 = arith.constant 6 : i32
      %dma_wait3A_464 = arith.constant 0 : i32
      %dma_wait3A_465 = arith.constant 0 : i32
      %dma_wait3A_466 = tpu.memref_slice %arg9[%dma_wait3A_462, %dma_wait3A_464, %dma_wait3A_465] : memref<8x128x64xf32, #tpu.memory_space<vmem>> -> memref<1x128x64xf32, #tpu.memory_space<vmem>>
      %dma_wait3A_467 = tpu.memref_squeeze %dma_wait3A_466 : memref<1x128x64xf32, #tpu.memory_space<vmem>> -> memref<128x64xf32, #tpu.memory_space<vmem>>
      %dma_wait3A_468 = arith.constant 0 : i32
      %dma_wait3A_469 = tpu.memref_slice %arg8[%add3A_333, %dma_wait3A_468] : memref<80x128xi32, #tpu.memory_space<vmem>> -> memref<1x128xi32, #tpu.memory_space<vmem>>
      %dma_wait3A_470 = tpu.memref_squeeze %dma_wait3A_469 : memref<1x128xi32, #tpu.memory_space<vmem>> -> memref<128xi32, #tpu.memory_space<vmem>>
      %dma_wait3A_471 = arith.constant 0 : i32
      %dma_wait3A_472 = arith.constant 0 : i32
      %dma_wait3A_473 = tpu.memref_slice %arg12[%dma_wait3A_471, %dma_wait3A_472] : memref<10112x64xf32, #tpu.memory_space<vmem_shared>> -> memref<10112x64xf32, #tpu.memory_space<vmem_shared>>
      %dma_wait3A_474 = tpu.memref_slice %arg11[%dma_wait3A_463] : memref<8x!tpu.dma_semaphore, #tpu.memory_space<semaphore_mem>> -> memref<1x!tpu.dma_semaphore, #tpu.memory_space<semaphore_mem>>
      %dma_wait3A_475 = tpu.memref_squeeze %dma_wait3A_474 : memref<1x!tpu.dma_semaphore, #tpu.memory_space<semaphore_mem>> -> memref<!tpu.dma_semaphore, #tpu.memory_space<semaphore_mem>>
      tpu.wait_indirect_dma semaphore(%dma_wait3A_475 : memref<!tpu.dma_semaphore, #tpu.memory_space<semaphore_mem>>) src(%dma_wait3A_467 : memref<128x64xf32, #tpu.memory_space<vmem>>) dst(%dma_wait3A_473 : memref<10112x64xf32, #tpu.memory_space<vmem_shared>>)
      %dma_wait3A_476 = arith.constant 7 : i32
      %dma_wait3A_477 = arith.constant 7 : i32
      %dma_wait3A_478 = arith.constant 0 : i32
      %dma_wait3A_479 = arith.constant 0 : i32
      %dma_wait3A_480 = tpu.memref_slice %arg9[%dma_wait3A_476, %dma_wait3A_478, %dma_wait3A_479] : memref<8x128x64xf32, #tpu.memory_space<vmem>> -> memref<1x128x64xf32, #tpu.memory_space<vmem>>
      %dma_wait3A_481 = tpu.memref_squeeze %dma_wait3A_480 : memref<1x128x64xf32, #tpu.memory_space<vmem>> -> memref<128x64xf32, #tpu.memory_space<vmem>>
      %dma_wait3A_482 = arith.constant 0 : i32
      %dma_wait3A_483 = tpu.memref_slice %arg8[%add3A_363, %dma_wait3A_482] : memref<80x128xi32, #tpu.memory_space<vmem>> -> memref<1x128xi32, #tpu.memory_space<vmem>>
      %dma_wait3A_484 = tpu.memref_squeeze %dma_wait3A_483 : memref<1x128xi32, #tpu.memory_space<vmem>> -> memref<128xi32, #tpu.memory_space<vmem>>
      %dma_wait3A_485 = arith.constant 0 : i32
      %dma_wait3A_486 = arith.constant 0 : i32
      %dma_wait3A_487 = tpu.memref_slice %arg12[%dma_wait3A_485, %dma_wait3A_486] : memref<10112x64xf32, #tpu.memory_space<vmem_shared>> -> memref<10112x64xf32, #tpu.memory_space<vmem_shared>>
      %dma_wait3A_488 = tpu.memref_slice %arg11[%dma_wait3A_477] : memref<8x!tpu.dma_semaphore, #tpu.memory_space<semaphore_mem>> -> memref<1x!tpu.dma_semaphore, #tpu.memory_space<semaphore_mem>>
      %dma_wait3A_489 = tpu.memref_squeeze %dma_wait3A_488 : memref<1x!tpu.dma_semaphore, #tpu.memory_space<semaphore_mem>> -> memref<!tpu.dma_semaphore, #tpu.memory_space<semaphore_mem>>
      tpu.wait_indirect_dma semaphore(%dma_wait3A_489 : memref<!tpu.dma_semaphore, #tpu.memory_space<semaphore_mem>>) src(%dma_wait3A_481 : memref<128x64xf32, #tpu.memory_space<vmem>>) dst(%dma_wait3A_487 : memref<10112x64xf32, #tpu.memory_space<vmem_shared>>)
    }
    %scan3A_7 = arith.constant 10 : i32
    %barrier3A_8 = arith.constant 0 : index
    tpu.barrier barrier_id(%barrier3A_8)
    "tpu.region"() ({
      %run_scoped3A = tpu.sem_alloc : memref<!tpu.dma_semaphore, #tpu.memory_space<semaphore_mem>>
      %dma_start3A = arith.constant 0 : i32
      %dma_start3A_9 = tpu.memref_slice %arg6[%arg0, %mul3A_2, %dma_start3A] : memref<2x10112x64xf32, #tpu.memory_space<hbm>> -> memref<1x632x64xf32, #tpu.memory_space<hbm>>
      %dma_start3A_10 = tpu.memref_squeeze %dma_start3A_9 : memref<1x632x64xf32, #tpu.memory_space<hbm>> -> memref<632x64xf32, #tpu.memory_space<hbm>>
      %dma_start3A_11 = arith.constant 0 : i32
      %dma_start3A_12 = tpu.memref_slice %arg12[%mul3A_2, %dma_start3A_11] : memref<10112x64xf32, #tpu.memory_space<vmem_shared>> -> memref<632x64xf32, #tpu.memory_space<vmem_shared>>
      tpu.enqueue_dma source(%dma_start3A_12 : memref<632x64xf32, #tpu.memory_space<vmem_shared>>) target(%dma_start3A_10 : memref<632x64xf32, #tpu.memory_space<hbm>>) target_semaphore(%run_scoped3A : memref<!tpu.dma_semaphore, #tpu.memory_space<semaphore_mem>>)
      %dma_wait3A = arith.constant 0 : i32
      %dma_wait3A_13 = tpu.memref_slice %arg6[%arg0, %mul3A_2, %dma_wait3A] : memref<2x10112x64xf32, #tpu.memory_space<hbm>> -> memref<1x632x64xf32, #tpu.memory_space<hbm>>
      %dma_wait3A_14 = tpu.memref_squeeze %dma_wait3A_13 : memref<1x632x64xf32, #tpu.memory_space<hbm>> -> memref<632x64xf32, #tpu.memory_space<hbm>>
      %dma_wait3A_15 = arith.constant 0 : i32
      %dma_wait3A_16 = tpu.memref_slice %arg12[%mul3A_2, %dma_wait3A_15] : memref<10112x64xf32, #tpu.memory_space<vmem_shared>> -> memref<632x64xf32, #tpu.memory_space<vmem_shared>>
      tpu.wait_dma2 semaphore(%run_scoped3A : memref<!tpu.dma_semaphore, #tpu.memory_space<semaphore_mem>>) src(%dma_wait3A_16 : memref<632x64xf32, #tpu.memory_space<vmem_shared>>) dst(%dma_wait3A_14 : memref<632x64xf32, #tpu.memory_space<hbm>>)
      tpu.yield
    }) : () -> ()
    return
  }
}

module attributes {stable_mosaic.version = 14 : i64} {
  func.func @_tc_h1_body(%arg0: memref<10112x128xf32, #tpu.memory_space<vmem>>, %arg1: memref<128x64xf32, #tpu.memory_space<vmem>>, %arg2: memref<10112x64xf32, #tpu.memory_space<vmem>>) attributes {dimension_semantics = [], scalar_prefetch = 0 : i64, scratch_operands = 0 : i64, tpu.core_type = #tpu.core_type<tc>} {
    %get3A = arith.constant 0 : index
    %get3A_0 = arith.constant 0 : index
    %get3A_1 = vector.load %arg0[%get3A, %get3A_0] : memref<10112x128xf32, #tpu.memory_space<vmem>>, vector<10112x128xf32>
    %get3A_2 = arith.constant 0 : index
    %get3A_3 = arith.constant 0 : index
    %get3A_4 = vector.load %arg1[%get3A_2, %get3A_3] : memref<128x64xf32, #tpu.memory_space<vmem>>, vector<128x64xf32>
    %dot_general3A = arith.constant dense<0.000000e+00> : vector<10112x64xf32>
    %dot_general3A_5 = tpu.matmul %get3A_1, %get3A_4, %dot_general3A {dimension_numbers = #tpu.dot_dimension_numbers<[1], [0], [0], [1], [0, 0, 1, 1], [], []>, transpose_lhs_hint = false} : vector<10112x128xf32>, vector<128x64xf32>, vector<10112x64xf32> -> vector<10112x64xf32>
    %swap3A = arith.constant 0 : index
    %swap3A_6 = arith.constant 0 : index
    %swap3A_7 = vector.load %arg2[%swap3A, %swap3A_6] : memref<10112x64xf32, #tpu.memory_space<vmem>>, vector<10112x64xf32>
    tpu.vector_store %arg2[%swap3A, %swap3A_6], %dot_general3A_5 {strides = array<i32>} : memref<10112x64xf32, #tpu.memory_space<vmem>>, vector<10112x64xf32>,
    return
  }
}

module attributes {stable_mosaic.version = 14 : i64} {
  func.func @_tc_norm_body(%arg0: memref<2x10112x16xf32, #tpu.memory_space<vmem>>, %arg1: memref<10112x64xf32, #tpu.memory_space<vmem>>, %arg2: memref<10112x64xf32, #tpu.memory_space<vmem>>, %arg3: memref<10112x1xf32, #tpu.memory_space<vmem>>) attributes {dimension_semantics = [], scalar_prefetch = 0 : i64, scratch_operands = 0 : i64, tpu.core_type = #tpu.core_type<tc>} {
    %get3A = arith.constant 0 : index
    %get3A_0 = arith.constant 0 : index
    %get3A_1 = arith.constant 0 : index
    %get3A_2 = vector.load %arg0[%get3A, %get3A_0, %get3A_1] : memref<2x10112x16xf32, #tpu.memory_space<vmem>>, vector<1x10112x1xf32>
    %get3A_3 = vector.shape_cast %get3A_2 : vector<1x10112x1xf32> to vector<10112x1xf32>
    %get3A_4 = arith.constant 1 : index
    %get3A_5 = arith.constant 0 : index
    %get3A_6 = arith.constant 0 : index
    %get3A_7 = vector.load %arg0[%get3A_4, %get3A_5, %get3A_6] : memref<2x10112x16xf32, #tpu.memory_space<vmem>>, vector<1x10112x1xf32>
    %get3A_8 = vector.shape_cast %get3A_7 : vector<1x10112x1xf32> to vector<10112x1xf32>
    %add3A = arith.addf %get3A_3, %get3A_8 : vector<10112x1xf32>
    %add3A_9 = arith.constant 1.000000e+00 : f32
    %add3A_10 = vector.broadcast %add3A_9 : f32 to vector<10112x1xf32>
    %add3A_11 = arith.addf %add3A, %add3A_10 : vector<10112x1xf32>
    %rsqrt3A = math.rsqrt %add3A_11 : vector<10112x1xf32>
    %swap3A = arith.constant 0 : index
    %swap3A_12 = arith.constant 0 : index
    %swap3A_13 = vector.load %arg3[%swap3A, %swap3A_12] : memref<10112x1xf32, #tpu.memory_space<vmem>>, vector<10112x1xf32>
    tpu.vector_store %arg3[%swap3A, %swap3A_12], %rsqrt3A {strides = array<i32>} : memref<10112x1xf32, #tpu.memory_space<vmem>>, vector<10112x1xf32>,
    %get3A_14 = arith.constant 0 : index
    %get3A_15 = arith.constant 0 : index
    %get3A_16 = vector.load %arg1[%get3A_14, %get3A_15] : memref<10112x64xf32, #tpu.memory_space<vmem>>, vector<10112x64xf32>
    %mul3A = vector.broadcast %rsqrt3A : vector<10112x1xf32> to vector<10112x64xf32>
    %mul3A_17 = arith.mulf %get3A_16, %mul3A : vector<10112x64xf32>
    %swap3A_18 = arith.constant 0 : index
    %swap3A_19 = arith.constant 0 : index
    %swap3A_20 = vector.load %arg2[%swap3A_18, %swap3A_19] : memref<10112x64xf32, #tpu.memory_space<vmem>>, vector<10112x64xf32>
    tpu.vector_store %arg2[%swap3A_18, %swap3A_19], %mul3A_17 {strides = array<i32>} : memref<10112x64xf32, #tpu.memory_space<vmem>>, vector<10112x64xf32>,
    return
  }
}

module attributes {stable_mosaic.version = 14 : i64} {
  func.func @_tc_layer2_body(%arg0: memref<2x10112x64xf32, #tpu.memory_space<vmem>>, %arg1: memref<10112x64xf32, #tpu.memory_space<vmem>>, %arg2: memref<10112x1xf32, #tpu.memory_space<vmem>>, %arg3: memref<1x64xf32, #tpu.memory_space<vmem>>, %arg4: memref<64x64xf32, #tpu.memory_space<vmem>>, %arg5: memref<10112x64xf32, #tpu.memory_space<vmem>>) attributes {dimension_semantics = [], scalar_prefetch = 0 : i64, scratch_operands = 0 : i64, tpu.core_type = #tpu.core_type<tc>} {
    %get3A = arith.constant 0 : index
    %get3A_0 = arith.constant 0 : index
    %get3A_1 = vector.load %arg2[%get3A, %get3A_0] : memref<10112x1xf32, #tpu.memory_space<vmem>>, vector<10112x1xf32>
    %get3A_2 = arith.constant 0 : index
    %get3A_3 = arith.constant 0 : index
    %get3A_4 = arith.constant 0 : index
    %get3A_5 = vector.load %arg0[%get3A_2, %get3A_3, %get3A_4] : memref<2x10112x64xf32, #tpu.memory_space<vmem>>, vector<1x10112x64xf32>
    %get3A_6 = vector.shape_cast %get3A_5 : vector<1x10112x64xf32> to vector<10112x64xf32>
    %get3A_7 = arith.constant 1 : index
    %get3A_8 = arith.constant 0 : index
    %get3A_9 = arith.constant 0 : index
    %get3A_10 = vector.load %arg0[%get3A_7, %get3A_8, %get3A_9] : memref<2x10112x64xf32, #tpu.memory_space<vmem>>, vector<1x10112x64xf32>
    %get3A_11 = vector.shape_cast %get3A_10 : vector<1x10112x64xf32> to vector<10112x64xf32>
    %add3A = arith.addf %get3A_6, %get3A_11 : vector<10112x64xf32>
    %get3A_12 = arith.constant 0 : index
    %get3A_13 = arith.constant 0 : index
    %get3A_14 = vector.load %arg1[%get3A_12, %get3A_13] : memref<10112x64xf32, #tpu.memory_space<vmem>>, vector<10112x64xf32>
    %add3A_15 = arith.addf %add3A, %get3A_14 : vector<10112x64xf32>
    %mul3A = vector.broadcast %get3A_1 : vector<10112x1xf32> to vector<10112x64xf32>
    %mul3A_16 = arith.mulf %mul3A, %add3A_15 : vector<10112x64xf32>
    %get3A_17 = arith.constant 0 : index
    %get3A_18 = arith.constant 0 : index
    %get3A_19 = vector.load %arg3[%get3A_17, %get3A_18] : memref<1x64xf32, #tpu.memory_space<vmem>>, vector<1x64xf32>
    %add3A_20 = vector.broadcast %get3A_19 : vector<1x64xf32> to vector<10112x64xf32>
    %add3A_21 = arith.addf %mul3A_16, %add3A_20 : vector<10112x64xf32>
    %max3A = arith.constant 0.000000e+00 : f32
    %max3A_22 = vector.broadcast %max3A : f32 to vector<10112x64xf32>
    %max3A_23 = arith.maximumf %add3A_21, %max3A_22 : vector<10112x64xf32>
    %get3A_24 = arith.constant 0 : index
    %get3A_25 = arith.constant 0 : index
    %get3A_26 = vector.load %arg4[%get3A_24, %get3A_25] : memref<64x64xf32, #tpu.memory_space<vmem>>, vector<64x64xf32>
    %dot_general3A = arith.constant dense<0.000000e+00> : vector<10112x64xf32>
    %dot_general3A_27 = tpu.matmul %max3A_23, %get3A_26, %dot_general3A {dimension_numbers = #tpu.dot_dimension_numbers<[1], [0], [0], [1], [0, 0, 1, 1], [], []>, transpose_lhs_hint = false} : vector<10112x64xf32>, vector<64x64xf32>, vector<10112x64xf32> -> vector<10112x64xf32>
    %iota3A = tpu.iota {dimensions = array<i32: 0>} : vector<10112x1xi32>
    %lt3A = arith.constant 10000 : i32
    %lt3A_28 = vector.broadcast %lt3A : i32 to vector<10112x1xi32>
    %lt3A_29 = arith.cmpi slt, %iota3A, %lt3A_28 : vector<10112x1xi32>
    %mul3A_30 = vector.broadcast %get3A_1 : vector<10112x1xf32> to vector<10112x64xf32>
    %mul3A_31 = arith.mulf %dot_general3A_27, %mul3A_30 : vector<10112x64xf32>
    %jit3A = arith.constant 0.000000e+00 : f32
    %broadcast_in_dim3A = vector.shape_cast %lt3A_29 : vector<10112x1xi1> to vector<10112x1xi1>
    %broadcast_in_dim3A_32 = vector.broadcast %broadcast_in_dim3A : vector<10112x1xi1> to vector<10112x64xi1>
    %broadcast_in_dim3A_33 = vector.broadcast %jit3A : f32 to vector<10112x64xf32>
    %select_n3A = arith.select %broadcast_in_dim3A_32, %mul3A_31, %broadcast_in_dim3A_33 : vector<10112x64xi1>, vector<10112x64xf32>
    %swap3A = arith.constant 0 : index
    %swap3A_34 = arith.constant 0 : index
    %swap3A_35 = vector.load %arg5[%swap3A, %swap3A_34] : memref<10112x64xf32, #tpu.memory_space<vmem>>, vector<10112x64xf32>
    tpu.vector_store %arg5[%swap3A, %swap3A_34], %select_n3A {strides = array<i32>} : memref<10112x64xf32, #tpu.memory_space<vmem>>, vector<10112x64xf32>,
    return
  }
}

module attributes {stable_mosaic.version = 14 : i64} {
  func.func @_tc_heads_body(%arg0: memref<2x10112x64xf32, #tpu.memory_space<vmem>>, %arg1: memref<10112x64xf32, #tpu.memory_space<vmem>>, %arg2: memref<10112x1xf32, #tpu.memory_space<vmem>>, %arg3: memref<1x64xf32, #tpu.memory_space<vmem>>, %arg4: memref<64x1xf32, #tpu.memory_space<vmem>>, %arg5: memref<1x1xf32, #tpu.memory_space<vmem>>, %arg6: memref<64x1xf32, #tpu.memory_space<vmem>>, %arg7: memref<1x1xf32, #tpu.memory_space<vmem>>, %arg8: memref<10112x1xf32, #tpu.memory_space<vmem>>, %arg9: memref<1x1xf32, #tpu.memory_space<vmem>>) attributes {dimension_semantics = [], scalar_prefetch = 0 : i64, scratch_operands = 0 : i64, tpu.core_type = #tpu.core_type<tc>} {
    %get3A = arith.constant 0 : index
    %get3A_0 = arith.constant 0 : index
    %get3A_1 = vector.load %arg2[%get3A, %get3A_0] : memref<10112x1xf32, #tpu.memory_space<vmem>>, vector<10112x1xf32>
    %get3A_2 = arith.constant 0 : index
    %get3A_3 = arith.constant 0 : index
    %get3A_4 = arith.constant 0 : index
    %get3A_5 = vector.load %arg0[%get3A_2, %get3A_3, %get3A_4] : memref<2x10112x64xf32, #tpu.memory_space<vmem>>, vector<1x10112x64xf32>
    %get3A_6 = vector.shape_cast %get3A_5 : vector<1x10112x64xf32> to vector<10112x64xf32>
    %get3A_7 = arith.constant 1 : index
    %get3A_8 = arith.constant 0 : index
    %get3A_9 = arith.constant 0 : index
    %get3A_10 = vector.load %arg0[%get3A_7, %get3A_8, %get3A_9] : memref<2x10112x64xf32, #tpu.memory_space<vmem>>, vector<1x10112x64xf32>
    %get3A_11 = vector.shape_cast %get3A_10 : vector<1x10112x64xf32> to vector<10112x64xf32>
    %add3A = arith.addf %get3A_6, %get3A_11 : vector<10112x64xf32>
    %get3A_12 = arith.constant 0 : index
    %get3A_13 = arith.constant 0 : index
    %get3A_14 = vector.load %arg1[%get3A_12, %get3A_13] : memref<10112x64xf32, #tpu.memory_space<vmem>>, vector<10112x64xf32>
    %add3A_15 = arith.addf %add3A, %get3A_14 : vector<10112x64xf32>
    %mul3A = vector.broadcast %get3A_1 : vector<10112x1xf32> to vector<10112x64xf32>
    %mul3A_16 = arith.mulf %mul3A, %add3A_15 : vector<10112x64xf32>
    %get3A_17 = arith.constant 0 : index
    %get3A_18 = arith.constant 0 : index
    %get3A_19 = vector.load %arg3[%get3A_17, %get3A_18] : memref<1x64xf32, #tpu.memory_space<vmem>>, vector<1x64xf32>
    %add3A_20 = vector.broadcast %get3A_19 : vector<1x64xf32> to vector<10112x64xf32>
    %add3A_21 = arith.addf %mul3A_16, %add3A_20 : vector<10112x64xf32>
    %max3A = arith.constant 0.000000e+00 : f32
    %max3A_22 = vector.broadcast %max3A : f32 to vector<10112x64xf32>
    %max3A_23 = arith.maximumf %add3A_21, %max3A_22 : vector<10112x64xf32>
    %iota3A = tpu.iota {dimensions = array<i32: 0>} : vector<10112x1xi32>
    %lt3A = arith.constant 10000 : i32
    %lt3A_24 = vector.broadcast %lt3A : i32 to vector<10112x1xi32>
    %lt3A_25 = arith.cmpi slt, %iota3A, %lt3A_24 : vector<10112x1xi32>
    %jit3A = arith.constant 0.000000e+00 : f32
    %broadcast_in_dim3A = vector.shape_cast %lt3A_25 : vector<10112x1xi1> to vector<10112x1xi1>
    %broadcast_in_dim3A_26 = vector.broadcast %broadcast_in_dim3A : vector<10112x1xi1> to vector<10112x64xi1>
    %broadcast_in_dim3A_27 = vector.broadcast %jit3A : f32 to vector<10112x64xf32>
    %select_n3A = arith.select %broadcast_in_dim3A_26, %max3A_23, %broadcast_in_dim3A_27 : vector<10112x64xi1>, vector<10112x64xf32>
    %get3A_28 = arith.constant 0 : index
    %get3A_29 = arith.constant 0 : index
    %get3A_30 = vector.load %arg4[%get3A_28, %get3A_29] : memref<64x1xf32, #tpu.memory_space<vmem>>, vector<64x1xf32>
    %dot_general3A = arith.constant dense<0.000000e+00> : vector<10112x1xf32>
    %dot_general3A_31 = tpu.matmul %max3A_23, %get3A_30, %dot_general3A {dimension_numbers = #tpu.dot_dimension_numbers<[1], [0], [0], [1], [0, 0, 1, 1], [], []>, transpose_lhs_hint = false} : vector<10112x64xf32>, vector<64x1xf32>, vector<10112x1xf32> -> vector<10112x1xf32>
    %get3A_32 = arith.constant 0 : index
    %get3A_33 = arith.constant 0 : index
    %get3A_34 = vector.load %arg5[%get3A_32, %get3A_33] : memref<1x1xf32, #tpu.memory_space<vmem>>, vector<1x1xf32>
    %add3A_35 = vector.broadcast %get3A_34 : vector<1x1xf32> to vector<10112x1xf32>
    %add3A_36 = arith.addf %dot_general3A_31, %add3A_35 : vector<10112x1xf32>
    %swap3A = arith.constant 0 : index
    %swap3A_37 = arith.constant 0 : index
    %swap3A_38 = vector.load %arg8[%swap3A, %swap3A_37] : memref<10112x1xf32, #tpu.memory_space<vmem>>, vector<10112x1xf32>
    tpu.vector_store %arg8[%swap3A, %swap3A_37], %add3A_36 {strides = array<i32>} : memref<10112x1xf32, #tpu.memory_space<vmem>>, vector<10112x1xf32>,
    %reduce_sum3A = arith.constant dense<0.000000e+00> : vector<64xf32>
    %reduce_sum3A_39 = vector.multi_reduction <add>, %select_n3A, %reduce_sum3A [0] : vector<10112x64xf32> to vector<64xf32>
    %broadcast_in_dim3A_40 = vector.shape_cast %reduce_sum3A_39 : vector<64xf32> to vector<1x64xf32>
    %mul3A_41 = arith.constant 9.99999974E-5 : f32
    %mul3A_42 = vector.broadcast %mul3A_41 : f32 to vector<1x64xf32>
    %mul3A_43 = arith.mulf %broadcast_in_dim3A_40, %mul3A_42 : vector<1x64xf32>
    %get3A_44 = arith.constant 0 : index
    %get3A_45 = arith.constant 0 : index
    %get3A_46 = vector.load %arg6[%get3A_44, %get3A_45] : memref<64x1xf32, #tpu.memory_space<vmem>>, vector<64x1xf32>
    %dot_general3A_47 = arith.constant dense<0.000000e+00> : vector<1x1xf32>
    %dot_general3A_48 = tpu.matmul %mul3A_43, %get3A_46, %dot_general3A_47 {dimension_numbers = #tpu.dot_dimension_numbers<[1], [0], [0], [1], [0, 0, 1, 1], [], []>, transpose_lhs_hint = false} : vector<1x64xf32>, vector<64x1xf32>, vector<1x1xf32> -> vector<1x1xf32>
    %get3A_49 = arith.constant 0 : index
    %get3A_50 = arith.constant 0 : index
    %get3A_51 = vector.load %arg7[%get3A_49, %get3A_50] : memref<1x1xf32, #tpu.memory_space<vmem>>, vector<1x1xf32>
    %add3A_52 = arith.addf %dot_general3A_48, %get3A_51 : vector<1x1xf32>
    %swap3A_53 = arith.constant 0 : index
    %swap3A_54 = arith.constant 0 : index
    %swap3A_55 = vector.load %arg9[%swap3A_53, %swap3A_54] : memref<1x1xf32, #tpu.memory_space<vmem>>, vector<1x1xf32>
    tpu.vector_store %arg9[%swap3A_53, %swap3A_54], %add3A_52 {strides = array<i32>} : memref<1x1xf32, #tpu.memory_space<vmem>>, vector<1x1xf32>,
    return
  }
}

</mosaic_0001>

<sc_bundles>
// kernel: kernel.12.cloned.1.call-start
scs
__scs_entry_jumppad:
0x0: {  	(pc) =	sbr.rel $0x88, $3  }
0x1: {  	(tag) =	ssettag $0x0;
	lr =	simm.s32 $0x1  }
0x2: {  	[smem:$0x3F97] =	sst lr;
	_ =	strace $0xD0000000  }
0x3: {  	_ = 	snop  }
0x4: {  	_ = 	snop  }
0x5: {  	_ = 	snop  }
0x6: {  	_ = 	snop  }
0x7: {  	_ = 	snop  }
__scs_overlays_trampoline_lowered:
0x8: {  	[smem:$0x3FA6] =	sst s0  }
0x9: {  	[smem:$0x3FA7] =	sst s1  }
0xa: {  	[smem:$0x3FA8] =	sst s2  }
0xb: {  	[smem:$0x3FA9] =	sst s3  }
0xc: {  	[smem:$0x3FAA] =	sst s4  }
0xd: {  	[smem:$0x3FAB] =	sst s5  }
0xe: {  	[smem:$0x3FAC] =	sst s6  }
0xf: {  	[smem:$0x3FAD] =	sst s7  }
0x10: {  	[smem:$0x3FAE] =	sst s8  }
0x11: {  	[smem:$0x3FAF] =	sst s9;
	s0 =	simm.s32 @!p0 $0x0  }
0x12: {  	s1 =	sld [smem:$0x3F95];
	s0 =	simm.s32 @p0 $0x1  }
0x13: {  	[smem:$0x3FB0] =	sst s0;
	s0 =	simm.s32 @!p1 $0x0  }
0x14: {  	s2 =	sld [smem:$0x3F94];
	s0 =	simm.s32 @p1 $0x1  }
0x15: {  	[smem:$0x3FB1] =	sst s0;
	s0 =	simm.s32 @!p2 $0x0  }
0x16: {  	s3 =	sld [smem:$0x3FDB];
	s0 =	simm.s32 @p2 $0x1  }
0x17: {  	s4 =	simm.s32 $0x1BF5;
	[smem:$0x3FB3] =	sst s0  }
0x18: {  	s0 =	sld [smem:$0x3F96];
	_ =	swait.ge [sflag:s4], $0x0  }
0x19: {  	s7 =	sld [smem:$0x3F97]  }
0x1a: {  	s8 =	sadd.s32 $0xFFFFE003, lr  }
0x1b: {  	s9 =	sadd.s32 $0xFFFFFEF7, lr;
	s5 =	simm.s32 $0xFFFFFFFF;
	p2 =	slt.u32 s8, $0xFFFFF086  }
0x1c: {  	p1 =	slt.u32 s9, $0xF7A;
	s5 =	simm.s32 @!p2 $0x0  }
0x1d: {  	s5 =	simm.s32 @p1 $0x1;
	p0 =	seq.s32 s7, s2  }
0x1e: {  	s7 =	smul.u32 @!p0 $0xF7A, s2;
	p2 =	seq.s32 @!p0 s5, $0x0  }
0x1f: {  	s9 =	smul.u32 $0xF7A, s1;
	s8 =	simm.s32 @!p0 $0x1BF5;
	p2 =	por !p2, p0  }
0x20: {  	[sflag:s8] =	ssyncset.s32 @!p0 $0xFFFFF086;
	s6 =	sadd.s32 @!p0 s3, s7;
	s7 =	simm.s32 @!p0 $0x108  }
0x21: {  	s3 =	sadd.s32 s3, s9;
	s6 =	sadd.s32 @!p0 $0x88, s6;
	s7 =	simm.s32 @p2 $0x1082  }
0x22: {  	[simem:s7], [sflag:s8] =	dma.local @!p0 [hbm:s6], $0xF7A  }
0x23: {  	s9 =	sor.u32 $0xD0000000, s2;
	s6 =	simm.s32 $0x108;
	_ =	swait.ge @!p0 [sflag:s8], $0x0  }
0x24: {  	s3 =	sadd.s32 $0x88, s3;
	s6 =	simm.s32 @!p1 $0x1082;
	[sflag:s4] =	ssyncset.s32 $0xFFFFF086  }
0x25: {  	[simem:s6], [sflag:s4] =	dma.local [hbm:s3], $0xF7A  }
0x26: {  	[smem:$0x3F97] =	sst s1;
	(tag) =	ssettag s2;
	_ =	strace s9  }
0x27: {  	s1 =	sld [smem:$0x3FA7]  }
0x28: {  	s2 =	sld [smem:$0x3FA8]  }
0x29: {  	s4 =	sld [smem:$0x3FAA]  }
0x2a: {  	p0 =	seq.s32 s5, $0x0;
	s5 =	sld [smem:$0x3FAB]  }
0x2b: {  	s6 =	sld [smem:$0x3FAC]  }
0x2c: {  	s7 =	sld [smem:$0x3FAD]  }
0x2d: {  	s3 =	simm.s32 $0x108;
	s8 =	sld [smem:$0x3FAE]  }
0x2e: {  	s3 =	simm.s32 @!p0 $0x1082;
	s9 =	sld [smem:$0x3FAF]  }
0x2f: {  	lr =	sadd.s32 s0, s3;
	s0 =	sld [smem:$0x3FA6]  }
0x30: {  	s3 =	sld [smem:$0x3FA9]  }
0x31: {  	[smem:$0x3FB2] =	sst s10  }
0x32: {  	s10 =	sld [smem:$0x3FB0];
	_ =	sdelay $0x3  }
0x33: {  	p0 =	seq.s32 s10, $0x1;
	s10 =	sld [smem:$0x3FB2];
	_ =	sdelay $0x3  }
0x34: {  	[smem:$0x3FB2] =	sst s10  }
0x35: {  	s10 =	sld [smem:$0x3FB1];
	_ =	sdelay $0x3  }
0x36: {  	p1 =	seq.s32 s10, $0x1;
	s10 =	sld [smem:$0x3FB2];
	_ =	sdelay $0x3  }
0x37: {  	[smem:$0x3FB2] =	sst s10  }
0x38: {  	s10 =	sld [smem:$0x3FB3]  }
0x39: {  	_ = 	snop;
	(pc) =	sbr.ind lr, $3  }
0x3a: {  	_ = 	snop  }
0x3b: {  	_ = 	snop  }
0x3c: {  	p2 =	seq.s32 s10, $0x1;
	s10 =	sld [smem:$0x3FB2]  }
0x3d: {  	_ =	shalt  }
0x3e: {  	_ =	shalt  }
0x3f: {  	_ =	shalt  }
0x40: {  	_ =	shalt  }
0x41: {  	_ =	shalt  }
0x42: {  	_ =	shalt  }
0x43: {  	_ =	shalt  }
0x44: {  	_ =	shalt  }
0x45: {  	_ =	shalt  }
0x46: {  	_ =	shalt  }
0x47: {  	_ =	shalt  }
0x48: {  	_ =	shalt  }
0x49: {  	_ =	shalt  }
0x4a: {  	_ =	shalt  }
0x4b: {  	_ =	shalt  }
0x4c: {  	_ =	shalt  }
0x4d: {  	_ =	shalt  }
0x4e: {  	_ =	shalt  }
0x4f: {  	_ =	shalt  }
0x50: {  	_ =	shalt  }
0x51: {  	_ =	shalt  }
0x52: {  	_ =	shalt  }
0x53: {  	_ =	shalt  }
0x54: {  	_ =	shalt  }
0x55: {  	_ =	shalt  }
0x56: {  	_ =	shalt  }
0x57: {  	_ =	shalt  }
0x58: {  	_ =	shalt  }
0x59: {  	_ =	shalt  }
0x5a: {  	_ =	shalt  }
0x5b: {  	_ =	shalt  }
0x5c: {  	_ =	shalt  }
0x5d: {  	_ =	shalt  }
0x5e: {  	_ =	shalt  }
0x5f: {  	_ =	shalt  }
0x60: {  	_ =	shalt  }
0x61: {  	_ =	shalt  }
0x62: {  	_ =	shalt  }
0x63: {  	_ =	shalt  }
0x64: {  	_ =	shalt  }
0x65: {  	_ =	shalt  }
0x66: {  	_ =	shalt  }
0x67: {  	_ =	shalt  }
0x68: {  	_ =	shalt  }
0x69: {  	_ =	shalt  }
0x6a: {  	_ =	shalt  }
0x6b: {  	_ =	shalt  }
0x6c: {  	_ =	shalt  }
0x6d: {  	_ =	shalt  }
0x6e: {  	_ =	shalt  }
0x6f: {  	_ =	shalt  }
0x70: {  	_ =	shalt  }
0x71: {  	_ =	shalt  }
0x72: {  	_ =	shalt  }
0x73: {  	_ =	shalt  }
0x74: {  	_ =	shalt  }
0x75: {  	_ =	shalt  }
0x76: {  	_ =	shalt  }
0x77: {  	_ =	shalt  }
0x78: {  	_ =	shalt  }
0x79: {  	_ =	shalt  }
0x7a: {  	_ =	shalt  }
0x7b: {  	_ =	shalt  }
0x7c: {  	_ =	shalt  }
0x7d: {  	_ =	shalt  }
0x7e: {  	_ =	shalt  }
0x7f: {  	_ =	shalt  }
0x80: {  	_ =	shalt  }
0x81: {  	_ =	shalt  }
0x82: {  	_ =	shalt  }
0x83: {  	_ =	shalt  }
0x84: {  	_ =	shalt  }
0x85: {  	_ =	shalt  }
0x86: {  	_ =	shalt  }
0x87: {  	_ =	shalt  }
.Lfunc_end0:
.L_simem_size_0:
called_computation.1_lowered:
.L_overlay_start_0:
0x88: {  	s2 =	sld [smem:$0x3FD9]  }
0x89: {  	s3 =	sld [smem:$0x3FFE];
	_ =	sdelay $0x1  }
0x8a: {  	s1 =	srdreg.scid  }
0x8b: {  	s0 =	sand.u32 $0x1, s1  }
0x8c: {  	s16 =	sshll.u32 s0, $0xA;
	s2 =	sadd.s32 s3, s2  }
0x8d: {  	s2 =	sadd.s32 s2, s16  }
0x8e: {  	[smem:$0x3FBE] =	sst s2  }
0x8f: {  	_ = 	snop  }
0x90: {  	(tm) =	ssettm $0x1  }
0x91: {  	s17 =	sld [smem:$0x3FFB];
	_ =	sdelay $0x3  }
0x92: {  	_ =	strace s17  }
0x93: {  	s2 =	sld [smem:$0x3FFC];
	_ =	sdelay $0x3  }
0x94: {  	_ =	strace s2  }
0x95: {  	s2 =	sld [smem:$0x3FFD];
	_ =	sdelay $0x3  }
0x96: {  	_ =	strace s2  }
0x97: {  	_ =	strace $0x8FFFFFFF  }
0x98: {  	s18 =	sld [smem:$0x3FDB];
	_ =	sdelay $0x1  }
0x99: {  	s19 =	simm.s32 $_scs_section_size  }
0x9a: {  	s4 =	simm.s32 $_size__tile_overlayer_lowered;
	s5 =	simm.s32 $_tile_overlayer_lowered  }
0x9b: {  	s22 =	simm.s32 $0x1BFF;
	s21 =	sshll.u32 s5, $0x1;
	s2 =	sadd.s32 s19, s18  }
0x9c: {  	s6 =	simm.s32 $0x0;
	s20 =	sshll.u32 s4, $0x1;
	s4 =	sadd.s32 s21, s2  }
0x9d: {  	[timem:s6], [sflag:s22] =	dma.local [hbm:s4], s20  }
0x9e: {  	_ =	swait.ge [sflag:s22], s20  }
0x9f: {  	s3 =	ssub.s32 $0x0, s20;
	[sflag:s22] =	ssyncset.done $0x0  }
0xa0: {  	[sflag:s22] =	ssyncadd.s32 s3;
	_ =	sdelay $0x1  }
0xa1: {  	s23 =	simm.s32 $0x1B8B  }
0xa2: {  	_ =	swait.ge [sflag:s23], $0x1  }
0xa3: {  	[sflag:s23] =	ssyncset.done $0x0  }
0xa4: {  	s25 =	simm.s32 $0x1B8E;
	s24 =	sld [smem:$0x3FFE];
	[sflag:s23] =	ssyncadd.s32 $0xFFFFFFFF  }
0xa5: {  	s26 =	simm.s32 $execute0_lowered;
	[smem:$0x3FD2] =	sst s25  }
0xa6: {  	s4 =	sshll.u32 s26, $0x1;
	_ =	strace $0x80000049;
	[dreg:$0x1] =	wrdreg $0xFFFFFFFF  }
0xa7: {  	s28 =	simm.s32 $_size_execute0_lowered;
	s2 =	sadd.s32 s2, s4;
	[dreg:$0x0] =	wrdreg $0x0  }
0xa8: {  	s4 =	sshll.u32 s28, $0x1;
	[dreg:$0x2] =	wrdreg s2  }
0xa9: {  	[dreg:$0x3] =	wrdreg s4  }
0xaa: {  	[dreg:$0x4] =	wrdreg $0xC0  }
0xab: {  	_ =	task [dreg:s6], $0x5FFFF  }
0xac: {  	[dreg:$0x1] =	wrdreg $0xFFFFFFFF  }
0xad: {  	[dreg:$0x0] =	wrdreg $0x60  }
0xae: {  	[dreg:$0x2] =	wrdreg s24  }
0xaf: {  	[dreg:$0x3] =	wrdreg $0x150000  }
0xb0: {  	[dreg:$0x4] =	wrdreg $0x9  }
0xb1: {  	_ =	task.clear_ibuf [dreg:s6], $0x5FFFF;
	_ =	strace $0x90000049  }
0xb2: {  	s29 =	simm.s32 $0x9;
	_ =	strace $0x8000004B  }
0xb3: {  	_ =	swait.ge [sflag:s29], $0x1  }
0xb4: {  	[sflag:s29] =	ssyncadd.s32 $0xFFFFFFFF  }
0xb5: {  	_ =	strace $0x9000004B  }
0xb6: {  	_ =	sfence  }
0xb7: {  	s30 =	sld [smem:$0x0];
	_ =	sdelay $0x2  }
0xb8: {  	s31 =	sshll.u32 s1, $0xD;
	s1 =	sshrl.u32 s1, $0x2  }
0xb9: {  	s3 =	sand.u32 $0x4000, s31;
	s1 =	sadd.s32 s1, s30  }
0xba: {  	s0 =	sor.u32 s3, s0;
	s1 =	sshll.u32 s1, $0x11  }
0xbb: {  	s0 =	sor.u32 s1, s0  }
0xbc: {  	s0 =	sadd.s32 $0x8F2B, s0  }
0xbd: {  	[sflag:s0] =	ssyncadd.remote.s32 $0x1  }
0xbe: {  	_ =	sfence.sel $0xFFFF  }
0xbf: {  	[dreg:$0x0] =	wrdreg $0xFFFFFFFF;
	(pc) =	sbr.abs _section_cstart, $3  }
0xc0: {  	[dreg:$0x1] =	wrdreg $0xFFFFFFFF  }
0xc1: {  	_ =	task.clear_ibuf [dreg:s6], $0x2FFFF;
	_ =	strace $0x9FFFFFFF  }
0xc2: {  	(tm) =	ssettm $0x7FFFFFFF  }
0xc3: {  	_ =	shalt  }
tec
execute0_lowered:
.L_overlay_start_1:
0x0: {  	(tag) =	ssettag $0x1  }
0x1: {  	s0 =	srdreg.scid;
	s3 =	rddreg [dreg:$0x0]  }
0x2: {  	s9 =	stileid.u32;
	s2 =	rddreg [dreg:$0x1]  }
0x3: {  	s4 =	simm.s32 $0x0;
	s12 =	simm.s32 $0x11;
	s14 =	simm.s32 $0x80  }
0x4: {  	s15 =	simm.s32 $0x5000;
	s16 =	simm.s32 $0x7000;
	s17 =	simm.s32 $0x9000  }
0x5: {  	s18 =	simm.s32 $0xB000;
	s19 =	simm.s32 $0xD000;
	s20 =	simm.s32 $0xF000  }
0x6: {  	s21 =	simm.s32 $0x11000;
	s22 =	simm.s32 $0x13000;
	s23 =	simm.s32 $0x1  }
0x7: {  	s28 =	simm.s32 $0x5;
	s29 =	simm.s32 $0x6;
	s30 =	simm.s32 $0x7  }
0x8: {  	s31 =	simm.s32 $0x8;
	s13 =	simm.s32 $0xB;
	s0 =	sand.u32 $0x1, s0  }
0x9: {  	s1 =	sshll.u32 s9, $0x1;
	s5 =	smul.u32 $0x9E00, s9;
	[smem:$0x7FF] =	sst s4  }
0xa: {  	s4 =	sadd.s32 $0x24400, s3;
	s24 =	sshll.u32 s9, $0x6;
	s9 =	simm.s32 $0x10  }
0xb: {  	s1 =	sor.u32 s0, s1;
	s6 =	smul.u32 $0x9E000, s0;
	_ =	strace $0x8000004A  }
0xc: {  	s0 =	ssub.s32 $0x2, s0;
	s10 =	sor.u32 $0x1C11, s24;
	s24 =	simm.s32 $0x2  }
0xd: {  	s1 =	smul.u32 $0x500, s1;
	s7 =	sshrl.u32 s5, $0x3;
	s8 =	sshrl.u32 s0, $0x1  }
0xe: {  	[dreg:$0x4] =	wrdreg s10;
	s6 =	sadd.s32 s5, s6;
	s7 =	sadd.s32 s7, s3  }
0xf: {  	s0 =	ssub.s32 s0, s8;
	s5 =	sadd.s32 s5, s2;
	s8 =	simm.s32 $0xF  }
0x10: {  	s1 =	sadd.s32 s1, s3;
	s6 =	sshrl.u32 s6, $0x3;
	s7 =	sadd.s32 $0x38000, s7  }
0x11: {  	s0 =	smax.u32 s0, $0x1;
	s11 =	sshrl.u32 s5, $0x3;
	[dreg:$0x3] =	wrdreg s7  }
0x12: {  	s5 =	simm.s32 $0xD;
	s3 =	sadd.s32 s6, s3;
	[dreg:$0x8] =	wrdreg s0  }
0x13: {  	s25 =	sadd.s32 $0x1A400, s1;
	s1 =	sadd.s32 $0x1600, s1;
	[dreg:$0x9] =	wrdreg s11  }
0x14: {  	s0 =	simm.s32 $0xA;
	s7 =	simm.s32 $0xE;
	[dreg:$0x5] =	wrdreg s25  }
0x15: {  	s6 =	simm.s32 $0x0;
	[dreg:$0x6] =	wrdreg s1;
	s26 =	sadd.s32 $0x4BC00, s3  }
0x16: {  	s25 =	simm.s32 $0x3;
	s1 =	simm.s32 $0x9;
	[dreg:$0xa] =	wrdreg s6  }
0x17: {  	s3 =	simm.s32 $0xC;
	[dreg:$0x7] =	wrdreg s26;
	s26 =	simm.s32 $0x4  }
.LBB2_1:
0x18: {  	s6 =	rddreg [dreg:$0x3]  }
0x19: {  	[spmem:s11], [sflag:s10] =	dma.local [hbm:s6], $0x13C0  }
0x1a: {  	_ =	swait.ge [sflag:s12], $0x13C0  }
0x1b: {  	[sflag:s12] =	ssyncset.done $0x0  }
0x1c: {  	s6 =	simm.s32 $0x0;
	s11 =	rddreg [dreg:$0x5];
	[sflag:s12] =	ssyncadd.s32 $0xFFFFEC40  }
0x1d: {  	[tilespmem:s6], [sflag:$0x11] =	stream.linear.gather [hbm4b:s11+s6], $0x2800, $0x38;
	[tilespmem:$0x1EE00] =	vst v63  }
0x1e: {  	_ =	swait.ge [sflag:s12], $0x2800  }
0x1f: {  	[sflag:s12] =	ssyncset.done $0x0  }
0x20: {  	s11 =	simm.s32 $0x2800;
	s10 =	rddreg [dreg:$0x6];
	[sflag:s12] =	ssyncadd.s32 $0xFFFFD800  }
0x21: {  	[tilespmem:s11], [sflag:$0x11] =	stream.linear.gather [hbm4b:s10+s6], $0x2800, $0x38;
	[tilespmem:$0x1EE00] =	vst v63  }
0x22: {  	_ =	swait.ge [sflag:s12], $0x2800  }
0x23: {  	[sflag:s12] =	ssyncset.done $0x0  }
0x24: {  	[sflag:s12] =	ssyncadd.s32 $0xFFFFD800  }
0x25: {  	s12 =	simm.s32 $0x0;
	[bflag:$0x0] =	sbarrier.arrive $0xFFFF  }
0x26: {  	[tilespmem:s15], [sflag:$0x1] =	stream.indirect.gather [hbm4b:s4+s14], $0x40, s12, s14, $0xb8;
	[tilespmem:$0x1EE00] =	vst v63  }
0x27: {  	s10 =	simm.s32 $0x80  }
0x28: {  	[tilespmem:s16], [sflag:$0x2] =	stream.indirect.gather [hbm4b:s4+s14], $0x40, s10, s14, $0xb8;
	[tilespmem:$0x1EE00] =	vst v63  }
0x29: {  	s11 =	simm.s32 $0x100  }
0x2a: {  	[tilespmem:s17], [sflag:$0x3] =	stream.indirect.gather [hbm4b:s4+s14], $0x40, s11, s14, $0xb8;
	[tilespmem:$0x1EE00] =	vst v63  }
0x2b: {  	s12 =	simm.s32 $0x180  }
0x2c: {  	[tilespmem:s18], [sflag:$0x4] =	stream.indirect.gather [hbm4b:s4+s14], $0x40, s12, s14, $0xb8;
	[tilespmem:$0x1EE00] =	vst v63  }
0x2d: {  	s10 =	simm.s32 $0x200  }
0x2e: {  	[tilespmem:s19], [sflag:$0x5] =	stream.indirect.gather [hbm4b:s4+s14], $0x40, s10, s14, $0xb8;
	[tilespmem:$0x1EE00] =	vst v63  }
0x2f: {  	s11 =	simm.s32 $0x280  }
0x30: {  	[tilespmem:s20], [sflag:$0x6] =	stream.indirect.gather [hbm4b:s4+s14], $0x40, s11, s14, $0xb8;
	[tilespmem:$0x1EE00] =	vst v63  }
0x31: {  	s12 =	simm.s32 $0x300  }
0x32: {  	[tilespmem:s21], [sflag:$0x7] =	stream.indirect.gather [hbm4b:s4+s14], $0x40, s12, s14, $0xb8;
	[tilespmem:$0x1EE00] =	vst v63  }
0x33: {  	s10 =	simm.s32 $0x380  }
0x34: {  	[tilespmem:s22], [sflag:$0x8] =	stream.indirect.gather [hbm4b:s4+s14], $0x40, s10, s14, $0xb8;
	[tilespmem:$0x1EE00] =	vst v63  }
0x35: {  	_ =	swait.ge [sflag:s23], $0x2000  }
0x36: {  	[sflag:s23] =	ssyncset.done $0x0  }
0x37: {  	s11 =	simm.s32 $0x2800;
	[sflag:s23] =	ssyncadd.s32 $0xFFFFE000  }
0x38: {  	[spmem:s2] =	stream.indirect.scatter.add.f32 [tilespmem:s15], [sflag:$0x9], $0x40, s11, s14, $0xb8;
	[tilespmem:$0x1EE00] =	vst v63  }
0x39: {  	_ =	swait.ge [sflag:s24], $0x2000  }
0x3a: {  	[sflag:s24] =	ssyncset.done $0x0  }
0x3b: {  	s12 =	simm.s32 $0x2880;
	[sflag:s24] =	ssyncadd.s32 $0xFFFFE000  }
0x3c: {  	[spmem:s2] =	stream.indirect.scatter.add.f32 [tilespmem:s16], [sflag:$0xA], $0x40, s12, s14, $0xb8;
	[tilespmem:$0x1EE00] =	vst v63  }
0x3d: {  	_ =	swait.ge [sflag:s25], $0x2000  }
0x3e: {  	[sflag:s25] =	ssyncset.done $0x0  }
0x3f: {  	s10 =	simm.s32 $0x2900;
	[sflag:s25] =	ssyncadd.s32 $0xFFFFE000  }
0x40: {  	[spmem:s2] =	stream.indirect.scatter.add.f32 [tilespmem:s17], [sflag:$0xB], $0x40, s10, s14, $0xb8;
	[tilespmem:$0x1EE00] =	vst v63  }
0x41: {  	_ =	swait.ge [sflag:s26], $0x2000  }
0x42: {  	[sflag:s26] =	ssyncset.done $0x0  }
0x43: {  	s11 =	simm.s32 $0x2980;
	[sflag:s26] =	ssyncadd.s32 $0xFFFFE000  }
0x44: {  	[spmem:s2] =	stream.indirect.scatter.add.f32 [tilespmem:s18], [sflag:$0xC], $0x40, s11, s14, $0xb8;
	[tilespmem:$0x1EE00] =	vst v63  }
0x45: {  	_ =	swait.ge [sflag:s28], $0x2000  }
0x46: {  	[sflag:s28] =	ssyncset.done $0x0  }
0x47: {  	s12 =	simm.s32 $0x2A00;
	[sflag:s28] =	ssyncadd.s32 $0xFFFFE000  }
0x48: {  	[spmem:s2] =	stream.indirect.scatter.add.f32 [tilespmem:s19], [sflag:$0xD], $0x40, s12, s14, $0xb8;
	[tilespmem:$0x1EE00] =	vst v63  }
0x49: {  	_ =	swait.ge [sflag:s29], $0x2000  }
0x4a: {  	[sflag:s29] =	ssyncset.done $0x0  }
0x4b: {  	s10 =	simm.s32 $0x2A80;
	[sflag:s29] =	ssyncadd.s32 $0xFFFFE000  }
0x4c: {  	[spmem:s2] =	stream.indirect.scatter.add.f32 [tilespmem:s20], [sflag:$0xE], $0x40, s10, s14, $0xb8;
	[tilespmem:$0x1EE00] =	vst v63  }
0x4d: {  	_ =	swait.ge [sflag:s30], $0x2000  }
0x4e: {  	[sflag:s30] =	ssyncset.done $0x0  }
0x4f: {  	s11 =	simm.s32 $0x2B00;
	[sflag:s30] =	ssyncadd.s32 $0xFFFFE000  }
0x50: {  	[spmem:s2] =	stream.indirect.scatter.add.f32 [tilespmem:s21], [sflag:$0xF], $0x40, s11, s14, $0xb8;
	[tilespmem:$0x1EE00] =	vst v63  }
0x51: {  	_ =	swait.ge [sflag:s31], $0x2000  }
0x52: {  	[sflag:s31] =	ssyncset.done $0x0  }
0x53: {  	s12 =	simm.s32 $0x2B80;
	[sflag:s31] =	ssyncadd.s32 $0xFFFFE000  }
0x54: {  	[spmem:s2] =	stream.indirect.scatter.add.f32 [tilespmem:s22], [sflag:$0x10], $0x40, s12, s14, $0xb8;
	[tilespmem:$0x1EE00] =	vst v63  }
0x55: {  	_ =	swait.ge [sflag:s1], $0x2000  }
0x56: {  	[sflag:s1] =	ssyncset.done $0x0  }
0x57: {  	[sflag:s1] =	ssyncadd.s32 $0xFFFFE000  }
0x58: {  	_ =	swait.ge [sflag:s0], $0x2000  }
0x59: {  	[sflag:s0] =	ssyncset.done $0x0  }
0x5a: {  	[sflag:s0] =	ssyncadd.s32 $0xFFFFE000  }
0x5b: {  	_ =	swait.ge [sflag:s13], $0x2000  }
0x5c: {  	[sflag:s13] =	ssyncset.done $0x0  }
0x5d: {  	[sflag:s13] =	ssyncadd.s32 $0xFFFFE000  }
0x5e: {  	_ =	swait.ge [sflag:s3], $0x2000  }
0x5f: {  	[sflag:s3] =	ssyncset.done $0x0  }
0x60: {  	[sflag:s3] =	ssyncadd.s32 $0xFFFFE000  }
0x61: {  	_ =	swait.ge [sflag:s5], $0x2000  }
0x62: {  	[sflag:s5] =	ssyncset.done $0x0  }
0x63: {  	[sflag:s5] =	ssyncadd.s32 $0xFFFFE000  }
0x64: {  	_ =	swait.ge [sflag:s7], $0x2000  }
0x65: {  	[sflag:s7] =	ssyncset.done $0x0  }
0x66: {  	[sflag:s7] =	ssyncadd.s32 $0xFFFFE000  }
0x67: {  	_ =	swait.ge [sflag:s8], $0x2000  }
0x68: {  	[sflag:s8] =	ssyncset.done $0x0  }
0x69: {  	[sflag:s8] =	ssyncadd.s32 $0xFFFFE000  }
0x6a: {  	_ =	swait.ge [sflag:s9], $0x2000  }
0x6b: {  	s6 =	simm.s32 $0x1000;
	s11 =	simm.s32 $0x2000;
	[sflag:s9] =	ssyncset.done $0x0  }
.LBB2_2:
0x6c: {  	s12 =	sshra.s32 s6, $0x2  }
0x6d: {  	[sflag:s9] =	ssyncadd.s32 $0xFFFFE000;
	s6 =	smov.u32 s11;
	s10 =	sadd.s32 $0x1000, s11  }
0x6e: {  	[tilespmem:s15], [sflag:$0x1] =	stream.indirect.gather [hbm4b:s4+s14], $0x40, s12, s14, $0xb8;
	[tilespmem:$0x1EE00] =	vst v63  }
0x6f: {  	p0 =	sne.s32 s11, $0x9000;
	s11 =	sadd.s32 $0x80, s12  }
0x70: {  	[tilespmem:s16], [sflag:$0x2] =	stream.indirect.gather [hbm4b:s4+s14], $0x40, s11, s14, $0xb8;
	[tilespmem:$0x1EE00] =	vst v63  }
0x71: {  	s11 =	sadd.s32 $0x100, s12  }
0x72: {  	[tilespmem:s17], [sflag:$0x3] =	stream.indirect.gather [hbm4b:s4+s14], $0x40, s11, s14, $0xb8;
	[tilespmem:$0x1EE00] =	vst v63  }
0x73: {  	s11 =	sadd.s32 $0x180, s12  }
0x74: {  	[tilespmem:s18], [sflag:$0x4] =	stream.indirect.gather [hbm4b:s4+s14], $0x40, s11, s14, $0xb8;
	[tilespmem:$0x1EE00] =	vst v63  }
0x75: {  	s11 =	sadd.s32 $0x200, s12  }
0x76: {  	[tilespmem:s19], [sflag:$0x5] =	stream.indirect.gather [hbm4b:s4+s14], $0x40, s11, s14, $0xb8;
	[tilespmem:$0x1EE00] =	vst v63  }
0x77: {  	s11 =	sadd.s32 $0x280, s12  }
0x78: {  	[tilespmem:s20], [sflag:$0x6] =	stream.indirect.gather [hbm4b:s4+s14], $0x40, s11, s14, $0xb8;
	[tilespmem:$0x1EE00] =	vst v63  }
0x79: {  	s11 =	sadd.s32 $0x300, s12  }
0x7a: {  	[tilespmem:s21], [sflag:$0x7] =	stream.indirect.gather [hbm4b:s4+s14], $0x40, s11, s14, $0xb8;
	[tilespmem:$0x1EE00] =	vst v63  }
0x7b: {  	s11 =	sadd.s32 $0x380, s12  }
0x7c: {  	[tilespmem:s22], [sflag:$0x8] =	stream.indirect.gather [hbm4b:s4+s14], $0x40, s11, s14, $0xb8;
	[tilespmem:$0x1EE00] =	vst v63  }
0x7d: {  	_ =	swait.ge [sflag:s23], $0x2000  }
0x7e: {  	[sflag:s23] =	ssyncset.done $0x0  }
0x7f: {  	s11 =	sadd.s32 $0x2800, s12;
	[sflag:s23] =	ssyncadd.s32 $0xFFFFE000  }
0x80: {  	[spmem:s2] =	stream.indirect.scatter.add.f32 [tilespmem:s15], [sflag:$0x9], $0x40, s11, s14, $0xb8;
	[tilespmem:$0x1EE00] =	vst v63  }
0x81: {  	_ =	swait.ge [sflag:s24], $0x2000  }
0x82: {  	[sflag:s24] =	ssyncset.done $0x0  }
0x83: {  	s11 =	sadd.s32 $0x2880, s12;
	[sflag:s24] =	ssyncadd.s32 $0xFFFFE000  }
0x84: {  	[spmem:s2] =	stream.indirect.scatter.add.f32 [tilespmem:s16], [sflag:$0xA], $0x40, s11, s14, $0xb8;
	[tilespmem:$0x1EE00] =	vst v63  }
0x85: {  	_ =	swait.ge [sflag:s25], $0x2000  }
0x86: {  	[sflag:s25] =	ssyncset.done $0x0  }
0x87: {  	s11 =	sadd.s32 $0x2900, s12;
	[sflag:s25] =	ssyncadd.s32 $0xFFFFE000  }
0x88: {  	[spmem:s2] =	stream.indirect.scatter.add.f32 [tilespmem:s17], [sflag:$0xB], $0x40, s11, s14, $0xb8;
	[tilespmem:$0x1EE00] =	vst v63  }
0x89: {  	_ =	swait.ge [sflag:s26], $0x2000  }
0x8a: {  	[sflag:s26] =	ssyncset.done $0x0  }
0x8b: {  	s11 =	sadd.s32 $0x2980, s12;
	[sflag:s26] =	ssyncadd.s32 $0xFFFFE000  }
0x8c: {  	[spmem:s2] =	stream.indirect.scatter.add.f32 [tilespmem:s18], [sflag:$0xC], $0x40, s11, s14, $0xb8;
	[tilespmem:$0x1EE00] =	vst v63  }
0x8d: {  	_ =	swait.ge [sflag:s28], $0x2000  }
0x8e: {  	[sflag:s28] =	ssyncset.done $0x0  }
0x8f: {  	s11 =	sadd.s32 $0x2A00, s12;
	[sflag:s28] =	ssyncadd.s32 $0xFFFFE000  }
0x90: {  	[spmem:s2] =	stream.indirect.scatter.add.f32 [tilespmem:s19], [sflag:$0xD], $0x40, s11, s14, $0xb8;
	[tilespmem:$0x1EE00] =	vst v63  }
0x91: {  	_ =	swait.ge [sflag:s29], $0x2000  }
0x92: {  	[sflag:s29] =	ssyncset.done $0x0  }
0x93: {  	s11 =	sadd.s32 $0x2A80, s12;
	[sflag:s29] =	ssyncadd.s32 $0xFFFFE000  }
0x94: {  	[spmem:s2] =	stream.indirect.scatter.add.f32 [tilespmem:s20], [sflag:$0xE], $0x40, s11, s14, $0xb8;
	[tilespmem:$0x1EE00] =	vst v63  }
0x95: {  	_ =	swait.ge [sflag:s30], $0x2000  }
0x96: {  	[sflag:s30] =	ssyncset.done $0x0  }
0x97: {  	s11 =	sadd.s32 $0x2B00, s12;
	[sflag:s30] =	ssyncadd.s32 $0xFFFFE000  }
0x98: {  	[spmem:s2] =	stream.indirect.scatter.add.f32 [tilespmem:s21], [sflag:$0xF], $0x40, s11, s14, $0xb8;
	[tilespmem:$0x1EE00] =	vst v63  }
0x99: {  	_ =	swait.ge [sflag:s31], $0x2000  }
0x9a: {  	[sflag:s31] =	ssyncset.done $0x0  }
0x9b: {  	s11 =	sadd.s32 $0x2B80, s12;
	[sflag:s31] =	ssyncadd.s32 $0xFFFFE000  }
0x9c: {  	[spmem:s2] =	stream.indirect.scatter.add.f32 [tilespmem:s22], [sflag:$0x10], $0x40, s11, s14, $0xb8;
	[tilespmem:$0x1EE00] =	vst v63  }
0x9d: {  	_ =	swait.ge [sflag:s1], $0x2000  }
0x9e: {  	[sflag:s1] =	ssyncset.done $0x0  }
0x9f: {  	[sflag:s1] =	ssyncadd.s32 $0xFFFFE000  }
0xa0: {  	_ =	swait.ge [sflag:s0], $0x2000  }
0xa1: {  	[sflag:s0] =	ssyncset.done $0x0  }
0xa2: {  	[sflag:s0] =	ssyncadd.s32 $0xFFFFE000  }
0xa3: {  	_ =	swait.ge [sflag:s13], $0x2000  }
0xa4: {  	[sflag:s13] =	ssyncset.done $0x0  }
0xa5: {  	[sflag:s13] =	ssyncadd.s32 $0xFFFFE000  }
0xa6: {  	_ =	swait.ge [sflag:s3], $0x2000  }
0xa7: {  	[sflag:s3] =	ssyncset.done $0x0  }
0xa8: {  	[sflag:s3] =	ssyncadd.s32 $0xFFFFE000  }
0xa9: {  	_ =	swait.ge [sflag:s5], $0x2000  }
0xaa: {  	[sflag:s5] =	ssyncset.done $0x0  }
0xab: {  	[sflag:s5] =	ssyncadd.s32 $0xFFFFE000  }
0xac: {  	_ =	swait.ge [sflag:s7], $0x2000  }
0xad: {  	[sflag:s7] =	ssyncset.done $0x0  }
0xae: {  	[sflag:s7] =	ssyncadd.s32 $0xFFFFE000  }
.Ltmp0:
0xaf: {  	_ =	swait.ge [sflag:s8], $0x2000;
	(pc) =	sbr.rel @p0 .LBB2_2-.Ltmp0, $4  }
0xb0: {  	[sflag:s8] =	ssyncset.done $0x0  }
0xb1: {  	[sflag:s8] =	ssyncadd.s32 $0xFFFFE000  }
0xb2: {  	_ =	swait.ge [sflag:s9], $0x2000  }
0xb3: {  	s11 =	smov.u32 s10;
	[sflag:s9] =	ssyncset.done $0x0  }
0xb4: {  	s6 =	sshra.s32 s6, $0x2;
	[sflag:s9] =	ssyncadd.s32 $0xFFFFE000  }
0xb5: {  	[tilespmem:s15], [sflag:$0x1] =	stream.indirect.gather [hbm4b:s4+s14], $0x40, s6, s14, $0xb8;
	[tilespmem:$0x1EE00] =	vst v63  }
0xb6: {  	s10 =	sadd.s32 $0x80, s6  }
0xb7: {  	[tilespmem:s16], [sflag:$0x2] =	stream.indirect.gather [hbm4b:s4+s14], $0x40, s10, s14, $0xb8;
	[tilespmem:$0x1EE00] =	vst v63  }
0xb8: {  	s12 =	sadd.s32 $0x100, s6  }
0xb9: {  	[tilespmem:s17], [sflag:$0x3] =	stream.indirect.gather [hbm4b:s4+s14], $0x40, s12, s14, $0xb8;
	[tilespmem:$0x1EE00] =	vst v63  }
0xba: {  	s11 =	sadd.s32 $0x180, s6  }
0xbb: {  	[tilespmem:s18], [sflag:$0x4] =	stream.indirect.gather [hbm4b:s4+s14], $0x40, s11, s14, $0xb8;
	[tilespmem:$0x1EE00] =	vst v63  }
0xbc: {  	s12 =	sadd.s32 $0x200, s6  }
0xbd: {  	[tilespmem:s19], [sflag:$0x5] =	stream.indirect.gather [hbm4b:s4+s14], $0x40, s12, s14, $0xb8;
	[tilespmem:$0x1EE00] =	vst v63  }
0xbe: {  	s11 =	sadd.s32 $0x280, s6  }
0xbf: {  	[tilespmem:s20], [sflag:$0x6] =	stream.indirect.gather [hbm4b:s4+s14], $0x40, s11, s14, $0xb8;
	[tilespmem:$0x1EE00] =	vst v63  }
0xc0: {  	s12 =	sadd.s32 $0x300, s6  }
0xc1: {  	[tilespmem:s21], [sflag:$0x7] =	stream.indirect.gather [hbm4b:s4+s14], $0x40, s12, s14, $0xb8;
	[tilespmem:$0x1EE00] =	vst v63  }
0xc2: {  	s11 =	sadd.s32 $0x380, s6  }
0xc3: {  	[tilespmem:s22], [sflag:$0x8] =	stream.indirect.gather [hbm4b:s4+s14], $0x40, s11, s14, $0xb8;
	[tilespmem:$0x1EE00] =	vst v63  }
0xc4: {  	_ =	swait.ge [sflag:s23], $0x2000  }
0xc5: {  	[sflag:s23] =	ssyncset.done $0x0  }
0xc6: {  	s12 =	sadd.s32 $0x2800, s6;
	[sflag:s23] =	ssyncadd.s32 $0xFFFFE000  }
0xc7: {  	[spmem:s2] =	stream.indirect.scatter.add.f32 [tilespmem:s15], [sflag:$0x9], $0x40, s12, s14, $0xb8;
	[tilespmem:$0x1EE00] =	vst v63  }
0xc8: {  	_ =	swait.ge [sflag:s24], $0x2000  }
0xc9: {  	[sflag:s24] =	ssyncset.done $0x0  }
0xca: {  	s11 =	sadd.s32 $0x2880, s6;
	[sflag:s24] =	ssyncadd.s32 $0xFFFFE000  }
0xcb: {  	[spmem:s2] =	stream.indirect.scatter.add.f32 [tilespmem:s16], [sflag:$0xA], $0x40, s11, s14, $0xb8;
	[tilespmem:$0x1EE00] =	vst v63  }
0xcc: {  	_ =	swait.ge [sflag:s25], $0x2000  }
0xcd: {  	[sflag:s25] =	ssyncset.done $0x0  }
0xce: {  	s12 =	sadd.s32 $0x2900, s6;
	[sflag:s25] =	ssyncadd.s32 $0xFFFFE000  }
0xcf: {  	[spmem:s2] =	stream.indirect.scatter.add.f32 [tilespmem:s17], [sflag:$0xB], $0x40, s12, s14, $0xb8;
	[tilespmem:$0x1EE00] =	vst v63  }
0xd0: {  	_ =	swait.ge [sflag:s26], $0x2000  }
0xd1: {  	[sflag:s26] =	ssyncset.done $0x0  }
0xd2: {  	s11 =	sadd.s32 $0x2980, s6;
	[sflag:s26] =	ssyncadd.s32 $0xFFFFE000  }
0xd3: {  	[spmem:s2] =	stream.indirect.scatter.add.f32 [tilespmem:s18], [sflag:$0xC], $0x40, s11, s14, $0xb8;
	[tilespmem:$0x1EE00] =	vst v63  }
0xd4: {  	_ =	swait.ge [sflag:s28], $0x2000  }
0xd5: {  	[sflag:s28] =	ssyncset.done $0x0  }
0xd6: {  	s12 =	sadd.s32 $0x2A00, s6;
	[sflag:s28] =	ssyncadd.s32 $0xFFFFE000  }
0xd7: {  	[spmem:s2] =	stream.indirect.scatter.add.f32 [tilespmem:s19], [sflag:$0xD], $0x40, s12, s14, $0xb8;
	[tilespmem:$0x1EE00] =	vst v63  }
0xd8: {  	_ =	swait.ge [sflag:s29], $0x2000  }
0xd9: {  	[sflag:s29] =	ssyncset.done $0x0  }
0xda: {  	s11 =	sadd.s32 $0x2A80, s6;
	[sflag:s29] =	ssyncadd.s32 $0xFFFFE000  }
0xdb: {  	[spmem:s2] =	stream.indirect.scatter.add.f32 [tilespmem:s20], [sflag:$0xE], $0x40, s11, s14, $0xb8;
	[tilespmem:$0x1EE00] =	vst v63  }
0xdc: {  	_ =	swait.ge [sflag:s30], $0x2000  }
0xdd: {  	[sflag:s30] =	ssyncset.done $0x0  }
0xde: {  	s12 =	sadd.s32 $0x2B00, s6;
	[sflag:s30] =	ssyncadd.s32 $0xFFFFE000  }
0xdf: {  	[spmem:s2] =	stream.indirect.scatter.add.f32 [tilespmem:s21], [sflag:$0xF], $0x40, s12, s14, $0xb8;
	[tilespmem:$0x1EE00] =	vst v63  }
0xe0: {  	_ =	swait.ge [sflag:s31], $0x2000  }
0xe1: {  	[sflag:s31] =	ssyncset.done $0x0  }
0xe2: {  	s6 =	sadd.s32 $0x2B80, s6;
	[sflag:s31] =	ssyncadd.s32 $0xFFFFE000  }
0xe3: {  	[spmem:s2] =	stream.indirect.scatter.add.f32 [tilespmem:s22], [sflag:$0x10], $0x40, s6, s14, $0xb8;
	[tilespmem:$0x1EE00] =	vst v63  }
0xe4: {  	_ =	swait.ge [sflag:s1], $0x2000  }
0xe5: {  	[sflag:s1] =	ssyncset.done $0x0  }
0xe6: {  	[sflag:s1] =	ssyncadd.s32 $0xFFFFE000  }
0xe7: {  	_ =	swait.ge [sflag:s0], $0x2000  }
0xe8: {  	[sflag:s0] =	ssyncset.done $0x0  }
0xe9: {  	[sflag:s0] =	ssyncadd.s32 $0xFFFFE000  }
0xea: {  	_ =	swait.ge [sflag:s13], $0x2000  }
0xeb: {  	[sflag:s13] =	ssyncset.done $0x0  }
0xec: {  	[sflag:s13] =	ssyncadd.s32 $0xFFFFE000  }
0xed: {  	_ =	swait.ge [sflag:s3], $0x2000  }
0xee: {  	[sflag:s3] =	ssyncset.done $0x0  }
0xef: {  	[sflag:s3] =	ssyncadd.s32 $0xFFFFE000  }
0xf0: {  	_ =	swait.ge [sflag:s5], $0x2000  }
0xf1: {  	[sflag:s5] =	ssyncset.done $0x0  }
0xf2: {  	[sflag:s5] =	ssyncadd.s32 $0xFFFFE000  }
0xf3: {  	_ =	swait.ge [sflag:s7], $0x2000  }
0xf4: {  	[sflag:s7] =	ssyncset.done $0x0  }
0xf5: {  	[sflag:s7] =	ssyncadd.s32 $0xFFFFE000  }
0xf6: {  	_ =	swait.ge [sflag:s8], $0x2000  }
0xf7: {  	[sflag:s8] =	ssyncset.done $0x0  }
0xf8: {  	[sflag:s8] =	ssyncadd.s32 $0xFFFFE000  }
0xf9: {  	_ =	swait.ge [sflag:s9], $0x2000  }
0xfa: {  	[sflag:s9] =	ssyncset.done $0x0  }
0xfb: {  	[sflag:s9] =	ssyncadd.s32 $0xFFFFE000  }
0xfc: {  	[bflag:$0x0] =	sbarrier.arrive $0xFFFF  }
0xfd: {  	s6 =	rddreg [dreg:$0x4]  }
0xfe: {  	s12 =	rddreg [dreg:$0x7]  }
0xff: {  	s11 =	rddreg [dreg:$0x9]  }
0x100: {  	[hbm:s12], [sflag:s6] =	dma.local [spmem:s11], $0x13C0  }
0x101: {  	s12 =	simm.s32 $0x11  }
0x102: {  	_ =	swait.ge [sflag:s12], $0x13C0  }
0x103: {  	s6 =	rddreg [dreg:$0xa]  }
0x104: {  	s10 =	sadd.s32 $0x1, s6;
	s6 =	rddreg [dreg:$0x8]  }
0x105: {  	p0 =	sne.s32 s10, s6  }
.Ltmp1:
0x106: {  	_ = 	snop;
	(pc) =	sbr.rel @p0 .LBB2_1-.Ltmp1, $3  }
0x107: {  	_ =	sdelay $0x1  }
0x108: {  	[sflag:s12] =	ssyncset.done $0x0;
	[dreg:$0xa] =	wrdreg s10  }
0x109: {  	[sflag:s12] =	ssyncadd.s32 $0xFFFFEC40;
	s10 =	rddreg [dreg:$0x4]  }
0x10a: {  	_ =	sfence.sel $0x180000  }
0x10b: {  	[bflag:$0x0] =	sbarrier.arrive $0xFFFF  }
0x10c: {  	_ =	strace $0x9000004A  }
0x10d: {  	s0 =	stileid.u32;
	[bflag:$0x2] =	sbarrier.arrive $0xFFFF  }
0x10e: {  	p0 =	sne.s32 s0, $0x0;
	s0 =	rddreg [dreg:$0x2]  }
0x10f: {  	s0 =	sadd.s32 @!p0 $0x100000, s0  }
0x110: {  	[sflag:s0] =	ssyncadd.tile.s32 @!p0 $0x1;
	_ =	shalt  }
.Lfunc_end2:
_tile_overlayer_lowered:
.L_overlay_start_2:
0x111: {  	(tag) =	ssettag $0x2  }
0x112: {  	s0 =	rddreg [dreg:$0x0];
	s2 =	stileid.u32  }
0x113: {  	s1 =	rddreg [dreg:$0x1];
	p0 =	sne.s32 s2, $0x0  }
0x114: {  	s3 =	rddreg [dreg:$0x2];
	[bflag:$0x3] =	sbarrier.arrive $0xFFFF;
	s2 =	simm.s32 @!p0 $0x1C11  }
0x115: {  	[timem:s3], [sflag:s2] =	dma.local @!p0 [hbm:s0], s1  }
0x116: {  	s0 =	simm.s32 @!p0 $0x11  }
0x117: {  	_ =	swait.ge @!p0 [sflag:s0], s1  }
0x118: {  	s1 =	ssub.s32 @!p0 $0x0, s1;
	[sflag:s0] =	ssyncset.done @!p0 $0x0  }
0x119: {  	[sflag:s0] =	ssyncadd.s32 @!p0 s1  }
0x11a: {  	[bflag:$0x3] =	sbarrier.arrive $0xFFFF  }
0x11b: {  	_ =	shalt  }

// kernel: kernel.15.cloned.1.call-start
scs
__scs_entry_jumppad:
0x0: {  	(pc) =	sbr.rel $0x88, $3  }
0x1: {  	(tag) =	ssettag $0x0;
	lr =	simm.s32 $0x1  }
0x2: {  	[smem:$0x3F97] =	sst lr;
	_ =	strace $0xD0000000  }
0x3: {  	_ = 	snop  }
0x4: {  	_ = 	snop  }
0x5: {  	_ = 	snop  }
0x6: {  	_ = 	snop  }
0x7: {  	_ = 	snop  }
__scs_overlays_trampoline_lowered:
0x8: {  	[smem:$0x3FA6] =	sst s0  }
0x9: {  	[smem:$0x3FA7] =	sst s1  }
0xa: {  	[smem:$0x3FA8] =	sst s2  }
0xb: {  	[smem:$0x3FA9] =	sst s3  }
0xc: {  	[smem:$0x3FAA] =	sst s4  }
0xd: {  	[smem:$0x3FAB] =	sst s5  }
0xe: {  	[smem:$0x3FAC] =	sst s6  }
0xf: {  	[smem:$0x3FAD] =	sst s7  }
0x10: {  	[smem:$0x3FAE] =	sst s8  }
0x11: {  	[smem:$0x3FAF] =	sst s9;
	s0 =	simm.s32 @!p0 $0x0  }
0x12: {  	s1 =	sld [smem:$0x3F95];
	s0 =	simm.s32 @p0 $0x1  }
0x13: {  	[smem:$0x3FB0] =	sst s0;
	s0 =	simm.s32 @!p1 $0x0  }
0x14: {  	s2 =	sld [smem:$0x3F94];
	s0 =	simm.s32 @p1 $0x1  }
0x15: {  	[smem:$0x3FB1] =	sst s0;
	s0 =	simm.s32 @!p2 $0x0  }
0x16: {  	s3 =	sld [smem:$0x3FDB];
	s0 =	simm.s32 @p2 $0x1  }
0x17: {  	s4 =	simm.s32 $0x1BF5;
	[smem:$0x3FB3] =	sst s0  }
0x18: {  	s0 =	sld [smem:$0x3F96];
	_ =	swait.ge [sflag:s4], $0x0  }
0x19: {  	s7 =	sld [smem:$0x3F97]  }
0x1a: {  	s8 =	sadd.s32 $0xFFFFE003, lr  }
0x1b: {  	s9 =	sadd.s32 $0xFFFFFEF7, lr;
	s5 =	simm.s32 $0xFFFFFFFF;
	p2 =	slt.u32 s8, $0xFFFFF086  }
0x1c: {  	p1 =	slt.u32 s9, $0xF7A;
	s5 =	simm.s32 @!p2 $0x0  }
0x1d: {  	s5 =	simm.s32 @p1 $0x1;
	p0 =	seq.s32 s7, s2  }
0x1e: {  	s7 =	smul.u32 @!p0 $0xF7A, s2;
	p2 =	seq.s32 @!p0 s5, $0x0  }
0x1f: {  	s9 =	smul.u32 $0xF7A, s1;
	s8 =	simm.s32 @!p0 $0x1BF5;
	p2 =	por !p2, p0  }
0x20: {  	[sflag:s8] =	ssyncset.s32 @!p0 $0xFFFFF086;
	s6 =	sadd.s32 @!p0 s3, s7;
	s7 =	simm.s32 @!p0 $0x108  }
0x21: {  	s3 =	sadd.s32 s3, s9;
	s6 =	sadd.s32 @!p0 $0x88, s6;
	s7 =	simm.s32 @p2 $0x1082  }
0x22: {  	[simem:s7], [sflag:s8] =	dma.local @!p0 [hbm:s6], $0xF7A  }
0x23: {  	s9 =	sor.u32 $0xD0000000, s2;
	s6 =	simm.s32 $0x108;
	_ =	swait.ge @!p0 [sflag:s8], $0x0  }
0x24: {  	s3 =	sadd.s32 $0x88, s3;
	s6 =	simm.s32 @!p1 $0x1082;
	[sflag:s4] =	ssyncset.s32 $0xFFFFF086  }
0x25: {  	[simem:s6], [sflag:s4] =	dma.local [hbm:s3], $0xF7A  }
0x26: {  	[smem:$0x3F97] =	sst s1;
	(tag) =	ssettag s2;
	_ =	strace s9  }
0x27: {  	s1 =	sld [smem:$0x3FA7]  }
0x28: {  	s2 =	sld [smem:$0x3FA8]  }
0x29: {  	s4 =	sld [smem:$0x3FAA]  }
0x2a: {  	p0 =	seq.s32 s5, $0x0;
	s5 =	sld [smem:$0x3FAB]  }
0x2b: {  	s6 =	sld [smem:$0x3FAC]  }
0x2c: {  	s7 =	sld [smem:$0x3FAD]  }
0x2d: {  	s3 =	simm.s32 $0x108;
	s8 =	sld [smem:$0x3FAE]  }
0x2e: {  	s3 =	simm.s32 @!p0 $0x1082;
	s9 =	sld [smem:$0x3FAF]  }
0x2f: {  	lr =	sadd.s32 s0, s3;
	s0 =	sld [smem:$0x3FA6]  }
0x30: {  	s3 =	sld [smem:$0x3FA9]  }
0x31: {  	[smem:$0x3FB2] =	sst s10  }
0x32: {  	s10 =	sld [smem:$0x3FB0];
	_ =	sdelay $0x3  }
0x33: {  	p0 =	seq.s32 s10, $0x1;
	s10 =	sld [smem:$0x3FB2];
	_ =	sdelay $0x3  }
0x34: {  	[smem:$0x3FB2] =	sst s10  }
0x35: {  	s10 =	sld [smem:$0x3FB1];
	_ =	sdelay $0x3  }
0x36: {  	p1 =	seq.s32 s10, $0x1;
	s10 =	sld [smem:$0x3FB2];
	_ =	sdelay $0x3  }
0x37: {  	[smem:$0x3FB2] =	sst s10  }
0x38: {  	s10 =	sld [smem:$0x3FB3]  }
0x39: {  	_ = 	snop;
	(pc) =	sbr.ind lr, $3  }
0x3a: {  	_ = 	snop  }
0x3b: {  	_ = 	snop  }
0x3c: {  	p2 =	seq.s32 s10, $0x1;
	s10 =	sld [smem:$0x3FB2]  }
0x3d: {  	_ =	shalt  }
0x3e: {  	_ =	shalt  }
0x3f: {  	_ =	shalt  }
0x40: {  	_ =	shalt  }
0x41: {  	_ =	shalt  }
0x42: {  	_ =	shalt  }
0x43: {  	_ =	shalt  }
0x44: {  	_ =	shalt  }
0x45: {  	_ =	shalt  }
0x46: {  	_ =	shalt  }
0x47: {  	_ =	shalt  }
0x48: {  	_ =	shalt  }
0x49: {  	_ =	shalt  }
0x4a: {  	_ =	shalt  }
0x4b: {  	_ =	shalt  }
0x4c: {  	_ =	shalt  }
0x4d: {  	_ =	shalt  }
0x4e: {  	_ =	shalt  }
0x4f: {  	_ =	shalt  }
0x50: {  	_ =	shalt  }
0x51: {  	_ =	shalt  }
0x52: {  	_ =	shalt  }
0x53: {  	_ =	shalt  }
0x54: {  	_ =	shalt  }
0x55: {  	_ =	shalt  }
0x56: {  	_ =	shalt  }
0x57: {  	_ =	shalt  }
0x58: {  	_ =	shalt  }
0x59: {  	_ =	shalt  }
0x5a: {  	_ =	shalt  }
0x5b: {  	_ =	shalt  }
0x5c: {  	_ =	shalt  }
0x5d: {  	_ =	shalt  }
0x5e: {  	_ =	shalt  }
0x5f: {  	_ =	shalt  }
0x60: {  	_ =	shalt  }
0x61: {  	_ =	shalt  }
0x62: {  	_ =	shalt  }
0x63: {  	_ =	shalt  }
0x64: {  	_ =	shalt  }
0x65: {  	_ =	shalt  }
0x66: {  	_ =	shalt  }
0x67: {  	_ =	shalt  }
0x68: {  	_ =	shalt  }
0x69: {  	_ =	shalt  }
0x6a: {  	_ =	shalt  }
0x6b: {  	_ =	shalt  }
0x6c: {  	_ =	shalt  }
0x6d: {  	_ =	shalt  }
0x6e: {  	_ =	shalt  }
0x6f: {  	_ =	shalt  }
0x70: {  	_ =	shalt  }
0x71: {  	_ =	shalt  }
0x72: {  	_ =	shalt  }
0x73: {  	_ =	shalt  }
0x74: {  	_ =	shalt  }
0x75: {  	_ =	shalt  }
0x76: {  	_ =	shalt  }
0x77: {  	_ =	shalt  }
0x78: {  	_ =	shalt  }
0x79: {  	_ =	shalt  }
0x7a: {  	_ =	shalt  }
0x7b: {  	_ =	shalt  }
0x7c: {  	_ =	shalt  }
0x7d: {  	_ =	shalt  }
0x7e: {  	_ =	shalt  }
0x7f: {  	_ =	shalt  }
0x80: {  	_ =	shalt  }
0x81: {  	_ =	shalt  }
0x82: {  	_ =	shalt  }
0x83: {  	_ =	shalt  }
0x84: {  	_ =	shalt  }
0x85: {  	_ =	shalt  }
0x86: {  	_ =	shalt  }
0x87: {  	_ =	shalt  }
.Lfunc_end0:
.L_simem_size_0:
called_computation.2_lowered:
.L_overlay_start_0:
0x88: {  	s2 =	sld [smem:$0x3FD9]  }
0x89: {  	s3 =	sld [smem:$0x3FFE];
	_ =	sdelay $0x1  }
0x8a: {  	s1 =	srdreg.scid  }
0x8b: {  	s0 =	sand.u32 $0x1, s1  }
0x8c: {  	s16 =	sshll.u32 s0, $0xA;
	s2 =	sadd.s32 s3, s2  }
0x8d: {  	s2 =	sadd.s32 s2, s16  }
0x8e: {  	[smem:$0x3FBE] =	sst s2  }
0x8f: {  	_ = 	snop  }
0x90: {  	(tm) =	ssettm $0x1  }
0x91: {  	s17 =	sld [smem:$0x3FFB];
	_ =	sdelay $0x3  }
0x92: {  	_ =	strace s17  }
0x93: {  	s2 =	sld [smem:$0x3FFC];
	_ =	sdelay $0x3  }
0x94: {  	_ =	strace s2  }
0x95: {  	s2 =	sld [smem:$0x3FFD];
	_ =	sdelay $0x3  }
0x96: {  	_ =	strace s2  }
0x97: {  	_ =	strace $0x8FFFFFFF  }
0x98: {  	s18 =	sld [smem:$0x3FDB];
	_ =	sdelay $0x1  }
0x99: {  	s19 =	simm.s32 $_scs_section_size  }
0x9a: {  	s4 =	simm.s32 $_size__tile_overlayer_lowered;
	s5 =	simm.s32 $_tile_overlayer_lowered  }
0x9b: {  	s22 =	simm.s32 $0x1BFF;
	s21 =	sshll.u32 s5, $0x1;
	s2 =	sadd.s32 s19, s18  }
0x9c: {  	s6 =	simm.s32 $0x0;
	s20 =	sshll.u32 s4, $0x1;
	s4 =	sadd.s32 s21, s2  }
0x9d: {  	[timem:s6], [sflag:s22] =	dma.local [hbm:s4], s20  }
0x9e: {  	_ =	swait.ge [sflag:s22], s20  }
0x9f: {  	s3 =	ssub.s32 $0x0, s20;
	[sflag:s22] =	ssyncset.done $0x0  }
0xa0: {  	[sflag:s22] =	ssyncadd.s32 s3;
	_ =	sdelay $0x1  }
0xa1: {  	s23 =	simm.s32 $0x1B8B  }
0xa2: {  	_ =	swait.ge [sflag:s23], $0x1  }
0xa3: {  	[sflag:s23] =	ssyncset.done $0x0  }
0xa4: {  	s25 =	simm.s32 $0x1B8E;
	s24 =	sld [smem:$0x3FFE];
	[sflag:s23] =	ssyncadd.s32 $0xFFFFFFFF  }
0xa5: {  	s26 =	simm.s32 $execute0_lowered;
	[smem:$0x3FD2] =	sst s25  }
0xa6: {  	s4 =	sshll.u32 s26, $0x1;
	_ =	strace $0x8000004C;
	[dreg:$0x1] =	wrdreg $0xFFFFFFFF  }
0xa7: {  	s28 =	simm.s32 $_size_execute0_lowered;
	s2 =	sadd.s32 s2, s4;
	[dreg:$0x0] =	wrdreg $0x0  }
0xa8: {  	s4 =	sshll.u32 s28, $0x1;
	[dreg:$0x2] =	wrdreg s2  }
0xa9: {  	[dreg:$0x3] =	wrdreg s4  }
0xaa: {  	[dreg:$0x4] =	wrdreg $0xC0  }
0xab: {  	_ =	task [dreg:s6], $0x5FFFF  }
0xac: {  	[dreg:$0x1] =	wrdreg $0xFFFFFFFF  }
0xad: {  	[dreg:$0x0] =	wrdreg $0x60  }
0xae: {  	[dreg:$0x2] =	wrdreg s24  }
0xaf: {  	[dreg:$0x3] =	wrdreg $0x150000  }
0xb0: {  	[dreg:$0x4] =	wrdreg $0x9  }
0xb1: {  	_ =	task.clear_ibuf [dreg:s6], $0x5FFFF;
	_ =	strace $0x9000004C  }
0xb2: {  	s29 =	simm.s32 $0x9;
	_ =	strace $0x8000004E  }
0xb3: {  	_ =	swait.ge [sflag:s29], $0x1  }
0xb4: {  	[sflag:s29] =	ssyncadd.s32 $0xFFFFFFFF  }
0xb5: {  	_ =	strace $0x9000004E  }
0xb6: {  	_ =	sfence  }
0xb7: {  	s30 =	sld [smem:$0x0];
	_ =	sdelay $0x2  }
0xb8: {  	s31 =	sshll.u32 s1, $0xD;
	s1 =	sshrl.u32 s1, $0x2  }
0xb9: {  	s3 =	sand.u32 $0x4000, s31;
	s1 =	sadd.s32 s1, s30  }
0xba: {  	s0 =	sor.u32 s3, s0;
	s1 =	sshll.u32 s1, $0x11  }
0xbb: {  	s0 =	sor.u32 s1, s0  }
0xbc: {  	s0 =	sadd.s32 $0x8F2B, s0  }
0xbd: {  	[sflag:s0] =	ssyncadd.remote.s32 $0x1  }
0xbe: {  	_ =	sfence.sel $0xFFFF  }
0xbf: {  	[dreg:$0x0] =	wrdreg $0xFFFFFFFF;
	(pc) =	sbr.abs _section_cstart, $3  }
0xc0: {  	[dreg:$0x1] =	wrdreg $0xFFFFFFFF  }
0xc1: {  	_ =	task.clear_ibuf [dreg:s6], $0x2FFFF;
	_ =	strace $0x9FFFFFFF  }
0xc2: {  	(tm) =	ssettm $0x7FFFFFFF  }
0xc3: {  	_ =	shalt  }
tec
execute0_lowered:
.L_overlay_start_1:
0x0: {  	(tag) =	ssettag $0x1  }
0x1: {  	s0 =	srdreg.scid;
	s3 =	rddreg [dreg:$0x0]  }
0x2: {  	s9 =	stileid.u32;
	s2 =	rddreg [dreg:$0x1]  }
0x3: {  	s4 =	simm.s32 $0x0;
	s12 =	simm.s32 $0x11;
	s14 =	simm.s32 $0x80  }
0x4: {  	s15 =	simm.s32 $0x5000;
	s16 =	simm.s32 $0x7000;
	s17 =	simm.s32 $0x9000  }
0x5: {  	s18 =	simm.s32 $0xB000;
	s19 =	simm.s32 $0xD000;
	s20 =	simm.s32 $0xF000  }
0x6: {  	s21 =	simm.s32 $0x11000;
	s22 =	simm.s32 $0x13000;
	s23 =	simm.s32 $0x1  }
0x7: {  	s28 =	simm.s32 $0x5;
	s29 =	simm.s32 $0x6;
	s30 =	simm.s32 $0x7  }
0x8: {  	s31 =	simm.s32 $0x8;
	s13 =	simm.s32 $0xB;
	s0 =	sand.u32 $0x1, s0  }
0x9: {  	s1 =	sshll.u32 s9, $0x1;
	s5 =	smul.u32 $0x9E00, s9;
	[smem:$0x7FF] =	sst s4  }
0xa: {  	s4 =	sadd.s32 $0x24400, s3;
	s24 =	sshll.u32 s9, $0x6;
	s9 =	simm.s32 $0x10  }
0xb: {  	s1 =	sor.u32 s0, s1;
	s6 =	smul.u32 $0x9E000, s0;
	_ =	strace $0x8000004D  }
0xc: {  	s0 =	ssub.s32 $0x2, s0;
	s10 =	sor.u32 $0x1C11, s24;
	s24 =	simm.s32 $0x2  }
0xd: {  	s1 =	smul.u32 $0x500, s1;
	s7 =	sshrl.u32 s5, $0x3;
	s8 =	sshrl.u32 s0, $0x1  }
0xe: {  	[dreg:$0x4] =	wrdreg s10;
	s6 =	sadd.s32 s5, s6;
	s7 =	sadd.s32 s7, s3  }
0xf: {  	s0 =	ssub.s32 s0, s8;
	s5 =	sadd.s32 s5, s2;
	s8 =	simm.s32 $0xF  }
0x10: {  	s1 =	sadd.s32 s1, s3;
	s6 =	sshrl.u32 s6, $0x3;
	s7 =	sadd.s32 $0x38000, s7  }
0x11: {  	s0 =	smax.u32 s0, $0x1;
	s11 =	sshrl.u32 s5, $0x3;
	[dreg:$0x3] =	wrdreg s7  }
0x12: {  	s5 =	simm.s32 $0xD;
	s3 =	sadd.s32 s6, s3;
	[dreg:$0x8] =	wrdreg s0  }
0x13: {  	s25 =	sadd.s32 $0x1A400, s1;
	s1 =	sadd.s32 $0x1600, s1;
	[dreg:$0x9] =	wrdreg s11  }
0x14: {  	s0 =	simm.s32 $0xA;
	s7 =	simm.s32 $0xE;
	[dreg:$0x5] =	wrdreg s25  }
0x15: {  	s6 =	simm.s32 $0x0;
	[dreg:$0x6] =	wrdreg s1;
	s26 =	sadd.s32 $0x4BC00, s3  }
0x16: {  	s25 =	simm.s32 $0x3;
	s1 =	simm.s32 $0x9;
	[dreg:$0xa] =	wrdreg s6  }
0x17: {  	s3 =	simm.s32 $0xC;
	[dreg:$0x7] =	wrdreg s26;
	s26 =	simm.s32 $0x4  }
.LBB2_1:
0x18: {  	s6 =	rddreg [dreg:$0x3]  }
0x19: {  	[spmem:s11], [sflag:s10] =	dma.local [hbm:s6], $0x13C0  }
0x1a: {  	_ =	swait.ge [sflag:s12], $0x13C0  }
0x1b: {  	[sflag:s12] =	ssyncset.done $0x0  }
0x1c: {  	s6 =	simm.s32 $0x0;
	s11 =	rddreg [dreg:$0x5];
	[sflag:s12] =	ssyncadd.s32 $0xFFFFEC40  }
0x1d: {  	[tilespmem:s6], [sflag:$0x11] =	stream.linear.gather [hbm4b:s11+s6], $0x2800, $0x38;
	[tilespmem:$0x1EE00] =	vst v63  }
0x1e: {  	_ =	swait.ge [sflag:s12], $0x2800  }
0x1f: {  	[sflag:s12] =	ssyncset.done $0x0  }
0x20: {  	s11 =	simm.s32 $0x2800;
	s10 =	rddreg [dreg:$0x6];
	[sflag:s12] =	ssyncadd.s32 $0xFFFFD800  }
0x21: {  	[tilespmem:s11], [sflag:$0x11] =	stream.linear.gather [hbm4b:s10+s6], $0x2800, $0x38;
	[tilespmem:$0x1EE00] =	vst v63  }
0x22: {  	_ =	swait.ge [sflag:s12], $0x2800  }
0x23: {  	[sflag:s12] =	ssyncset.done $0x0  }
0x24: {  	[sflag:s12] =	ssyncadd.s32 $0xFFFFD800  }
0x25: {  	s12 =	simm.s32 $0x0;
	[bflag:$0x0] =	sbarrier.arrive $0xFFFF  }
0x26: {  	[tilespmem:s15], [sflag:$0x1] =	stream.indirect.gather [hbm4b:s4+s14], $0x40, s12, s14, $0xb8;
	[tilespmem:$0x1EE00] =	vst v63  }
0x27: {  	s10 =	simm.s32 $0x80  }
0x28: {  	[tilespmem:s16], [sflag:$0x2] =	stream.indirect.gather [hbm4b:s4+s14], $0x40, s10, s14, $0xb8;
	[tilespmem:$0x1EE00] =	vst v63  }
0x29: {  	s11 =	simm.s32 $0x100  }
0x2a: {  	[tilespmem:s17], [sflag:$0x3] =	stream.indirect.gather [hbm4b:s4+s14], $0x40, s11, s14, $0xb8;
	[tilespmem:$0x1EE00] =	vst v63  }
0x2b: {  	s12 =	simm.s32 $0x180  }
0x2c: {  	[tilespmem:s18], [sflag:$0x4] =	stream.indirect.gather [hbm4b:s4+s14], $0x40, s12, s14, $0xb8;
	[tilespmem:$0x1EE00] =	vst v63  }
0x2d: {  	s10 =	simm.s32 $0x200  }
0x2e: {  	[tilespmem:s19], [sflag:$0x5] =	stream.indirect.gather [hbm4b:s4+s14], $0x40, s10, s14, $0xb8;
	[tilespmem:$0x1EE00] =	vst v63  }
0x2f: {  	s11 =	simm.s32 $0x280  }
0x30: {  	[tilespmem:s20], [sflag:$0x6] =	stream.indirect.gather [hbm4b:s4+s14], $0x40, s11, s14, $0xb8;
	[tilespmem:$0x1EE00] =	vst v63  }
0x31: {  	s12 =	simm.s32 $0x300  }
0x32: {  	[tilespmem:s21], [sflag:$0x7] =	stream.indirect.gather [hbm4b:s4+s14], $0x40, s12, s14, $0xb8;
	[tilespmem:$0x1EE00] =	vst v63  }
0x33: {  	s10 =	simm.s32 $0x380  }
0x34: {  	[tilespmem:s22], [sflag:$0x8] =	stream.indirect.gather [hbm4b:s4+s14], $0x40, s10, s14, $0xb8;
	[tilespmem:$0x1EE00] =	vst v63  }
0x35: {  	_ =	swait.ge [sflag:s23], $0x2000  }
0x36: {  	[sflag:s23] =	ssyncset.done $0x0  }
0x37: {  	s11 =	simm.s32 $0x2800;
	[sflag:s23] =	ssyncadd.s32 $0xFFFFE000  }
0x38: {  	[spmem:s2] =	stream.indirect.scatter.add.f32 [tilespmem:s15], [sflag:$0x9], $0x40, s11, s14, $0xb8;
	[tilespmem:$0x1EE00] =	vst v63  }
0x39: {  	_ =	swait.ge [sflag:s24], $0x2000  }
0x3a: {  	[sflag:s24] =	ssyncset.done $0x0  }
0x3b: {  	s12 =	simm.s32 $0x2880;
	[sflag:s24] =	ssyncadd.s32 $0xFFFFE000  }
0x3c: {  	[spmem:s2] =	stream.indirect.scatter.add.f32 [tilespmem:s16], [sflag:$0xA], $0x40, s12, s14, $0xb8;
	[tilespmem:$0x1EE00] =	vst v63  }
0x3d: {  	_ =	swait.ge [sflag:s25], $0x2000  }
0x3e: {  	[sflag:s25] =	ssyncset.done $0x0  }
0x3f: {  	s10 =	simm.s32 $0x2900;
	[sflag:s25] =	ssyncadd.s32 $0xFFFFE000  }
0x40: {  	[spmem:s2] =	stream.indirect.scatter.add.f32 [tilespmem:s17], [sflag:$0xB], $0x40, s10, s14, $0xb8;
	[tilespmem:$0x1EE00] =	vst v63  }
0x41: {  	_ =	swait.ge [sflag:s26], $0x2000  }
0x42: {  	[sflag:s26] =	ssyncset.done $0x0  }
0x43: {  	s11 =	simm.s32 $0x2980;
	[sflag:s26] =	ssyncadd.s32 $0xFFFFE000  }
0x44: {  	[spmem:s2] =	stream.indirect.scatter.add.f32 [tilespmem:s18], [sflag:$0xC], $0x40, s11, s14, $0xb8;
	[tilespmem:$0x1EE00] =	vst v63  }
0x45: {  	_ =	swait.ge [sflag:s28], $0x2000  }
0x46: {  	[sflag:s28] =	ssyncset.done $0x0  }
0x47: {  	s12 =	simm.s32 $0x2A00;
	[sflag:s28] =	ssyncadd.s32 $0xFFFFE000  }
0x48: {  	[spmem:s2] =	stream.indirect.scatter.add.f32 [tilespmem:s19], [sflag:$0xD], $0x40, s12, s14, $0xb8;
	[tilespmem:$0x1EE00] =	vst v63  }
0x49: {  	_ =	swait.ge [sflag:s29], $0x2000  }
0x4a: {  	[sflag:s29] =	ssyncset.done $0x0  }
0x4b: {  	s10 =	simm.s32 $0x2A80;
	[sflag:s29] =	ssyncadd.s32 $0xFFFFE000  }
0x4c: {  	[spmem:s2] =	stream.indirect.scatter.add.f32 [tilespmem:s20], [sflag:$0xE], $0x40, s10, s14, $0xb8;
	[tilespmem:$0x1EE00] =	vst v63  }
0x4d: {  	_ =	swait.ge [sflag:s30], $0x2000  }
0x4e: {  	[sflag:s30] =	ssyncset.done $0x0  }
0x4f: {  	s11 =	simm.s32 $0x2B00;
	[sflag:s30] =	ssyncadd.s32 $0xFFFFE000  }
0x50: {  	[spmem:s2] =	stream.indirect.scatter.add.f32 [tilespmem:s21], [sflag:$0xF], $0x40, s11, s14, $0xb8;
	[tilespmem:$0x1EE00] =	vst v63  }
0x51: {  	_ =	swait.ge [sflag:s31], $0x2000  }
0x52: {  	[sflag:s31] =	ssyncset.done $0x0  }
0x53: {  	s12 =	simm.s32 $0x2B80;
	[sflag:s31] =	ssyncadd.s32 $0xFFFFE000  }
0x54: {  	[spmem:s2] =	stream.indirect.scatter.add.f32 [tilespmem:s22], [sflag:$0x10], $0x40, s12, s14, $0xb8;
	[tilespmem:$0x1EE00] =	vst v63  }
0x55: {  	_ =	swait.ge [sflag:s1], $0x2000  }
0x56: {  	[sflag:s1] =	ssyncset.done $0x0  }
0x57: {  	[sflag:s1] =	ssyncadd.s32 $0xFFFFE000  }
0x58: {  	_ =	swait.ge [sflag:s0], $0x2000  }
0x59: {  	[sflag:s0] =	ssyncset.done $0x0  }
0x5a: {  	[sflag:s0] =	ssyncadd.s32 $0xFFFFE000  }
0x5b: {  	_ =	swait.ge [sflag:s13], $0x2000  }
0x5c: {  	[sflag:s13] =	ssyncset.done $0x0  }
0x5d: {  	[sflag:s13] =	ssyncadd.s32 $0xFFFFE000  }
0x5e: {  	_ =	swait.ge [sflag:s3], $0x2000  }
0x5f: {  	[sflag:s3] =	ssyncset.done $0x0  }
0x60: {  	[sflag:s3] =	ssyncadd.s32 $0xFFFFE000  }
0x61: {  	_ =	swait.ge [sflag:s5], $0x2000  }
0x62: {  	[sflag:s5] =	ssyncset.done $0x0  }
0x63: {  	[sflag:s5] =	ssyncadd.s32 $0xFFFFE000  }
0x64: {  	_ =	swait.ge [sflag:s7], $0x2000  }
0x65: {  	[sflag:s7] =	ssyncset.done $0x0  }
0x66: {  	[sflag:s7] =	ssyncadd.s32 $0xFFFFE000  }
0x67: {  	_ =	swait.ge [sflag:s8], $0x2000  }
0x68: {  	[sflag:s8] =	ssyncset.done $0x0  }
0x69: {  	[sflag:s8] =	ssyncadd.s32 $0xFFFFE000  }
0x6a: {  	_ =	swait.ge [sflag:s9], $0x2000  }
0x6b: {  	s6 =	simm.s32 $0x1000;
	s11 =	simm.s32 $0x2000;
	[sflag:s9] =	ssyncset.done $0x0  }
.LBB2_2:
0x6c: {  	s12 =	sshra.s32 s6, $0x2  }
0x6d: {  	[sflag:s9] =	ssyncadd.s32 $0xFFFFE000;
	s6 =	smov.u32 s11;
	s10 =	sadd.s32 $0x1000, s11  }
0x6e: {  	[tilespmem:s15], [sflag:$0x1] =	stream.indirect.gather [hbm4b:s4+s14], $0x40, s12, s14, $0xb8;
	[tilespmem:$0x1EE00] =	vst v63  }
0x6f: {  	p0 =	sne.s32 s11, $0x9000;
	s11 =	sadd.s32 $0x80, s12  }
0x70: {  	[tilespmem:s16], [sflag:$0x2] =	stream.indirect.gather [hbm4b:s4+s14], $0x40, s11, s14, $0xb8;
	[tilespmem:$0x1EE00] =	vst v63  }
0x71: {  	s11 =	sadd.s32 $0x100, s12  }
0x72: {  	[tilespmem:s17], [sflag:$0x3] =	stream.indirect.gather [hbm4b:s4+s14], $0x40, s11, s14, $0xb8;
	[tilespmem:$0x1EE00] =	vst v63  }
0x73: {  	s11 =	sadd.s32 $0x180, s12  }
0x74: {  	[tilespmem:s18], [sflag:$0x4] =	stream.indirect.gather [hbm4b:s4+s14], $0x40, s11, s14, $0xb8;
	[tilespmem:$0x1EE00] =	vst v63  }
0x75: {  	s11 =	sadd.s32 $0x200, s12  }
0x76: {  	[tilespmem:s19], [sflag:$0x5] =	stream.indirect.gather [hbm4b:s4+s14], $0x40, s11, s14, $0xb8;
	[tilespmem:$0x1EE00] =	vst v63  }
0x77: {  	s11 =	sadd.s32 $0x280, s12  }
0x78: {  	[tilespmem:s20], [sflag:$0x6] =	stream.indirect.gather [hbm4b:s4+s14], $0x40, s11, s14, $0xb8;
	[tilespmem:$0x1EE00] =	vst v63  }
0x79: {  	s11 =	sadd.s32 $0x300, s12  }
0x7a: {  	[tilespmem:s21], [sflag:$0x7] =	stream.indirect.gather [hbm4b:s4+s14], $0x40, s11, s14, $0xb8;
	[tilespmem:$0x1EE00] =	vst v63  }
0x7b: {  	s11 =	sadd.s32 $0x380, s12  }
0x7c: {  	[tilespmem:s22], [sflag:$0x8] =	stream.indirect.gather [hbm4b:s4+s14], $0x40, s11, s14, $0xb8;
	[tilespmem:$0x1EE00] =	vst v63  }
0x7d: {  	_ =	swait.ge [sflag:s23], $0x2000  }
0x7e: {  	[sflag:s23] =	ssyncset.done $0x0  }
0x7f: {  	s11 =	sadd.s32 $0x2800, s12;
	[sflag:s23] =	ssyncadd.s32 $0xFFFFE000  }
0x80: {  	[spmem:s2] =	stream.indirect.scatter.add.f32 [tilespmem:s15], [sflag:$0x9], $0x40, s11, s14, $0xb8;
	[tilespmem:$0x1EE00] =	vst v63  }
0x81: {  	_ =	swait.ge [sflag:s24], $0x2000  }
0x82: {  	[sflag:s24] =	ssyncset.done $0x0  }
0x83: {  	s11 =	sadd.s32 $0x2880, s12;
	[sflag:s24] =	ssyncadd.s32 $0xFFFFE000  }
0x84: {  	[spmem:s2] =	stream.indirect.scatter.add.f32 [tilespmem:s16], [sflag:$0xA], $0x40, s11, s14, $0xb8;
	[tilespmem:$0x1EE00] =	vst v63  }
0x85: {  	_ =	swait.ge [sflag:s25], $0x2000  }
0x86: {  	[sflag:s25] =	ssyncset.done $0x0  }
0x87: {  	s11 =	sadd.s32 $0x2900, s12;
	[sflag:s25] =	ssyncadd.s32 $0xFFFFE000  }
0x88: {  	[spmem:s2] =	stream.indirect.scatter.add.f32 [tilespmem:s17], [sflag:$0xB], $0x40, s11, s14, $0xb8;
	[tilespmem:$0x1EE00] =	vst v63  }
0x89: {  	_ =	swait.ge [sflag:s26], $0x2000  }
0x8a: {  	[sflag:s26] =	ssyncset.done $0x0  }
0x8b: {  	s11 =	sadd.s32 $0x2980, s12;
	[sflag:s26] =	ssyncadd.s32 $0xFFFFE000  }
0x8c: {  	[spmem:s2] =	stream.indirect.scatter.add.f32 [tilespmem:s18], [sflag:$0xC], $0x40, s11, s14, $0xb8;
	[tilespmem:$0x1EE00] =	vst v63  }
0x8d: {  	_ =	swait.ge [sflag:s28], $0x2000  }
0x8e: {  	[sflag:s28] =	ssyncset.done $0x0  }
0x8f: {  	s11 =	sadd.s32 $0x2A00, s12;
	[sflag:s28] =	ssyncadd.s32 $0xFFFFE000  }
0x90: {  	[spmem:s2] =	stream.indirect.scatter.add.f32 [tilespmem:s19], [sflag:$0xD], $0x40, s11, s14, $0xb8;
	[tilespmem:$0x1EE00] =	vst v63  }
0x91: {  	_ =	swait.ge [sflag:s29], $0x2000  }
0x92: {  	[sflag:s29] =	ssyncset.done $0x0  }
0x93: {  	s11 =	sadd.s32 $0x2A80, s12;
	[sflag:s29] =	ssyncadd.s32 $0xFFFFE000  }
0x94: {  	[spmem:s2] =	stream.indirect.scatter.add.f32 [tilespmem:s20], [sflag:$0xE], $0x40, s11, s14, $0xb8;
	[tilespmem:$0x1EE00] =	vst v63  }
0x95: {  	_ =	swait.ge [sflag:s30], $0x2000  }
0x96: {  	[sflag:s30] =	ssyncset.done $0x0  }
0x97: {  	s11 =	sadd.s32 $0x2B00, s12;
	[sflag:s30] =	ssyncadd.s32 $0xFFFFE000  }
0x98: {  	[spmem:s2] =	stream.indirect.scatter.add.f32 [tilespmem:s21], [sflag:$0xF], $0x40, s11, s14, $0xb8;
	[tilespmem:$0x1EE00] =	vst v63  }
0x99: {  	_ =	swait.ge [sflag:s31], $0x2000  }
0x9a: {  	[sflag:s31] =	ssyncset.done $0x0  }
0x9b: {  	s11 =	sadd.s32 $0x2B80, s12;
	[sflag:s31] =	ssyncadd.s32 $0xFFFFE000  }
0x9c: {  	[spmem:s2] =	stream.indirect.scatter.add.f32 [tilespmem:s22], [sflag:$0x10], $0x40, s11, s14, $0xb8;
	[tilespmem:$0x1EE00] =	vst v63  }
0x9d: {  	_ =	swait.ge [sflag:s1], $0x2000  }
0x9e: {  	[sflag:s1] =	ssyncset.done $0x0  }
0x9f: {  	[sflag:s1] =	ssyncadd.s32 $0xFFFFE000  }
0xa0: {  	_ =	swait.ge [sflag:s0], $0x2000  }
0xa1: {  	[sflag:s0] =	ssyncset.done $0x0  }
0xa2: {  	[sflag:s0] =	ssyncadd.s32 $0xFFFFE000  }
0xa3: {  	_ =	swait.ge [sflag:s13], $0x2000  }
0xa4: {  	[sflag:s13] =	ssyncset.done $0x0  }
0xa5: {  	[sflag:s13] =	ssyncadd.s32 $0xFFFFE000  }
0xa6: {  	_ =	swait.ge [sflag:s3], $0x2000  }
0xa7: {  	[sflag:s3] =	ssyncset.done $0x0  }
0xa8: {  	[sflag:s3] =	ssyncadd.s32 $0xFFFFE000  }
0xa9: {  	_ =	swait.ge [sflag:s5], $0x2000  }
0xaa: {  	[sflag:s5] =	ssyncset.done $0x0  }
0xab: {  	[sflag:s5] =	ssyncadd.s32 $0xFFFFE000  }
0xac: {  	_ =	swait.ge [sflag:s7], $0x2000  }
0xad: {  	[sflag:s7] =	ssyncset.done $0x0  }
0xae: {  	[sflag:s7] =	ssyncadd.s32 $0xFFFFE000  }
.Ltmp0:
0xaf: {  	_ =	swait.ge [sflag:s8], $0x2000;
	(pc) =	sbr.rel @p0 .LBB2_2-.Ltmp0, $4  }
0xb0: {  	[sflag:s8] =	ssyncset.done $0x0  }
0xb1: {  	[sflag:s8] =	ssyncadd.s32 $0xFFFFE000  }
0xb2: {  	_ =	swait.ge [sflag:s9], $0x2000  }
0xb3: {  	s11 =	smov.u32 s10;
	[sflag:s9] =	ssyncset.done $0x0  }
0xb4: {  	s6 =	sshra.s32 s6, $0x2;
	[sflag:s9] =	ssyncadd.s32 $0xFFFFE000  }
0xb5: {  	[tilespmem:s15], [sflag:$0x1] =	stream.indirect.gather [hbm4b:s4+s14], $0x40, s6, s14, $0xb8;
	[tilespmem:$0x1EE00] =	vst v63  }
0xb6: {  	s10 =	sadd.s32 $0x80, s6  }
0xb7: {  	[tilespmem:s16], [sflag:$0x2] =	stream.indirect.gather [hbm4b:s4+s14], $0x40, s10, s14, $0xb8;
	[tilespmem:$0x1EE00] =	vst v63  }
0xb8: {  	s12 =	sadd.s32 $0x100, s6  }
0xb9: {  	[tilespmem:s17], [sflag:$0x3] =	stream.indirect.gather [hbm4b:s4+s14], $0x40, s12, s14, $0xb8;
	[tilespmem:$0x1EE00] =	vst v63  }
0xba: {  	s11 =	sadd.s32 $0x180, s6  }
0xbb: {  	[tilespmem:s18], [sflag:$0x4] =	stream.indirect.gather [hbm4b:s4+s14], $0x40, s11, s14, $0xb8;
	[tilespmem:$0x1EE00] =	vst v63  }
0xbc: {  	s12 =	sadd.s32 $0x200, s6  }
0xbd: {  	[tilespmem:s19], [sflag:$0x5] =	stream.indirect.gather [hbm4b:s4+s14], $0x40, s12, s14, $0xb8;
	[tilespmem:$0x1EE00] =	vst v63  }
0xbe: {  	s11 =	sadd.s32 $0x280, s6  }
0xbf: {  	[tilespmem:s20], [sflag:$0x6] =	stream.indirect.gather [hbm4b:s4+s14], $0x40, s11, s14, $0xb8;
	[tilespmem:$0x1EE00] =	vst v63  }
0xc0: {  	s12 =	sadd.s32 $0x300, s6  }
0xc1: {  	[tilespmem:s21], [sflag:$0x7] =	stream.indirect.gather [hbm4b:s4+s14], $0x40, s12, s14, $0xb8;
	[tilespmem:$0x1EE00] =	vst v63  }
0xc2: {  	s11 =	sadd.s32 $0x380, s6  }
0xc3: {  	[tilespmem:s22], [sflag:$0x8] =	stream.indirect.gather [hbm4b:s4+s14], $0x40, s11, s14, $0xb8;
	[tilespmem:$0x1EE00] =	vst v63  }
0xc4: {  	_ =	swait.ge [sflag:s23], $0x2000  }
0xc5: {  	[sflag:s23] =	ssyncset.done $0x0  }
0xc6: {  	s12 =	sadd.s32 $0x2800, s6;
	[sflag:s23] =	ssyncadd.s32 $0xFFFFE000  }
0xc7: {  	[spmem:s2] =	stream.indirect.scatter.add.f32 [tilespmem:s15], [sflag:$0x9], $0x40, s12, s14, $0xb8;
	[tilespmem:$0x1EE00] =	vst v63  }
0xc8: {  	_ =	swait.ge [sflag:s24], $0x2000  }
0xc9: {  	[sflag:s24] =	ssyncset.done $0x0  }
0xca: {  	s11 =	sadd.s32 $0x2880, s6;
	[sflag:s24] =	ssyncadd.s32 $0xFFFFE000  }
0xcb: {  	[spmem:s2] =	stream.indirect.scatter.add.f32 [tilespmem:s16], [sflag:$0xA], $0x40, s11, s14, $0xb8;
	[tilespmem:$0x1EE00] =	vst v63  }
0xcc: {  	_ =	swait.ge [sflag:s25], $0x2000  }
0xcd: {  	[sflag:s25] =	ssyncset.done $0x0  }
0xce: {  	s12 =	sadd.s32 $0x2900, s6;
	[sflag:s25] =	ssyncadd.s32 $0xFFFFE000  }
0xcf: {  	[spmem:s2] =	stream.indirect.scatter.add.f32 [tilespmem:s17], [sflag:$0xB], $0x40, s12, s14, $0xb8;
	[tilespmem:$0x1EE00] =	vst v63  }
0xd0: {  	_ =	swait.ge [sflag:s26], $0x2000  }
0xd1: {  	[sflag:s26] =	ssyncset.done $0x0  }
0xd2: {  	s11 =	sadd.s32 $0x2980, s6;
	[sflag:s26] =	ssyncadd.s32 $0xFFFFE000  }
0xd3: {  	[spmem:s2] =	stream.indirect.scatter.add.f32 [tilespmem:s18], [sflag:$0xC], $0x40, s11, s14, $0xb8;
	[tilespmem:$0x1EE00] =	vst v63  }
0xd4: {  	_ =	swait.ge [sflag:s28], $0x2000  }
0xd5: {  	[sflag:s28] =	ssyncset.done $0x0  }
0xd6: {  	s12 =	sadd.s32 $0x2A00, s6;
	[sflag:s28] =	ssyncadd.s32 $0xFFFFE000  }
0xd7: {  	[spmem:s2] =	stream.indirect.scatter.add.f32 [tilespmem:s19], [sflag:$0xD], $0x40, s12, s14, $0xb8;
	[tilespmem:$0x1EE00] =	vst v63  }
0xd8: {  	_ =	swait.ge [sflag:s29], $0x2000  }
0xd9: {  	[sflag:s29] =	ssyncset.done $0x0  }
0xda: {  	s11 =	sadd.s32 $0x2A80, s6;
	[sflag:s29] =	ssyncadd.s32 $0xFFFFE000  }
0xdb: {  	[spmem:s2] =	stream.indirect.scatter.add.f32 [tilespmem:s20], [sflag:$0xE], $0x40, s11, s14, $0xb8;
	[tilespmem:$0x1EE00] =	vst v63  }
0xdc: {  	_ =	swait.ge [sflag:s30], $0x2000  }
0xdd: {  	[sflag:s30] =	ssyncset.done $0x0  }
0xde: {  	s12 =	sadd.s32 $0x2B00, s6;
	[sflag:s30] =	ssyncadd.s32 $0xFFFFE000  }
0xdf: {  	[spmem:s2] =	stream.indirect.scatter.add.f32 [tilespmem:s21], [sflag:$0xF], $0x40, s12, s14, $0xb8;
	[tilespmem:$0x1EE00] =	vst v63  }
0xe0: {  	_ =	swait.ge [sflag:s31], $0x2000  }
0xe1: {  	[sflag:s31] =	ssyncset.done $0x0  }
0xe2: {  	s6 =	sadd.s32 $0x2B80, s6;
	[sflag:s31] =	ssyncadd.s32 $0xFFFFE000  }
0xe3: {  	[spmem:s2] =	stream.indirect.scatter.add.f32 [tilespmem:s22], [sflag:$0x10], $0x40, s6, s14, $0xb8;
	[tilespmem:$0x1EE00] =	vst v63  }
0xe4: {  	_ =	swait.ge [sflag:s1], $0x2000  }
0xe5: {  	[sflag:s1] =	ssyncset.done $0x0  }
0xe6: {  	[sflag:s1] =	ssyncadd.s32 $0xFFFFE000  }
0xe7: {  	_ =	swait.ge [sflag:s0], $0x2000  }
0xe8: {  	[sflag:s0] =	ssyncset.done $0x0  }
0xe9: {  	[sflag:s0] =	ssyncadd.s32 $0xFFFFE000  }
0xea: {  	_ =	swait.ge [sflag:s13], $0x2000  }
0xeb: {  	[sflag:s13] =	ssyncset.done $0x0  }
0xec: {  	[sflag:s13] =	ssyncadd.s32 $0xFFFFE000  }
0xed: {  	_ =	swait.ge [sflag:s3], $0x2000  }
0xee: {  	[sflag:s3] =	ssyncset.done $0x0  }
0xef: {  	[sflag:s3] =	ssyncadd.s32 $0xFFFFE000  }
0xf0: {  	_ =	swait.ge [sflag:s5], $0x2000  }
0xf1: {  	[sflag:s5] =	ssyncset.done $0x0  }
0xf2: {  	[sflag:s5] =	ssyncadd.s32 $0xFFFFE000  }
0xf3: {  	_ =	swait.ge [sflag:s7], $0x2000  }
0xf4: {  	[sflag:s7] =	ssyncset.done $0x0  }
0xf5: {  	[sflag:s7] =	ssyncadd.s32 $0xFFFFE000  }
0xf6: {  	_ =	swait.ge [sflag:s8], $0x2000  }
0xf7: {  	[sflag:s8] =	ssyncset.done $0x0  }
0xf8: {  	[sflag:s8] =	ssyncadd.s32 $0xFFFFE000  }
0xf9: {  	_ =	swait.ge [sflag:s9], $0x2000  }
0xfa: {  	[sflag:s9] =	ssyncset.done $0x0  }
0xfb: {  	[sflag:s9] =	ssyncadd.s32 $0xFFFFE000  }
0xfc: {  	[bflag:$0x0] =	sbarrier.arrive $0xFFFF  }
0xfd: {  	s6 =	rddreg [dreg:$0x4]  }
0xfe: {  	s12 =	rddreg [dreg:$0x7]  }
0xff: {  	s11 =	rddreg [dreg:$0x9]  }
0x100: {  	[hbm:s12], [sflag:s6] =	dma.local [spmem:s11], $0x13C0  }
0x101: {  	s12 =	simm.s32 $0x11  }
0x102: {  	_ =	swait.ge [sflag:s12], $0x13C0  }
0x103: {  	s6 =	rddreg [dreg:$0xa]  }
0x104: {  	s10 =	sadd.s32 $0x1, s6;
	s6 =	rddreg [dreg:$0x8]  }
0x105: {  	p0 =	sne.s32 s10, s6  }
.Ltmp1:
0x106: {  	_ = 	snop;
	(pc) =	sbr.rel @p0 .LBB2_1-.Ltmp1, $3  }
0x107: {  	_ =	sdelay $0x1  }
0x108: {  	[sflag:s12] =	ssyncset.done $0x0;
	[dreg:$0xa] =	wrdreg s10  }
0x109: {  	[sflag:s12] =	ssyncadd.s32 $0xFFFFEC40;
	s10 =	rddreg [dreg:$0x4]  }
0x10a: {  	_ =	sfence.sel $0x180000  }
0x10b: {  	[bflag:$0x0] =	sbarrier.arrive $0xFFFF  }
0x10c: {  	_ =	strace $0x9000004D  }
0x10d: {  	s0 =	stileid.u32;
	[bflag:$0x2] =	sbarrier.arrive $0xFFFF  }
0x10e: {  	p0 =	sne.s32 s0, $0x0;
	s0 =	rddreg [dreg:$0x2]  }
0x10f: {  	s0 =	sadd.s32 @!p0 $0x100000, s0  }
0x110: {  	[sflag:s0] =	ssyncadd.tile.s32 @!p0 $0x1;
	_ =	shalt  }
.Lfunc_end2:
_tile_overlayer_lowered:
.L_overlay_start_2:
0x111: {  	(tag) =	ssettag $0x2  }
0x112: {  	s0 =	rddreg [dreg:$0x0];
	s2 =	stileid.u32  }
0x113: {  	s1 =	rddreg [dreg:$0x1];
	p0 =	sne.s32 s2, $0x0  }
0x114: {  	s3 =	rddreg [dreg:$0x2];
	[bflag:$0x3] =	sbarrier.arrive $0xFFFF;
	s2 =	simm.s32 @!p0 $0x1C11  }
0x115: {  	[timem:s3], [sflag:s2] =	dma.local @!p0 [hbm:s0], s1  }
0x116: {  	s0 =	simm.s32 @!p0 $0x11  }
0x117: {  	_ =	swait.ge @!p0 [sflag:s0], s1  }
0x118: {  	s1 =	ssub.s32 @!p0 $0x0, s1;
	[sflag:s0] =	ssyncset.done @!p0 $0x0  }
0x119: {  	[sflag:s0] =	ssyncadd.s32 @!p0 s1  }
0x11a: {  	[bflag:$0x3] =	sbarrier.arrive $0xFFFF  }
0x11b: {  	_ =	shalt  }

// kernel: kernel.9.cloned.1.call-start
scs
__scs_entry_jumppad:
0x0: {  	(pc) =	sbr.rel $0x88, $3  }
0x1: {  	(tag) =	ssettag $0x0;
	lr =	simm.s32 $0x1  }
0x2: {  	[smem:$0x3F97] =	sst lr;
	_ =	strace $0xD0000000  }
0x3: {  	_ = 	snop  }
0x4: {  	_ = 	snop  }
0x5: {  	_ = 	snop  }
0x6: {  	_ = 	snop  }
0x7: {  	_ = 	snop  }
__scs_overlays_trampoline_lowered:
0x8: {  	[smem:$0x3FA6] =	sst s0  }
0x9: {  	[smem:$0x3FA7] =	sst s1  }
0xa: {  	[smem:$0x3FA8] =	sst s2  }
0xb: {  	[smem:$0x3FA9] =	sst s3  }
0xc: {  	[smem:$0x3FAA] =	sst s4  }
0xd: {  	[smem:$0x3FAB] =	sst s5  }
0xe: {  	[smem:$0x3FAC] =	sst s6  }
0xf: {  	[smem:$0x3FAD] =	sst s7  }
0x10: {  	[smem:$0x3FAE] =	sst s8  }
0x11: {  	[smem:$0x3FAF] =	sst s9;
	s0 =	simm.s32 @!p0 $0x0  }
0x12: {  	s1 =	sld [smem:$0x3F95];
	s0 =	simm.s32 @p0 $0x1  }
0x13: {  	[smem:$0x3FB0] =	sst s0;
	s0 =	simm.s32 @!p1 $0x0  }
0x14: {  	s2 =	sld [smem:$0x3F94];
	s0 =	simm.s32 @p1 $0x1  }
0x15: {  	[smem:$0x3FB1] =	sst s0;
	s0 =	simm.s32 @!p2 $0x0  }
0x16: {  	s3 =	sld [smem:$0x3FDB];
	s0 =	simm.s32 @p2 $0x1  }
0x17: {  	s4 =	simm.s32 $0x1BF5;
	[smem:$0x3FB3] =	sst s0  }
0x18: {  	s0 =	sld [smem:$0x3F96];
	_ =	swait.ge [sflag:s4], $0x0  }
0x19: {  	s7 =	sld [smem:$0x3F97]  }
0x1a: {  	s8 =	sadd.s32 $0xFFFFE003, lr  }
0x1b: {  	s9 =	sadd.s32 $0xFFFFFEF7, lr;
	s5 =	simm.s32 $0xFFFFFFFF;
	p2 =	slt.u32 s8, $0xFFFFF086  }
0x1c: {  	p1 =	slt.u32 s9, $0xF7A;
	s5 =	simm.s32 @!p2 $0x0  }
0x1d: {  	s5 =	simm.s32 @p1 $0x1;
	p0 =	seq.s32 s7, s2  }
0x1e: {  	s7 =	smul.u32 @!p0 $0xF7A, s2;
	p2 =	seq.s32 @!p0 s5, $0x0  }
0x1f: {  	s9 =	smul.u32 $0xF7A, s1;
	s8 =	simm.s32 @!p0 $0x1BF5;
	p2 =	por !p2, p0  }
0x20: {  	[sflag:s8] =	ssyncset.s32 @!p0 $0xFFFFF086;
	s6 =	sadd.s32 @!p0 s3, s7;
	s7 =	simm.s32 @!p0 $0x108  }
0x21: {  	s3 =	sadd.s32 s3, s9;
	s6 =	sadd.s32 @!p0 $0x88, s6;
	s7 =	simm.s32 @p2 $0x1082  }
0x22: {  	[simem:s7], [sflag:s8] =	dma.local @!p0 [hbm:s6], $0xF7A  }
0x23: {  	s9 =	sor.u32 $0xD0000000, s2;
	s6 =	simm.s32 $0x108;
	_ =	swait.ge @!p0 [sflag:s8], $0x0  }
0x24: {  	s3 =	sadd.s32 $0x88, s3;
	s6 =	simm.s32 @!p1 $0x1082;
	[sflag:s4] =	ssyncset.s32 $0xFFFFF086  }
0x25: {  	[simem:s6], [sflag:s4] =	dma.local [hbm:s3], $0xF7A  }
0x26: {  	[smem:$0x3F97] =	sst s1;
	(tag) =	ssettag s2;
	_ =	strace s9  }
0x27: {  	s1 =	sld [smem:$0x3FA7]  }
0x28: {  	s2 =	sld [smem:$0x3FA8]  }
0x29: {  	s4 =	sld [smem:$0x3FAA]  }
0x2a: {  	p0 =	seq.s32 s5, $0x0;
	s5 =	sld [smem:$0x3FAB]  }
0x2b: {  	s6 =	sld [smem:$0x3FAC]  }
0x2c: {  	s7 =	sld [smem:$0x3FAD]  }
0x2d: {  	s3 =	simm.s32 $0x108;
	s8 =	sld [smem:$0x3FAE]  }
0x2e: {  	s3 =	simm.s32 @!p0 $0x1082;
	s9 =	sld [smem:$0x3FAF]  }
0x2f: {  	lr =	sadd.s32 s0, s3;
	s0 =	sld [smem:$0x3FA6]  }
0x30: {  	s3 =	sld [smem:$0x3FA9]  }
0x31: {  	[smem:$0x3FB2] =	sst s10  }
0x32: {  	s10 =	sld [smem:$0x3FB0];
	_ =	sdelay $0x3  }
0x33: {  	p0 =	seq.s32 s10, $0x1;
	s10 =	sld [smem:$0x3FB2];
	_ =	sdelay $0x3  }
0x34: {  	[smem:$0x3FB2] =	sst s10  }
0x35: {  	s10 =	sld [smem:$0x3FB1];
	_ =	sdelay $0x3  }
0x36: {  	p1 =	seq.s32 s10, $0x1;
	s10 =	sld [smem:$0x3FB2];
	_ =	sdelay $0x3  }
0x37: {  	[smem:$0x3FB2] =	sst s10  }
0x38: {  	s10 =	sld [smem:$0x3FB3]  }
0x39: {  	_ = 	snop;
	(pc) =	sbr.ind lr, $3  }
0x3a: {  	_ = 	snop  }
0x3b: {  	_ = 	snop  }
0x3c: {  	p2 =	seq.s32 s10, $0x1;
	s10 =	sld [smem:$0x3FB2]  }
0x3d: {  	_ =	shalt  }
0x3e: {  	_ =	shalt  }
0x3f: {  	_ =	shalt  }
0x40: {  	_ =	shalt  }
0x41: {  	_ =	shalt  }
0x42: {  	_ =	shalt  }
0x43: {  	_ =	shalt  }
0x44: {  	_ =	shalt  }
0x45: {  	_ =	shalt  }
0x46: {  	_ =	shalt  }
0x47: {  	_ =	shalt  }
0x48: {  	_ =	shalt  }
0x49: {  	_ =	shalt  }
0x4a: {  	_ =	shalt  }
0x4b: {  	_ =	shalt  }
0x4c: {  	_ =	shalt  }
0x4d: {  	_ =	shalt  }
0x4e: {  	_ =	shalt  }
0x4f: {  	_ =	shalt  }
0x50: {  	_ =	shalt  }
0x51: {  	_ =	shalt  }
0x52: {  	_ =	shalt  }
0x53: {  	_ =	shalt  }
0x54: {  	_ =	shalt  }
0x55: {  	_ =	shalt  }
0x56: {  	_ =	shalt  }
0x57: {  	_ =	shalt  }
0x58: {  	_ =	shalt  }
0x59: {  	_ =	shalt  }
0x5a: {  	_ =	shalt  }
0x5b: {  	_ =	shalt  }
0x5c: {  	_ =	shalt  }
0x5d: {  	_ =	shalt  }
0x5e: {  	_ =	shalt  }
0x5f: {  	_ =	shalt  }
0x60: {  	_ =	shalt  }
0x61: {  	_ =	shalt  }
0x62: {  	_ =	shalt  }
0x63: {  	_ =	shalt  }
0x64: {  	_ =	shalt  }
0x65: {  	_ =	shalt  }
0x66: {  	_ =	shalt  }
0x67: {  	_ =	shalt  }
0x68: {  	_ =	shalt  }
0x69: {  	_ =	shalt  }
0x6a: {  	_ =	shalt  }
0x6b: {  	_ =	shalt  }
0x6c: {  	_ =	shalt  }
0x6d: {  	_ =	shalt  }
0x6e: {  	_ =	shalt  }
0x6f: {  	_ =	shalt  }
0x70: {  	_ =	shalt  }
0x71: {  	_ =	shalt  }
0x72: {  	_ =	shalt  }
0x73: {  	_ =	shalt  }
0x74: {  	_ =	shalt  }
0x75: {  	_ =	shalt  }
0x76: {  	_ =	shalt  }
0x77: {  	_ =	shalt  }
0x78: {  	_ =	shalt  }
0x79: {  	_ =	shalt  }
0x7a: {  	_ =	shalt  }
0x7b: {  	_ =	shalt  }
0x7c: {  	_ =	shalt  }
0x7d: {  	_ =	shalt  }
0x7e: {  	_ =	shalt  }
0x7f: {  	_ =	shalt  }
0x80: {  	_ =	shalt  }
0x81: {  	_ =	shalt  }
0x82: {  	_ =	shalt  }
0x83: {  	_ =	shalt  }
0x84: {  	_ =	shalt  }
0x85: {  	_ =	shalt  }
0x86: {  	_ =	shalt  }
0x87: {  	_ =	shalt  }
.Lfunc_end0:
.L_simem_size_0:
called_computation_lowered:
.L_overlay_start_0:
0x88: {  	s2 =	sld [smem:$0x3FD9]  }
0x89: {  	s3 =	sld [smem:$0x3FFE];
	_ =	sdelay $0x1  }
0x8a: {  	s1 =	srdreg.scid  }
0x8b: {  	s0 =	sand.u32 $0x1, s1  }
0x8c: {  	s14 =	sshll.u32 s0, $0xA;
	s2 =	sadd.s32 s3, s2  }
0x8d: {  	s2 =	sadd.s32 s2, s14  }
0x8e: {  	[smem:$0x3FBE] =	sst s2  }
0x8f: {  	_ = 	snop  }
0x90: {  	s2 =	sld [smem:$0x3FD0];
	_ =	sdelay $0x2  }
0x91: {  	s15 =	simm.s32 $0xA;
	s4 =	simm.s32 $0x10  }
0x92: {  	[smem:s4], [sflag:s15] =	dma.local [hbm:s2], $0x1  }
0x93: {  	_ =	swait.eq [sflag:s15], $0x1  }
0x94: {  	[sflag:s15] =	ssyncset.done $0x0  }
0x95: {  	[sflag:s15] =	ssyncadd.s32 $0xFFFFFFFF  }
0x96: {  	s16 =	sld [smem:$0x10];
	(tm) =	ssettm $0x1  }
0x97: {  	s17 =	sld [smem:$0x3FFB];
	_ =	sdelay $0x3  }
0x98: {  	_ =	strace s17  }
0x99: {  	s3 =	sld [smem:$0x3FFC];
	_ =	sdelay $0x3  }
0x9a: {  	_ =	strace s3  }
0x9b: {  	s3 =	sld [smem:$0x3FFD];
	_ =	sdelay $0x3  }
0x9c: {  	_ =	strace s3  }
0x9d: {  	_ =	strace $0x8FFFFFFF  }
0x9e: {  	s18 =	sld [smem:$0x3FDB];
	_ =	sdelay $0x1  }
0x9f: {  	s19 =	simm.s32 $_scs_section_size  }
0xa0: {  	s5 =	simm.s32 $_size__tile_overlayer_lowered;
	s6 =	simm.s32 $_tile_overlayer_lowered  }
0xa1: {  	s22 =	simm.s32 $0x1BFF;
	s21 =	sshll.u32 s6, $0x1;
	s3 =	sadd.s32 s19, s18  }
0xa2: {  	s7 =	simm.s32 $0x0;
	s20 =	sshll.u32 s5, $0x1;
	s5 =	sadd.s32 s21, s3  }
0xa3: {  	[timem:s7], [sflag:s22] =	dma.local [hbm:s5], s20  }
0xa4: {  	_ =	swait.ge [sflag:s22], s20  }
0xa5: {  	s4 =	ssub.s32 $0x0, s20;
	[sflag:s22] =	ssyncset.done $0x0  }
0xa6: {  	[sflag:s22] =	ssyncadd.s32 s4;
	_ =	sdelay $0x1  }
0xa7: {  	s23 =	simm.s32 $0x1B8B  }
0xa8: {  	_ =	swait.ge [sflag:s23], $0x1  }
0xa9: {  	[sflag:s23] =	ssyncset.done $0x0  }
0xaa: {  	s25 =	simm.s32 $0x1B8E;
	s24 =	sld [smem:$0x3FFE];
	[sflag:s23] =	ssyncadd.s32 $0xFFFFFFFF  }
0xab: {  	s26 =	simm.s32 $execute0_lowered;
	[smem:$0x3FD2] =	sst s25  }
0xac: {  	s5 =	sshll.u32 s26, $0x1;
	_ =	strace $0x80000046;
	[dreg:$0x1] =	wrdreg $0xFFFFFFFF  }
0xad: {  	s28 =	simm.s32 $_size_execute0_lowered;
	s3 =	sadd.s32 s3, s5;
	[dreg:$0x0] =	wrdreg $0x0  }
0xae: {  	s5 =	sshll.u32 s28, $0x1;
	[dreg:$0x2] =	wrdreg s3  }
0xaf: {  	[dreg:$0x3] =	wrdreg s5  }
0xb0: {  	[dreg:$0x4] =	wrdreg $0xC0  }
0xb1: {  	_ =	task [dreg:s7], $0x5FFFF  }
0xb2: {  	[dreg:$0x1] =	wrdreg $0xFFFFFFFF  }
0xb3: {  	[dreg:$0x0] =	wrdreg $0x60  }
0xb4: {  	[dreg:$0x2] =	wrdreg s24  }
0xb5: {  	[dreg:$0x3] =	wrdreg s16  }
0xb6: {  	[dreg:$0x4] =	wrdreg $0x30000  }
0xb7: {  	[dreg:$0x5] =	wrdreg $0x9  }
0xb8: {  	_ =	task.clear_ibuf [dreg:s7], $0x6FFFF;
	_ =	strace $0x90000046  }
0xb9: {  	s29 =	simm.s32 $0x9;
	_ =	strace $0x80000048  }
0xba: {  	_ =	swait.ge [sflag:s29], $0x1  }
0xbb: {  	[sflag:s29] =	ssyncadd.s32 $0xFFFFFFFF  }
0xbc: {  	_ =	strace $0x90000048  }
0xbd: {  	_ =	sfence  }
0xbe: {  	s30 =	sld [smem:$0x0];
	_ =	sdelay $0x2  }
0xbf: {  	s31 =	sshll.u32 s1, $0xD;
	s1 =	sshrl.u32 s1, $0x2  }
0xc0: {  	s3 =	sand.u32 $0x4000, s31;
	s1 =	sadd.s32 s1, s30  }
0xc1: {  	s0 =	sor.u32 s3, s0;
	s1 =	sshll.u32 s1, $0x11  }
0xc2: {  	s0 =	sor.u32 s1, s0  }
0xc3: {  	s0 =	sadd.s32 $0x8F2B, s0  }
0xc4: {  	[sflag:s0] =	ssyncadd.remote.s32 $0x1  }
0xc5: {  	_ =	sfence.sel $0xFFFF  }
0xc6: {  	[dreg:$0x0] =	wrdreg $0xFFFFFFFF;
	(pc) =	sbr.abs _section_cstart, $3  }
0xc7: {  	[dreg:$0x1] =	wrdreg $0xFFFFFFFF  }
0xc8: {  	_ =	task.clear_ibuf [dreg:s7], $0x2FFFF;
	_ =	strace $0x9FFFFFFF  }
0xc9: {  	(tm) =	ssettm $0x7FFFFFFF  }
tec
execute0_lowered:
.L_overlay_start_1:
0x0: {  	(tag) =	ssettag $0x1  }
0x1: {  	s1 =	srdreg.scid;
	s5 =	rddreg [dreg:$0x0]  }
0x2: {  	s0 =	stileid.u32;
	s2 =	rddreg [dreg:$0x1]  }
0x3: {  	s3 =	rddreg [dreg:$0x2];
	s4 =	simm.s32 $0x0;
	s13 =	simm.s32 $0x80  }
0x4: {  	s14 =	simm.s32 $0x1;
	s15 =	simm.s32 $0x0;
	s6 =	sand.u32 $0x1, s1  }
0x5: {  	s30 =	sshll.u32 s0, $0x1;
	s8 =	smul.u32 $0x2780, s0;
	[smem:$0x7FF] =	sst s4  }
0x6: {  	s31 =	sshll.u32 s0, $0x6;
	s1 =	sor.u32 s6, s30;
	s9 =	smul.u32 $0x27800, s6  }
0x7: {  	s6 =	ssub.s32 $0x2, s6;
	s7 =	smul.u32 $0x500, s1;
	s1 =	rddreg [dreg:$0x3]  }
0x8: {  	_ =	strace $0x80000047;
	s10 =	sshrl.u32 s8, $0x3;
	s11 =	sshrl.u32 s6, $0x1  }
0x9: {  	s12 =	sadd.s32 s8, s3;
	s9 =	sadd.s32 s8, s9;
	s10 =	sadd.s32 s10, s5  }
0xa: {  	s11 =	ssub.s32 s6, s11;
	s6 =	sor.u32 $0x1C02, s31;
	s9 =	sshrl.u32 s9, $0x3  }
0xb: {  	s7 =	sadd.s32 s7, s5;
	s9 =	sadd.s32 s9, s5;
	s5 =	sadd.s32 $0xB600, s10  }
0xc: {  	s7 =	sadd.s32 $0x1600, s7;
	s10 =	sshrl.u32 s12, $0x3;
	s12 =	simm.s32 $0x2800  }
0xd: {  	s8 =	sadd.s32 $0x10600, s9;
	s9 =	smax.u32 s11, $0x1;
	s11 =	simm.s32 $0x2  }
.LBB2_1:
0xe: {  	[spmem:s10], [sflag:s6] =	dma.local [hbm:s5], $0x4F0  }
0xf: {  	_ =	swait.ge [sflag:s11], $0x4F0  }
0x10: {  	[sflag:s11] =	ssyncset.done $0x0  }
0x11: {  	[sflag:s11] =	ssyncadd.s32 $0xFFFFFB10  }
0x12: {  	[tilespmem:s12], [sflag:$0x2] =	stream.linear.gather [hbm4b:s2+s4], $0x800, $0x38;
	[tilespmem:$0x5780] =	vst v63  }
0x13: {  	_ =	swait.ge [sflag:s11], $0x800  }
0x14: {  	[sflag:s11] =	ssyncset.done $0x0  }
0x15: {  	[sflag:s11] =	ssyncadd.s32 $0xFFFFF800  }
0x16: {  	[tilespmem:s4], [sflag:$0x2] =	stream.linear.gather [hbm4b:s7+s4], $0x2800, $0x38;
	[tilespmem:$0x5780] =	vst v63  }
0x17: {  	_ =	swait.ge [sflag:s11], $0x2800  }
0x18: {  	[sflag:s11] =	ssyncset.done $0x0  }
0x19: {  	[sflag:s11] =	ssyncadd.s32 $0xFFFFD800  }
0x1a: {  	s16 =	simm.s32 $0x0;
	[bflag:$0x0] =	sbarrier.arrive $0xFFFF  }
0x1b: {  	[spmem:s3] =	stream.indirect.scatter.add.f32 [tilespmem:s12], [sflag:$0x1], $0x10, s16, s13, $0xb8;
	[tilespmem:$0x5780] =	vst v63  }
0x1c: {  	s24 =	simm.s32 $0x80  }
0x1d: {  	[spmem:s3] =	stream.indirect.scatter.add.f32 [tilespmem:s12], [sflag:$0x1], $0x10, s24, s13, $0xb8;
	[tilespmem:$0x5780] =	vst v63  }
0x1e: {  	s25 =	simm.s32 $0x100  }
0x1f: {  	[spmem:s3] =	stream.indirect.scatter.add.f32 [tilespmem:s12], [sflag:$0x1], $0x10, s25, s13, $0xb8;
	[tilespmem:$0x5780] =	vst v63  }
0x20: {  	s26 =	simm.s32 $0x180  }
0x21: {  	[spmem:s3] =	stream.indirect.scatter.add.f32 [tilespmem:s12], [sflag:$0x1], $0x10, s26, s13, $0xb8;
	[tilespmem:$0x5780] =	vst v63  }
0x22: {  	s28 =	simm.s32 $0x200  }
0x23: {  	[spmem:s3] =	stream.indirect.scatter.add.f32 [tilespmem:s12], [sflag:$0x1], $0x10, s28, s13, $0xb8;
	[tilespmem:$0x5780] =	vst v63  }
0x24: {  	s29 =	simm.s32 $0x280  }
0x25: {  	[spmem:s3] =	stream.indirect.scatter.add.f32 [tilespmem:s12], [sflag:$0x1], $0x10, s29, s13, $0xb8;
	[tilespmem:$0x5780] =	vst v63  }
0x26: {  	s30 =	simm.s32 $0x300  }
0x27: {  	[spmem:s3] =	stream.indirect.scatter.add.f32 [tilespmem:s12], [sflag:$0x1], $0x10, s30, s13, $0xb8;
	[tilespmem:$0x5780] =	vst v63  }
0x28: {  	s31 =	simm.s32 $0x380  }
0x29: {  	[spmem:s3] =	stream.indirect.scatter.add.f32 [tilespmem:s12], [sflag:$0x1], $0x10, s31, s13, $0xb8;
	[tilespmem:$0x5780] =	vst v63  }
0x2a: {  	_ =	swait.ge [sflag:s14], $0x800  }
0x2b: {  	[sflag:s14] =	ssyncset.done $0x0  }
0x2c: {  	[sflag:s14] =	ssyncadd.s32 $0xFFFFF800  }
0x2d: {  	_ =	swait.ge [sflag:s14], $0x800  }
0x2e: {  	[sflag:s14] =	ssyncset.done $0x0  }
0x2f: {  	[sflag:s14] =	ssyncadd.s32 $0xFFFFF800  }
0x30: {  	_ =	swait.ge [sflag:s14], $0x800  }
0x31: {  	[sflag:s14] =	ssyncset.done $0x0  }
0x32: {  	[sflag:s14] =	ssyncadd.s32 $0xFFFFF800  }
0x33: {  	_ =	swait.ge [sflag:s14], $0x800  }
0x34: {  	[sflag:s14] =	ssyncset.done $0x0  }
0x35: {  	[sflag:s14] =	ssyncadd.s32 $0xFFFFF800  }
0x36: {  	_ =	swait.ge [sflag:s14], $0x800  }
0x37: {  	[sflag:s14] =	ssyncset.done $0x0  }
0x38: {  	[sflag:s14] =	ssyncadd.s32 $0xFFFFF800  }
0x39: {  	_ =	swait.ge [sflag:s14], $0x800  }
0x3a: {  	[sflag:s14] =	ssyncset.done $0x0  }
0x3b: {  	[sflag:s14] =	ssyncadd.s32 $0xFFFFF800  }
0x3c: {  	_ =	swait.ge [sflag:s14], $0x800  }
0x3d: {  	[sflag:s14] =	ssyncset.done $0x0  }
0x3e: {  	[sflag:s14] =	ssyncadd.s32 $0xFFFFF800  }
0x3f: {  	_ =	swait.ge [sflag:s14], $0x800  }
0x40: {  	s18 =	simm.s32 $0x2000;
	s16 =	simm.s32 $0x1000;
	[sflag:s14] =	ssyncset.done $0x0  }
.LBB2_2:
0x41: {  	s19 =	sshra.s32 s16, $0x2  }
0x42: {  	[sflag:s14] =	ssyncadd.s32 $0xFFFFF800;
	s16 =	smov.u32 s18;
	s17 =	sadd.s32 $0x1000, s18  }
0x43: {  	[spmem:s3] =	stream.indirect.scatter.add.f32 [tilespmem:s12], [sflag:$0x1], $0x10, s19, s13, $0xb8;
	[tilespmem:$0x5780] =	vst v63  }
0x44: {  	p0 =	sne.s32 s18, $0x9000;
	s18 =	sadd.s32 $0x80, s19  }
0x45: {  	[spmem:s3] =	stream.indirect.scatter.add.f32 [tilespmem:s12], [sflag:$0x1], $0x10, s18, s13, $0xb8;
	[tilespmem:$0x5780] =	vst v63  }
0x46: {  	s18 =	sadd.s32 $0x100, s19  }
0x47: {  	[spmem:s3] =	stream.indirect.scatter.add.f32 [tilespmem:s12], [sflag:$0x1], $0x10, s18, s13, $0xb8;
	[tilespmem:$0x5780] =	vst v63  }
0x48: {  	s18 =	sadd.s32 $0x180, s19  }
0x49: {  	[spmem:s3] =	stream.indirect.scatter.add.f32 [tilespmem:s12], [sflag:$0x1], $0x10, s18, s13, $0xb8;
	[tilespmem:$0x5780] =	vst v63  }
0x4a: {  	s18 =	sadd.s32 $0x200, s19  }
0x4b: {  	[spmem:s3] =	stream.indirect.scatter.add.f32 [tilespmem:s12], [sflag:$0x1], $0x10, s18, s13, $0xb8;
	[tilespmem:$0x5780] =	vst v63  }
0x4c: {  	s18 =	sadd.s32 $0x280, s19  }
0x4d: {  	[spmem:s3] =	stream.indirect.scatter.add.f32 [tilespmem:s12], [sflag:$0x1], $0x10, s18, s13, $0xb8;
	[tilespmem:$0x5780] =	vst v63  }
0x4e: {  	s18 =	sadd.s32 $0x300, s19  }
0x4f: {  	[spmem:s3] =	stream.indirect.scatter.add.f32 [tilespmem:s12], [sflag:$0x1], $0x10, s18, s13, $0xb8;
	[tilespmem:$0x5780] =	vst v63  }
0x50: {  	s18 =	sadd.s32 $0x380, s19  }
0x51: {  	[spmem:s3] =	stream.indirect.scatter.add.f32 [tilespmem:s12], [sflag:$0x1], $0x10, s18, s13, $0xb8;
	[tilespmem:$0x5780] =	vst v63  }
0x52: {  	_ =	swait.ge [sflag:s14], $0x800  }
0x53: {  	[sflag:s14] =	ssyncset.done $0x0  }
0x54: {  	[sflag:s14] =	ssyncadd.s32 $0xFFFFF800  }
0x55: {  	_ =	swait.ge [sflag:s14], $0x800  }
0x56: {  	[sflag:s14] =	ssyncset.done $0x0  }
0x57: {  	[sflag:s14] =	ssyncadd.s32 $0xFFFFF800  }
0x58: {  	_ =	swait.ge [sflag:s14], $0x800  }
0x59: {  	[sflag:s14] =	ssyncset.done $0x0  }
0x5a: {  	[sflag:s14] =	ssyncadd.s32 $0xFFFFF800  }
0x5b: {  	_ =	swait.ge [sflag:s14], $0x800  }
0x5c: {  	[sflag:s14] =	ssyncset.done $0x0  }
0x5d: {  	[sflag:s14] =	ssyncadd.s32 $0xFFFFF800  }
0x5e: {  	_ =	swait.ge [sflag:s14], $0x800  }
0x5f: {  	[sflag:s14] =	ssyncset.done $0x0  }
0x60: {  	[sflag:s14] =	ssyncadd.s32 $0xFFFFF800  }
0x61: {  	_ =	swait.ge [sflag:s14], $0x800  }
0x62: {  	[sflag:s14] =	ssyncset.done $0x0  }
0x63: {  	[sflag:s14] =	ssyncadd.s32 $0xFFFFF800  }
.Ltmp0:
0x64: {  	_ =	swait.ge [sflag:s14], $0x800;
	(pc) =	sbr.rel @p0 .LBB2_2-.Ltmp0, $4  }
0x65: {  	[sflag:s14] =	ssyncset.done $0x0  }
0x66: {  	[sflag:s14] =	ssyncadd.s32 $0xFFFFF800  }
0x67: {  	_ =	swait.ge [sflag:s14], $0x800  }
0x68: {  	s18 =	smov.u32 s17;
	[sflag:s14] =	ssyncset.done $0x0  }
0x69: {  	s16 =	sshra.s32 s16, $0x2;
	[sflag:s14] =	ssyncadd.s32 $0xFFFFF800  }
0x6a: {  	[spmem:s3] =	stream.indirect.scatter.add.f32 [tilespmem:s12], [sflag:$0x1], $0x10, s16, s13, $0xb8;
	[tilespmem:$0x5780] =	vst v63  }
0x6b: {  	s17 =	sadd.s32 $0x80, s16  }
0x6c: {  	[spmem:s3] =	stream.indirect.scatter.add.f32 [tilespmem:s12], [sflag:$0x1], $0x10, s17, s13, $0xb8;
	[tilespmem:$0x5780] =	vst v63  }
0x6d: {  	s26 =	sadd.s32 $0x100, s16  }
0x6e: {  	[spmem:s3] =	stream.indirect.scatter.add.f32 [tilespmem:s12], [sflag:$0x1], $0x10, s26, s13, $0xb8;
	[tilespmem:$0x5780] =	vst v63  }
0x6f: {  	s28 =	sadd.s32 $0x180, s16  }
0x70: {  	[spmem:s3] =	stream.indirect.scatter.add.f32 [tilespmem:s12], [sflag:$0x1], $0x10, s28, s13, $0xb8;
	[tilespmem:$0x5780] =	vst v63  }
0x71: {  	s29 =	sadd.s32 $0x200, s16  }
0x72: {  	[spmem:s3] =	stream.indirect.scatter.add.f32 [tilespmem:s12], [sflag:$0x1], $0x10, s29, s13, $0xb8;
	[tilespmem:$0x5780] =	vst v63  }
0x73: {  	s30 =	sadd.s32 $0x280, s16  }
0x74: {  	[spmem:s3] =	stream.indirect.scatter.add.f32 [tilespmem:s12], [sflag:$0x1], $0x10, s30, s13, $0xb8;
	[tilespmem:$0x5780] =	vst v63  }
0x75: {  	s31 =	sadd.s32 $0x300, s16  }
0x76: {  	[spmem:s3] =	stream.indirect.scatter.add.f32 [tilespmem:s12], [sflag:$0x1], $0x10, s31, s13, $0xb8;
	[tilespmem:$0x5780] =	vst v63  }
0x77: {  	s16 =	sadd.s32 $0x380, s16  }
0x78: {  	[spmem:s3] =	stream.indirect.scatter.add.f32 [tilespmem:s12], [sflag:$0x1], $0x10, s16, s13, $0xb8;
	[tilespmem:$0x5780] =	vst v63  }
0x79: {  	_ =	swait.ge [sflag:s14], $0x800  }
0x7a: {  	[sflag:s14] =	ssyncset.done $0x0  }
0x7b: {  	[sflag:s14] =	ssyncadd.s32 $0xFFFFF800  }
0x7c: {  	_ =	swait.ge [sflag:s14], $0x800  }
0x7d: {  	[sflag:s14] =	ssyncset.done $0x0  }
0x7e: {  	[sflag:s14] =	ssyncadd.s32 $0xFFFFF800  }
0x7f: {  	_ =	swait.ge [sflag:s14], $0x800  }
0x80: {  	[sflag:s14] =	ssyncset.done $0x0  }
0x81: {  	[sflag:s14] =	ssyncadd.s32 $0xFFFFF800  }
0x82: {  	_ =	swait.ge [sflag:s14], $0x800  }
0x83: {  	[sflag:s14] =	ssyncset.done $0x0  }
0x84: {  	[sflag:s14] =	ssyncadd.s32 $0xFFFFF800  }
0x85: {  	_ =	swait.ge [sflag:s14], $0x800  }
0x86: {  	[sflag:s14] =	ssyncset.done $0x0  }
0x87: {  	[sflag:s14] =	ssyncadd.s32 $0xFFFFF800  }
0x88: {  	_ =	swait.ge [sflag:s14], $0x800  }
0x89: {  	[sflag:s14] =	ssyncset.done $0x0  }
0x8a: {  	[sflag:s14] =	ssyncadd.s32 $0xFFFFF800  }
0x8b: {  	_ =	swait.ge [sflag:s14], $0x800  }
0x8c: {  	[sflag:s14] =	ssyncset.done $0x0  }
0x8d: {  	[sflag:s14] =	ssyncadd.s32 $0xFFFFF800  }
0x8e: {  	_ =	swait.ge [sflag:s14], $0x800  }
0x8f: {  	s15 =	sadd.s32 $0x1, s15;
	[sflag:s14] =	ssyncset.done $0x0  }
0x90: {  	p0 =	sne.s32 s15, s9;
	[sflag:s14] =	ssyncadd.s32 $0xFFFFF800  }
.Ltmp1:
0x91: {  	[bflag:$0x0] =	sbarrier.arrive $0xFFFF;
	(pc) =	sbr.rel @p0 .LBB2_1-.Ltmp1, $4  }
0x92: {  	[hbm:s8], [sflag:s6] =	dma.local [spmem:s10], $0x4F0  }
0x93: {  	_ =	swait.ge [sflag:s11], $0x4F0  }
0x94: {  	[sflag:s11] =	ssyncset.done $0x0  }
0x95: {  	[sflag:s11] =	ssyncadd.s32 $0xFFFFFB10  }
0x96: {  	_ =	sfence.sel $0x180000  }
0x97: {  	[bflag:$0x0] =	sbarrier.arrive $0xFFFF  }
0x98: {  	p0 =	sne.s32 s0, $0x0;
	_ =	strace $0x90000047  }
0x99: {  	s0 =	sadd.s32 @!p0 $0x100000, s1;
	[bflag:$0x2] =	sbarrier.arrive $0xFFFF  }
0x9a: {  	[sflag:s0] =	ssyncadd.tile.s32 @!p0 $0x1;
	_ =	shalt  }
.Lfunc_end2:
_tile_overlayer_lowered:
.L_overlay_start_2:
0x9b: {  	(tag) =	ssettag $0x2  }
0x9c: {  	s0 =	rddreg [dreg:$0x0];
	s2 =	stileid.u32  }
0x9d: {  	s1 =	rddreg [dreg:$0x1];
	p0 =	sne.s32 s2, $0x0  }
0x9e: {  	s3 =	rddreg [dreg:$0x2];
	[bflag:$0x3] =	sbarrier.arrive $0xFFFF;
	s2 =	simm.s32 @!p0 $0x1C02  }
0x9f: {  	[timem:s3], [sflag:s2] =	dma.local @!p0 [hbm:s0], s1  }
0xa0: {  	s0 =	simm.s32 @!p0 $0x2  }
0xa1: {  	_ =	swait.ge @!p0 [sflag:s0], s1  }
0xa2: {  	s1 =	ssub.s32 @!p0 $0x0, s1;
	[sflag:s0] =	ssyncset.done @!p0 $0x0  }
0xa3: {  	[sflag:s0] =	ssyncadd.s32 @!p0 s1  }
0xa4: {  	[bflag:$0x3] =	sbarrier.arrive $0xFFFF  }
0xa5: {  	_ =	shalt  }

</sc_bundles>
